<compile_context>
chip_gen: v7x
topology: tpu7x:2x2x1
jax: 0.10.2.dev20260603
libtpu: 0.0.44.dev20260713+nightly
codegen_flags: <defaults>
</compile_context>

<pallas_src>
import jax
import jax.numpy as jnp
from jax import lax
from jax.experimental import pallas as pl
from jax.experimental.pallas import tpu as pltpu
from jax.experimental.pallas import tpu_sc as plsc

B = 16384
D = 16
PACK = 8
NC, NS = 2, 16
NW = NC * NS
BPW = B // NW
CHUNK = 128
NCH = BPW // CHUNK
PPW = BPW // PACK


def _gather_body(qu_h, qi_h, ou_h, oi_h, um_t, im_t, ug_t, ig_t,
                 um_o, im_o, gm_o,
                 qu_v, qi_v, ou_v, oi_v, ou_sh, oi_sh, ou_s, oi_s, pk0, pk1,
                 um_v, im_v, gm_v, sem0, sem1):
    sid = lax.axis_index("s")
    wid = sid * NC + lax.axis_index("c")
    base = wid * BPW
    in_sl = pl.ds(base, BPW)
    pltpu.sync_copy(qu_h.at[in_sl], qu_v)
    pltpu.sync_copy(qi_h.at[in_sl], qi_v)
    pltpu.sync_copy(ou_h.at[in_sl], ou_v)
    pltpu.sync_copy(oi_h.at[in_sl], oi_v)
    pltpu.sync_copy(ou_v, ou_sh.at[sid])
    pltpu.sync_copy(oi_v, oi_sh.at[sid])
    pltpu.sync_copy(ou_sh.at[sid], ou_s)
    pltpu.sync_copy(oi_sh.at[sid], oi_s)

    tables = (um_t, im_t, ug_t, ig_t)
    qids = (qu_v, qi_v, qu_v, qi_v)
    offs = (ou_s, oi_s, ou_s, oi_s)
    dsts = (um_v, im_v, gm_v, gm_v)
    bufs = (pk0, pk1)
    sems = (sem0, sem1)
    nslot = 4 * NCH

    def fire(s):
        t, c = s // NCH, s % NCH
        return pltpu.async_copy(
            tables[t].at[qids[t].at[pl.ds(c * CHUNK, CHUNK)]],
            bufs[s % 2], sems[s % 2])

    def extract(s):
        t, c = s // NCH, s % NCH
        buf, off_s, dst = bufs[s % 2], offs[t], dsts[t]

        def body(r, _):
            o = off_s[c * CHUNK + r]
            v = buf[r, pl.ds(o, D)]
            orow = c * (CHUNK // PACK) + lax.shift_right_logical(r, 3)
            ocol = lax.shift_left(lax.rem(r, PACK), 4)
            if t < 3:
                dst[orow, pl.ds(ocol, D)] = v
            else:
                dst[orow, pl.ds(ocol, D)] = dst[orow, pl.ds(ocol, D)] * v
            return 0

        lax.fori_loop(0, CHUNK, body, 0)

    cp = fire(0)
    for s in range(nslot):
        nxt = fire(s + 1) if s + 1 < nslot else None
        cp.wait()
        extract(s)
        cp = nxt

    out_sl = pl.ds(wid * PPW, PPW)
    pltpu.sync_copy(um_v, um_o.at[out_sl])
    pltpu.sync_copy(im_v, im_o.at[out_sl])
    pltpu.sync_copy(gm_v, gm_o.at[out_sl])


def _make_gather():
    return pl.kernel(
        _gather_body,
        out_type=tuple(
            jax.ShapeDtypeStruct((B // PACK, PACK * D), jnp.float32)
            for _ in range(3)),
        mesh=plsc.VectorSubcoreMesh(core_axis_name="c", subcore_axis_name="s"),
        scratch_types=[
            pltpu.VMEM((BPW,), jnp.int32),
            pltpu.VMEM((BPW,), jnp.int32),
            pltpu.VMEM((BPW,), jnp.int32),
            pltpu.VMEM((BPW,), jnp.int32),
            pltpu.VMEM_SHARED((NS, BPW), jnp.int32),
            pltpu.VMEM_SHARED((NS, BPW), jnp.int32),
            pltpu.SMEM((BPW,), jnp.int32),
            pltpu.SMEM((BPW,), jnp.int32),
            pltpu.VMEM((CHUNK, PACK * D), jnp.float32),
            pltpu.VMEM((CHUNK, PACK * D), jnp.float32),
            pltpu.VMEM((PPW, PACK * D), jnp.float32),
            pltpu.VMEM((PPW, PACK * D), jnp.float32),
            pltpu.VMEM((PPW, PACK * D), jnp.float32),
            pltpu.SemaphoreType.DMA,
            pltpu.SemaphoreType.DMA,
        ],
    )


def _mlp_body(um, im, gm, w1u, w1i, b1, w2, b2, wl, out):
    f32 = jnp.float32
    h = jnp.dot(um[...], w1u[...], preferred_element_type=f32)
    h = h + jnp.dot(im[...], w1i[...], preferred_element_type=f32)
    h = jax.nn.relu(h + b1[...])
    h2 = jax.nn.relu(
        jnp.dot(h, w2[...], preferred_element_type=f32) + b2[...])
    feats = jnp.concatenate([h2, gm[...]], axis=1)
    out[...] = jnp.dot(feats, wl[...], preferred_element_type=f32)


def kernel(user_indices, item_indices, user_emb_gmf, item_emb_gmf,
           user_emb_mlp, item_emb_mlp, W1, b1, W2, b2, Wl, bl):
    qu = lax.shift_right_logical(user_indices, 3)
    qi = lax.shift_right_logical(item_indices, 3)
    ou = lax.shift_left(user_indices & 7, 4)
    oi = lax.shift_left(item_indices & 7, 4)
    def _pack(t):
        return jnp.transpose(t.T.reshape(D, -1, PACK), (1, 2, 0)).reshape(
            -1, PACK * D)

    umq = _pack(user_emb_mlp)
    imq = _pack(item_emb_mlp)
    ugq = _pack(user_emb_gmf)
    igq = _pack(item_emb_gmf)

    um, im, gm = _make_gather()(qu, qi, ou, oi, umq, imq, ugq, igq)

    eye = jnp.eye(PACK, dtype=jnp.float32)
    w1u = jnp.kron(eye, W1[:D])
    w1i = jnp.kron(eye, W1[D:])
    b1b = jnp.tile(b1, PACK).reshape(1, -1)
    w2b = jnp.kron(eye, W2)
    b2b = jnp.tile(b2, PACK).reshape(1, -1)
    wlb = jnp.concatenate([jnp.kron(eye, Wl[:D]), jnp.kron(eye, Wl[D:])],
                          axis=0)

    out_p = pl.pallas_call(
        _mlp_body,
        out_shape=jax.ShapeDtypeStruct((B // PACK, PACK), jnp.float32),
    )(um, im, gm, w1u, w1i, b1b, w2b, b2b, wlb)

    return out_p.reshape(B, 1) + bl

# --- scband reference (transcript-rebuilt; emitter-appended) ---
"""Pipeline reference for scband-neu-mf-45019847196933 (READ-ONLY COPY).

The authoritative reference and input builder live on the scoring server;
editing this copy changes nothing except your own understanding.
"""

import jax, jax.numpy as jnp
import numpy as np

N_USERS = 1000000
N_ITEMS = 1000000
D = 16  # n_features
B = 16384


def setup_inputs(seed: int = 0) -> dict:
    key = jax.random.key(seed)
    ks = jax.random.split(key, 12)
    return {
        "user_indices": jax.random.randint(ks[0], (B,), 0, N_USERS, dtype=jnp.int32),
        "item_indices": jax.random.randint(ks[1], (B,), 0, N_ITEMS, dtype=jnp.int32),
        # embedding tables, init normal(0, 0.01) as in the torch module
        "user_emb_gmf": jax.random.normal(ks[2], (N_USERS, D), dtype=jnp.float32) * 0.01,
        "item_emb_gmf": jax.random.normal(ks[3], (N_ITEMS, D), dtype=jnp.float32) * 0.01,
        "user_emb_mlp": jax.random.normal(ks[4], (N_USERS, D), dtype=jnp.float32) * 0.01,
        "item_emb_mlp": jax.random.normal(ks[5], (N_ITEMS, D), dtype=jnp.float32) * 0.01,
        # MLP: fc(2*D=32 -> 32) + ReLU, fc(32 -> 16) + ReLU (dropout is identity in eval)
        "W1": jax.random.normal(ks[6], (2 * D, 32), dtype=jnp.float32) * 0.05,
        "b1": jnp.zeros((32,), dtype=jnp.float32),
        "W2": jax.random.normal(ks[7], (32, D), dtype=jnp.float32) * 0.05,
        "b2": jnp.zeros((D,), dtype=jnp.float32),
        # final linear: fc(2*D=32 -> 1, linear=True) — no activation
        "Wl": jax.random.normal(ks[8], (2 * D, 1), dtype=jnp.float32) * 0.05,
        "bl": jnp.zeros((1,), dtype=jnp.float32),
    }


def reference(user_indices, item_indices, user_emb_gmf, item_emb_gmf,
              user_emb_mlp, item_emb_mlp, W1, b1, W2, b2, Wl, bl):
    # embedding lookups (gather)
    u_mlp = jnp.take(user_emb_mlp, user_indices, axis=0)
    i_mlp = jnp.take(item_emb_mlp, item_indices, axis=0)
    u_gmf = jnp.take(user_emb_gmf, user_indices, axis=0)
    i_gmf = jnp.take(item_emb_gmf, item_indices, axis=0)
    # MLP branch
    h = jnp.concatenate([u_mlp, i_mlp], axis=1)
    h = jax.nn.relu(h @ W1 + b1)
    h = jax.nn.relu(h @ W2 + b2)
    # GMF branch
    gmf = u_gmf * i_gmf
    # fusion + final linear
    feats = jnp.concatenate([h, gmf], axis=1)
    logits = feats @ Wl + bl
    return logits

if __name__ == "__main__":
    import jax
    _d = setup_inputs()
    print(jax.jit(kernel)(*tuple(_d.values())))

</pallas_src>

<mosaic_0001>
#map = affine_map<(d0, d1) -> (0)>
#map1 = affine_map<(d0, d1) -> (0, 0)>
module attributes {stable_mosaic.version = 14 : i64} {
  func.func @_gather_body(%arg0: i32, %arg1: i32, %arg2: memref<16384xi32, #tpu.memory_space<hbm>>, %arg3: memref<16384xi32, #tpu.memory_space<hbm>>, %arg4: memref<16384xi32, #tpu.memory_space<hbm>>, %arg5: memref<16384xi32, #tpu.memory_space<hbm>>, %arg6: memref<125000x128xf32, #tpu.memory_space<hbm>>, %arg7: memref<125000x128xf32, #tpu.memory_space<hbm>>, %arg8: memref<125000x128xf32, #tpu.memory_space<hbm>>, %arg9: memref<125000x128xf32, #tpu.memory_space<hbm>>, %arg10: memref<2048x128xf32, #tpu.memory_space<hbm>>, %arg11: memref<2048x128xf32, #tpu.memory_space<hbm>>, %arg12: memref<2048x128xf32, #tpu.memory_space<hbm>>, %arg13: memref<512xi32, #tpu.memory_space<vmem>>, %arg14: memref<512xi32, #tpu.memory_space<vmem>>, %arg15: memref<512xi32, #tpu.memory_space<vmem>>, %arg16: memref<512xi32, #tpu.memory_space<vmem>>, %arg17: memref<16x512xi32, #tpu.memory_space<vmem_shared>>, %arg18: memref<16x512xi32, #tpu.memory_space<vmem_shared>>, %arg19: memref<512xi32, #tpu.memory_space<smem>>, %arg20: memref<512xi32, #tpu.memory_space<smem>>, %arg21: memref<128x128xf32, #tpu.memory_space<vmem>>, %arg22: memref<128x128xf32, #tpu.memory_space<vmem>>, %arg23: memref<64x128xf32, #tpu.memory_space<vmem>>, %arg24: memref<64x128xf32, #tpu.memory_space<vmem>>, %arg25: memref<64x128xf32, #tpu.memory_space<vmem>>, %arg26: memref<!tpu.dma_semaphore, #tpu.memory_space<semaphore_mem>>, %arg27: memref<!tpu.dma_semaphore, #tpu.memory_space<semaphore_mem>>) attributes {dimension_semantics = [#tpu.dimension_semantics<core_parallel>, #tpu.dimension_semantics<subcore_parallel>], iteration_bounds = array<i64: 2, 16>, scalar_prefetch = 0 : i64, scratch_operands = 15 : i64, tpu.core_type = #tpu.core_type<sc_vector_subcore>, window_params = [{transform_indices = #map}, {transform_indices = #map}, {transform_indices = #map}, {transform_indices = #map}, {transform_indices = #map1}, {transform_indices = #map1}, {transform_indices = #map1}, {transform_indices = #map1}, {transform_indices = #map1}, {transform_indices = #map1}, {transform_indices = #map1}]} {
    %mul3A = arith.constant 2 : i32
    %mul3A_0 = arith.muli %arg1, %mul3A : i32
    %add3A = arith.addi %mul3A_0, %arg0 : i32
    %mul3A_1 = arith.constant 512 : i32
    %mul3A_2 = arith.muli %add3A, %mul3A_1 : i32
    "tpu.region"() ({
      %run_scoped3A = tpu.sem_alloc : memref<!tpu.dma_semaphore, #tpu.memory_space<semaphore_mem>>
      %dma_start3A_274 = tpu.memref_slice %arg2[%mul3A_2] : memref<16384xi32, #tpu.memory_space<hbm>> -> memref<512xi32, #tpu.memory_space<hbm>>
      %dma_start3A_275 = tpu.memref_slice %arg2[%mul3A_2] : memref<16384xi32, #tpu.memory_space<hbm>> -> memref<512xi32, #tpu.memory_space<hbm>>
      tpu.enqueue_dma source(%dma_start3A_275 : memref<512xi32, #tpu.memory_space<hbm>>) target(%arg13 : memref<512xi32, #tpu.memory_space<vmem>>) target_semaphore(%run_scoped3A : memref<!tpu.dma_semaphore, #tpu.memory_space<semaphore_mem>>)
      %dma_wait3A_276 = tpu.memref_slice %arg2[%mul3A_2] : memref<16384xi32, #tpu.memory_space<hbm>> -> memref<512xi32, #tpu.memory_space<hbm>>
      %dma_wait3A_277 = tpu.memref_slice %arg2[%mul3A_2] : memref<16384xi32, #tpu.memory_space<hbm>> -> memref<512xi32, #tpu.memory_space<hbm>>
      tpu.wait_dma2 semaphore(%run_scoped3A : memref<!tpu.dma_semaphore, #tpu.memory_space<semaphore_mem>>) src(%dma_wait3A_277 : memref<512xi32, #tpu.memory_space<hbm>>) dst(%arg13 : memref<512xi32, #tpu.memory_space<vmem>>)
      tpu.yield
    }) : () -> ()
    "tpu.region"() ({
      %run_scoped3A = tpu.sem_alloc : memref<!tpu.dma_semaphore, #tpu.memory_space<semaphore_mem>>
      %dma_start3A_274 = tpu.memref_slice %arg3[%mul3A_2] : memref<16384xi32, #tpu.memory_space<hbm>> -> memref<512xi32, #tpu.memory_space<hbm>>
      %dma_start3A_275 = tpu.memref_slice %arg3[%mul3A_2] : memref<16384xi32, #tpu.memory_space<hbm>> -> memref<512xi32, #tpu.memory_space<hbm>>
      tpu.enqueue_dma source(%dma_start3A_275 : memref<512xi32, #tpu.memory_space<hbm>>) target(%arg14 : memref<512xi32, #tpu.memory_space<vmem>>) target_semaphore(%run_scoped3A : memref<!tpu.dma_semaphore, #tpu.memory_space<semaphore_mem>>)
      %dma_wait3A_276 = tpu.memref_slice %arg3[%mul3A_2] : memref<16384xi32, #tpu.memory_space<hbm>> -> memref<512xi32, #tpu.memory_space<hbm>>
      %dma_wait3A_277 = tpu.memref_slice %arg3[%mul3A_2] : memref<16384xi32, #tpu.memory_space<hbm>> -> memref<512xi32, #tpu.memory_space<hbm>>
      tpu.wait_dma2 semaphore(%run_scoped3A : memref<!tpu.dma_semaphore, #tpu.memory_space<semaphore_mem>>) src(%dma_wait3A_277 : memref<512xi32, #tpu.memory_space<hbm>>) dst(%arg14 : memref<512xi32, #tpu.memory_space<vmem>>)
      tpu.yield
    }) : () -> ()
    "tpu.region"() ({
      %run_scoped3A = tpu.sem_alloc : memref<!tpu.dma_semaphore, #tpu.memory_space<semaphore_mem>>
      %dma_start3A_274 = tpu.memref_slice %arg4[%mul3A_2] : memref<16384xi32, #tpu.memory_space<hbm>> -> memref<512xi32, #tpu.memory_space<hbm>>
      %dma_start3A_275 = tpu.memref_slice %arg4[%mul3A_2] : memref<16384xi32, #tpu.memory_space<hbm>> -> memref<512xi32, #tpu.memory_space<hbm>>
      tpu.enqueue_dma source(%dma_start3A_275 : memref<512xi32, #tpu.memory_space<hbm>>) target(%arg15 : memref<512xi32, #tpu.memory_space<vmem>>) target_semaphore(%run_scoped3A : memref<!tpu.dma_semaphore, #tpu.memory_space<semaphore_mem>>)
      %dma_wait3A_276 = tpu.memref_slice %arg4[%mul3A_2] : memref<16384xi32, #tpu.memory_space<hbm>> -> memref<512xi32, #tpu.memory_space<hbm>>
      %dma_wait3A_277 = tpu.memref_slice %arg4[%mul3A_2] : memref<16384xi32, #tpu.memory_space<hbm>> -> memref<512xi32, #tpu.memory_space<hbm>>
      tpu.wait_dma2 semaphore(%run_scoped3A : memref<!tpu.dma_semaphore, #tpu.memory_space<semaphore_mem>>) src(%dma_wait3A_277 : memref<512xi32, #tpu.memory_space<hbm>>) dst(%arg15 : memref<512xi32, #tpu.memory_space<vmem>>)
      tpu.yield
    }) : () -> ()
    "tpu.region"() ({
      %run_scoped3A = tpu.sem_alloc : memref<!tpu.dma_semaphore, #tpu.memory_space<semaphore_mem>>
      %dma_start3A_274 = tpu.memref_slice %arg5[%mul3A_2] : memref<16384xi32, #tpu.memory_space<hbm>> -> memref<512xi32, #tpu.memory_space<hbm>>
      %dma_start3A_275 = tpu.memref_slice %arg5[%mul3A_2] : memref<16384xi32, #tpu.memory_space<hbm>> -> memref<512xi32, #tpu.memory_space<hbm>>
      tpu.enqueue_dma source(%dma_start3A_275 : memref<512xi32, #tpu.memory_space<hbm>>) target(%arg16 : memref<512xi32, #tpu.memory_space<vmem>>) target_semaphore(%run_scoped3A : memref<!tpu.dma_semaphore, #tpu.memory_space<semaphore_mem>>)
      %dma_wait3A_276 = tpu.memref_slice %arg5[%mul3A_2] : memref<16384xi32, #tpu.memory_space<hbm>> -> memref<512xi32, #tpu.memory_space<hbm>>
      %dma_wait3A_277 = tpu.memref_slice %arg5[%mul3A_2] : memref<16384xi32, #tpu.memory_space<hbm>> -> memref<512xi32, #tpu.memory_space<hbm>>
      tpu.wait_dma2 semaphore(%run_scoped3A : memref<!tpu.dma_semaphore, #tpu.memory_space<semaphore_mem>>) src(%dma_wait3A_277 : memref<512xi32, #tpu.memory_space<hbm>>) dst(%arg16 : memref<512xi32, #tpu.memory_space<vmem>>)
      tpu.yield
    }) : () -> ()
    "tpu.region"() ({
      %run_scoped3A = tpu.sem_alloc : memref<!tpu.dma_semaphore, #tpu.memory_space<semaphore_mem>>
      %dma_start3A_274 = arith.constant 0 : i32
      %dma_start3A_275 = tpu.memref_slice %arg17[%arg1, %dma_start3A_274] : memref<16x512xi32, #tpu.memory_space<vmem_shared>> -> memref<1x512xi32, #tpu.memory_space<vmem_shared>>
      %dma_start3A_276 = tpu.memref_squeeze %dma_start3A_275 : memref<1x512xi32, #tpu.memory_space<vmem_shared>> -> memref<512xi32, #tpu.memory_space<vmem_shared>>
      %dma_start3A_277 = arith.constant 0 : i32
      %dma_start3A_278 = tpu.memref_slice %arg17[%arg1, %dma_start3A_277] : memref<16x512xi32, #tpu.memory_space<vmem_shared>> -> memref<1x512xi32, #tpu.memory_space<vmem_shared>>
      %dma_start3A_279 = tpu.memref_squeeze %dma_start3A_278 : memref<1x512xi32, #tpu.memory_space<vmem_shared>> -> memref<512xi32, #tpu.memory_space<vmem_shared>>
      tpu.enqueue_dma source(%arg15 : memref<512xi32, #tpu.memory_space<vmem>>) target(%dma_start3A_279 : memref<512xi32, #tpu.memory_space<vmem_shared>>) target_semaphore(%run_scoped3A : memref<!tpu.dma_semaphore, #tpu.memory_space<semaphore_mem>>)
      %dma_wait3A_280 = arith.constant 0 : i32
      %dma_wait3A_281 = tpu.memref_slice %arg17[%arg1, %dma_wait3A_280] : memref<16x512xi32, #tpu.memory_space<vmem_shared>> -> memref<1x512xi32, #tpu.memory_space<vmem_shared>>
      %dma_wait3A_282 = tpu.memref_squeeze %dma_wait3A_281 : memref<1x512xi32, #tpu.memory_space<vmem_shared>> -> memref<512xi32, #tpu.memory_space<vmem_shared>>
      %dma_wait3A_283 = arith.constant 0 : i32
      %dma_wait3A_284 = tpu.memref_slice %arg17[%arg1, %dma_wait3A_283] : memref<16x512xi32, #tpu.memory_space<vmem_shared>> -> memref<1x512xi32, #tpu.memory_space<vmem_shared>>
      %dma_wait3A_285 = tpu.memref_squeeze %dma_wait3A_284 : memref<1x512xi32, #tpu.memory_space<vmem_shared>> -> memref<512xi32, #tpu.memory_space<vmem_shared>>
      tpu.wait_dma2 semaphore(%run_scoped3A : memref<!tpu.dma_semaphore, #tpu.memory_space<semaphore_mem>>) src(%arg15 : memref<512xi32, #tpu.memory_space<vmem>>) dst(%dma_wait3A_285 : memref<512xi32, #tpu.memory_space<vmem_shared>>)
      tpu.yield
    }) : () -> ()
    "tpu.region"() ({
      %run_scoped3A = tpu.sem_alloc : memref<!tpu.dma_semaphore, #tpu.memory_space<semaphore_mem>>
      %dma_start3A_274 = arith.constant 0 : i32
      %dma_start3A_275 = tpu.memref_slice %arg18[%arg1, %dma_start3A_274] : memref<16x512xi32, #tpu.memory_space<vmem_shared>> -> memref<1x512xi32, #tpu.memory_space<vmem_shared>>
      %dma_start3A_276 = tpu.memref_squeeze %dma_start3A_275 : memref<1x512xi32, #tpu.memory_space<vmem_shared>> -> memref<512xi32, #tpu.memory_space<vmem_shared>>
      %dma_start3A_277 = arith.constant 0 : i32
      %dma_start3A_278 = tpu.memref_slice %arg18[%arg1, %dma_start3A_277] : memref<16x512xi32, #tpu.memory_space<vmem_shared>> -> memref<1x512xi32, #tpu.memory_space<vmem_shared>>
      %dma_start3A_279 = tpu.memref_squeeze %dma_start3A_278 : memref<1x512xi32, #tpu.memory_space<vmem_shared>> -> memref<512xi32, #tpu.memory_space<vmem_shared>>
      tpu.enqueue_dma source(%arg16 : memref<512xi32, #tpu.memory_space<vmem>>) target(%dma_start3A_279 : memref<512xi32, #tpu.memory_space<vmem_shared>>) target_semaphore(%run_scoped3A : memref<!tpu.dma_semaphore, #tpu.memory_space<semaphore_mem>>)
      %dma_wait3A_280 = arith.constant 0 : i32
      %dma_wait3A_281 = tpu.memref_slice %arg18[%arg1, %dma_wait3A_280] : memref<16x512xi32, #tpu.memory_space<vmem_shared>> -> memref<1x512xi32, #tpu.memory_space<vmem_shared>>
      %dma_wait3A_282 = tpu.memref_squeeze %dma_wait3A_281 : memref<1x512xi32, #tpu.memory_space<vmem_shared>> -> memref<512xi32, #tpu.memory_space<vmem_shared>>
      %dma_wait3A_283 = arith.constant 0 : i32
      %dma_wait3A_284 = tpu.memref_slice %arg18[%arg1, %dma_wait3A_283] : memref<16x512xi32, #tpu.memory_space<vmem_shared>> -> memref<1x512xi32, #tpu.memory_space<vmem_shared>>
      %dma_wait3A_285 = tpu.memref_squeeze %dma_wait3A_284 : memref<1x512xi32, #tpu.memory_space<vmem_shared>> -> memref<512xi32, #tpu.memory_space<vmem_shared>>
      tpu.wait_dma2 semaphore(%run_scoped3A : memref<!tpu.dma_semaphore, #tpu.memory_space<semaphore_mem>>) src(%arg16 : memref<512xi32, #tpu.memory_space<vmem>>) dst(%dma_wait3A_285 : memref<512xi32, #tpu.memory_space<vmem_shared>>)
      tpu.yield
    }) : () -> ()
    "tpu.region"() ({
      %run_scoped3A = tpu.sem_alloc : memref<!tpu.dma_semaphore, #tpu.memory_space<semaphore_mem>>
      %dma_start3A_274 = arith.constant 0 : i32
      %dma_start3A_275 = tpu.memref_slice %arg17[%arg1, %dma_start3A_274] : memref<16x512xi32, #tpu.memory_space<vmem_shared>> -> memref<1x512xi32, #tpu.memory_space<vmem_shared>>
      %dma_start3A_276 = tpu.memref_squeeze %dma_start3A_275 : memref<1x512xi32, #tpu.memory_space<vmem_shared>> -> memref<512xi32, #tpu.memory_space<vmem_shared>>
      tpu.enqueue_dma source(%dma_start3A_276 : memref<512xi32, #tpu.memory_space<vmem_shared>>) target(%arg19 : memref<512xi32, #tpu.memory_space<smem>>) target_semaphore(%run_scoped3A : memref<!tpu.dma_semaphore, #tpu.memory_space<semaphore_mem>>)
      %dma_wait3A_277 = arith.constant 0 : i32
      %dma_wait3A_278 = tpu.memref_slice %arg17[%arg1, %dma_wait3A_277] : memref<16x512xi32, #tpu.memory_space<vmem_shared>> -> memref<1x512xi32, #tpu.memory_space<vmem_shared>>
      %dma_wait3A_279 = tpu.memref_squeeze %dma_wait3A_278 : memref<1x512xi32, #tpu.memory_space<vmem_shared>> -> memref<512xi32, #tpu.memory_space<vmem_shared>>
      tpu.wait_dma2 semaphore(%run_scoped3A : memref<!tpu.dma_semaphore, #tpu.memory_space<semaphore_mem>>) src(%dma_wait3A_279 : memref<512xi32, #tpu.memory_space<vmem_shared>>) dst(%arg19 : memref<512xi32, #tpu.memory_space<smem>>)
      tpu.yield
    }) : () -> ()
    "tpu.region"() ({
      %run_scoped3A = tpu.sem_alloc : memref<!tpu.dma_semaphore, #tpu.memory_space<semaphore_mem>>
      %dma_start3A_274 = arith.constant 0 : i32
      %dma_start3A_275 = tpu.memref_slice %arg18[%arg1, %dma_start3A_274] : memref<16x512xi32, #tpu.memory_space<vmem_shared>> -> memref<1x512xi32, #tpu.memory_space<vmem_shared>>
      %dma_start3A_276 = tpu.memref_squeeze %dma_start3A_275 : memref<1x512xi32, #tpu.memory_space<vmem_shared>> -> memref<512xi32, #tpu.memory_space<vmem_shared>>
      tpu.enqueue_dma source(%dma_start3A_276 : memref<512xi32, #tpu.memory_space<vmem_shared>>) target(%arg20 : memref<512xi32, #tpu.memory_space<smem>>) target_semaphore(%run_scoped3A : memref<!tpu.dma_semaphore, #tpu.memory_space<semaphore_mem>>)
      %dma_wait3A_277 = arith.constant 0 : i32
      %dma_wait3A_278 = tpu.memref_slice %arg18[%arg1, %dma_wait3A_277] : memref<16x512xi32, #tpu.memory_space<vmem_shared>> -> memref<1x512xi32, #tpu.memory_space<vmem_shared>>
      %dma_wait3A_279 = tpu.memref_squeeze %dma_wait3A_278 : memref<1x512xi32, #tpu.memory_space<vmem_shared>> -> memref<512xi32, #tpu.memory_space<vmem_shared>>
      tpu.wait_dma2 semaphore(%run_scoped3A : memref<!tpu.dma_semaphore, #tpu.memory_space<semaphore_mem>>) src(%dma_wait3A_279 : memref<512xi32, #tpu.memory_space<vmem_shared>>) dst(%arg20 : memref<512xi32, #tpu.memory_space<smem>>)
      tpu.yield
    }) : () -> ()
    %dma_start3A = arith.constant 0 : i32
    %dma_start3A_3 = tpu.memref_slice %arg13[%dma_start3A] : memref<512xi32, #tpu.memory_space<vmem>> -> memref<128xi32, #tpu.memory_space<vmem>>
    %dma_start3A_4 = arith.constant 0 : i32
    %dma_start3A_5 = arith.constant 0 : i32
    %dma_start3A_6 = tpu.memref_slice %arg6[%dma_start3A_4, %dma_start3A_5] : memref<125000x128xf32, #tpu.memory_space<hbm>> -> memref<125000x128xf32, #tpu.memory_space<hbm>>
    tpu.enqueue_indirect_dma source(%dma_start3A_6 : memref<125000x128xf32, #tpu.memory_space<hbm>>) target(%arg21 : memref<128x128xf32, #tpu.memory_space<vmem>>) offsets(%dma_start3A_3 : memref<128xi32, #tpu.memory_space<vmem>>) semaphore(%arg26 : memref<!tpu.dma_semaphore, #tpu.memory_space<semaphore_mem>>)
    %dma_start3A_7 = arith.constant 128 : i32
    %dma_start3A_8 = tpu.memref_slice %arg13[%dma_start3A_7] : memref<512xi32, #tpu.memory_space<vmem>> -> memref<128xi32, #tpu.memory_space<vmem>>
    %dma_start3A_9 = arith.constant 0 : i32
    %dma_start3A_10 = arith.constant 0 : i32
    %dma_start3A_11 = tpu.memref_slice %arg6[%dma_start3A_9, %dma_start3A_10] : memref<125000x128xf32, #tpu.memory_space<hbm>> -> memref<125000x128xf32, #tpu.memory_space<hbm>>
    tpu.enqueue_indirect_dma source(%dma_start3A_11 : memref<125000x128xf32, #tpu.memory_space<hbm>>) target(%arg22 : memref<128x128xf32, #tpu.memory_space<vmem>>) offsets(%dma_start3A_8 : memref<128xi32, #tpu.memory_space<vmem>>) semaphore(%arg27 : memref<!tpu.dma_semaphore, #tpu.memory_space<semaphore_mem>>)
    %dma_wait3A = arith.constant 0 : i32
    %dma_wait3A_12 = tpu.memref_slice %arg13[%dma_wait3A] : memref<512xi32, #tpu.memory_space<vmem>> -> memref<128xi32, #tpu.memory_space<vmem>>
    %dma_wait3A_13 = arith.constant 0 : i32
    %dma_wait3A_14 = arith.constant 0 : i32
    %dma_wait3A_15 = tpu.memref_slice %arg6[%dma_wait3A_13, %dma_wait3A_14] : memref<125000x128xf32, #tpu.memory_space<hbm>> -> memref<125000x128xf32, #tpu.memory_space<hbm>>
    tpu.wait_indirect_dma semaphore(%arg26 : memref<!tpu.dma_semaphore, #tpu.memory_space<semaphore_mem>>) src(%dma_wait3A_15 : memref<125000x128xf32, #tpu.memory_space<hbm>>) dst(%arg21 : memref<128x128xf32, #tpu.memory_space<vmem>>)
    %scan3A = arith.constant 0 : i32
    %scan3A_16 = arith.constant 0 : i32
    %scan3A_17 = arith.constant 128 : i32
    %scan3A_18 = arith.addi %scan3A_16, %scan3A_17 : i32
    %scan3A_19 = arith.constant 1 : i32
    %scan3A_20 = scf.for %scan3A_274 = %scan3A_16 to %scan3A_18 step %scan3A_19 iter_args(%scan3A_275 = %scan3A) -> (i32)  : i32 {
      %add3A_276 = arith.constant 0 : i32
      %add3A_277 = arith.addi %add3A_276, %scan3A_274 : i32
      %get3A = arith.index_cast %add3A_277 : i32 to index
      %get3A_278 = memref.load %arg19[%get3A] : memref<512xi32, #tpu.memory_space<smem>>
      %get3A_279 = arith.index_cast %scan3A_274 : i32 to index
      %get3A_280 = arith.index_cast %get3A_278 : i32 to index
      %get3A_281 = tpu.vector_load %arg21[%get3A_279, %get3A_280] {strides = array<i32>} : memref<128x128xf32, #tpu.memory_space<vmem>>, vector<1x16xf32>,
      %get3A_282 = vector.shape_cast %get3A_281 : vector<1x16xf32> to vector<16xf32>
      %shift_right_logical3A = arith.constant 3 : i32
      %shift_right_logical3A_283 = arith.shrui %scan3A_274, %shift_right_logical3A : i32
      %add3A_284 = arith.constant 0 : i32
      %add3A_285 = arith.addi %add3A_284, %shift_right_logical3A_283 : i32
      %rem3A = arith.constant 8 : i32
      %rem3A_286 = arith.remsi %scan3A_274, %rem3A : i32
      %shift_left3A = arith.constant 4 : i32
      %shift_left3A_287 = arith.shli %rem3A_286, %shift_left3A : i32
      %swap3A = arith.index_cast %add3A_285 : i32 to index
      %swap3A_288 = arith.index_cast %shift_left3A_287 : i32 to index
      %swap3A_289 = tpu.vector_load %arg23[%swap3A, %swap3A_288] {strides = array<i32>} : memref<64x128xf32, #tpu.memory_space<vmem>>, vector<1x16xf32>,
      %swap3A_290 = vector.shape_cast %swap3A_289 : vector<1x16xf32> to vector<16xf32>
      %swap3A_291 = vector.shape_cast %get3A_282 : vector<16xf32> to vector<1x16xf32>
      tpu.vector_store %arg23[%swap3A, %swap3A_288], %swap3A_291 {strides = array<i32>} : memref<64x128xf32, #tpu.memory_space<vmem>>, vector<1x16xf32>,
      %scan3A_292 = arith.constant 0 : i32
      scf.yield %scan3A_292 : i32
    }
    %scan3A_21 = arith.constant 128 : i32
    %dma_start3A_22 = arith.constant 256 : i32
    %dma_start3A_23 = tpu.memref_slice %arg13[%dma_start3A_22] : memref<512xi32, #tpu.memory_space<vmem>> -> memref<128xi32, #tpu.memory_space<vmem>>
    %dma_start3A_24 = arith.constant 0 : i32
    %dma_start3A_25 = arith.constant 0 : i32
    %dma_start3A_26 = tpu.memref_slice %arg6[%dma_start3A_24, %dma_start3A_25] : memref<125000x128xf32, #tpu.memory_space<hbm>> -> memref<125000x128xf32, #tpu.memory_space<hbm>>
    tpu.enqueue_indirect_dma source(%dma_start3A_26 : memref<125000x128xf32, #tpu.memory_space<hbm>>) target(%arg21 : memref<128x128xf32, #tpu.memory_space<vmem>>) offsets(%dma_start3A_23 : memref<128xi32, #tpu.memory_space<vmem>>) semaphore(%arg26 : memref<!tpu.dma_semaphore, #tpu.memory_space<semaphore_mem>>)
    %dma_wait3A_27 = arith.constant 128 : i32
    %dma_wait3A_28 = tpu.memref_slice %arg13[%dma_wait3A_27] : memref<512xi32, #tpu.memory_space<vmem>> -> memref<128xi32, #tpu.memory_space<vmem>>
    %dma_wait3A_29 = arith.constant 0 : i32
    %dma_wait3A_30 = arith.constant 0 : i32
    %dma_wait3A_31 = tpu.memref_slice %arg6[%dma_wait3A_29, %dma_wait3A_30] : memref<125000x128xf32, #tpu.memory_space<hbm>> -> memref<125000x128xf32, #tpu.memory_space<hbm>>
    tpu.wait_indirect_dma semaphore(%arg27 : memref<!tpu.dma_semaphore, #tpu.memory_space<semaphore_mem>>) src(%dma_wait3A_31 : memref<125000x128xf32, #tpu.memory_space<hbm>>) dst(%arg22 : memref<128x128xf32, #tpu.memory_space<vmem>>)
    %scan3A_32 = arith.constant 0 : i32
    %scan3A_33 = arith.constant 0 : i32
    %scan3A_34 = arith.constant 128 : i32
    %scan3A_35 = arith.addi %scan3A_33, %scan3A_34 : i32
    %scan3A_36 = arith.constant 1 : i32
    %scan3A_37 = scf.for %scan3A_274 = %scan3A_33 to %scan3A_35 step %scan3A_36 iter_args(%scan3A_275 = %scan3A_32) -> (i32)  : i32 {
      %add3A_276 = arith.constant 128 : i32
      %add3A_277 = arith.addi %add3A_276, %scan3A_274 : i32
      %get3A = arith.index_cast %add3A_277 : i32 to index
      %get3A_278 = memref.load %arg19[%get3A] : memref<512xi32, #tpu.memory_space<smem>>
      %get3A_279 = arith.index_cast %scan3A_274 : i32 to index
      %get3A_280 = arith.index_cast %get3A_278 : i32 to index
      %get3A_281 = tpu.vector_load %arg22[%get3A_279, %get3A_280] {strides = array<i32>} : memref<128x128xf32, #tpu.memory_space<vmem>>, vector<1x16xf32>,
      %get3A_282 = vector.shape_cast %get3A_281 : vector<1x16xf32> to vector<16xf32>
      %shift_right_logical3A = arith.constant 3 : i32
      %shift_right_logical3A_283 = arith.shrui %scan3A_274, %shift_right_logical3A : i32
      %add3A_284 = arith.constant 16 : i32
      %add3A_285 = arith.addi %add3A_284, %shift_right_logical3A_283 : i32
      %rem3A = arith.constant 8 : i32
      %rem3A_286 = arith.remsi %scan3A_274, %rem3A : i32
      %shift_left3A = arith.constant 4 : i32
      %shift_left3A_287 = arith.shli %rem3A_286, %shift_left3A : i32
      %swap3A = arith.index_cast %add3A_285 : i32 to index
      %swap3A_288 = arith.index_cast %shift_left3A_287 : i32 to index
      %swap3A_289 = tpu.vector_load %arg23[%swap3A, %swap3A_288] {strides = array<i32>} : memref<64x128xf32, #tpu.memory_space<vmem>>, vector<1x16xf32>,
      %swap3A_290 = vector.shape_cast %swap3A_289 : vector<1x16xf32> to vector<16xf32>
      %swap3A_291 = vector.shape_cast %get3A_282 : vector<16xf32> to vector<1x16xf32>
      tpu.vector_store %arg23[%swap3A, %swap3A_288], %swap3A_291 {strides = array<i32>} : memref<64x128xf32, #tpu.memory_space<vmem>>, vector<1x16xf32>,
      %scan3A_292 = arith.constant 0 : i32
      scf.yield %scan3A_292 : i32
    }
    %scan3A_38 = arith.constant 128 : i32
    %dma_start3A_39 = arith.constant 384 : i32
    %dma_start3A_40 = tpu.memref_slice %arg13[%dma_start3A_39] : memref<512xi32, #tpu.memory_space<vmem>> -> memref<128xi32, #tpu.memory_space<vmem>>
    %dma_start3A_41 = arith.constant 0 : i32
    %dma_start3A_42 = arith.constant 0 : i32
    %dma_start3A_43 = tpu.memref_slice %arg6[%dma_start3A_41, %dma_start3A_42] : memref<125000x128xf32, #tpu.memory_space<hbm>> -> memref<125000x128xf32, #tpu.memory_space<hbm>>
    tpu.enqueue_indirect_dma source(%dma_start3A_43 : memref<125000x128xf32, #tpu.memory_space<hbm>>) target(%arg22 : memref<128x128xf32, #tpu.memory_space<vmem>>) offsets(%dma_start3A_40 : memref<128xi32, #tpu.memory_space<vmem>>) semaphore(%arg27 : memref<!tpu.dma_semaphore, #tpu.memory_space<semaphore_mem>>)
    %dma_wait3A_44 = arith.constant 256 : i32
    %dma_wait3A_45 = tpu.memref_slice %arg13[%dma_wait3A_44] : memref<512xi32, #tpu.memory_space<vmem>> -> memref<128xi32, #tpu.memory_space<vmem>>
    %dma_wait3A_46 = arith.constant 0 : i32
    %dma_wait3A_47 = arith.constant 0 : i32
    %dma_wait3A_48 = tpu.memref_slice %arg6[%dma_wait3A_46, %dma_wait3A_47] : memref<125000x128xf32, #tpu.memory_space<hbm>> -> memref<125000x128xf32, #tpu.memory_space<hbm>>
    tpu.wait_indirect_dma semaphore(%arg26 : memref<!tpu.dma_semaphore, #tpu.memory_space<semaphore_mem>>) src(%dma_wait3A_48 : memref<125000x128xf32, #tpu.memory_space<hbm>>) dst(%arg21 : memref<128x128xf32, #tpu.memory_space<vmem>>)
    %scan3A_49 = arith.constant 0 : i32
    %scan3A_50 = arith.constant 0 : i32
    %scan3A_51 = arith.constant 128 : i32
    %scan3A_52 = arith.addi %scan3A_50, %scan3A_51 : i32
    %scan3A_53 = arith.constant 1 : i32
    %scan3A_54 = scf.for %scan3A_274 = %scan3A_50 to %scan3A_52 step %scan3A_53 iter_args(%scan3A_275 = %scan3A_49) -> (i32)  : i32 {
      %add3A_276 = arith.constant 256 : i32
      %add3A_277 = arith.addi %add3A_276, %scan3A_274 : i32
      %get3A = arith.index_cast %add3A_277 : i32 to index
      %get3A_278 = memref.load %arg19[%get3A] : memref<512xi32, #tpu.memory_space<smem>>
      %get3A_279 = arith.index_cast %scan3A_274 : i32 to index
      %get3A_280 = arith.index_cast %get3A_278 : i32 to index
      %get3A_281 = tpu.vector_load %arg21[%get3A_279, %get3A_280] {strides = array<i32>} : memref<128x128xf32, #tpu.memory_space<vmem>>, vector<1x16xf32>,
      %get3A_282 = vector.shape_cast %get3A_281 : vector<1x16xf32> to vector<16xf32>
      %shift_right_logical3A = arith.constant 3 : i32
      %shift_right_logical3A_283 = arith.shrui %scan3A_274, %shift_right_logical3A : i32
      %add3A_284 = arith.constant 32 : i32
      %add3A_285 = arith.addi %add3A_284, %shift_right_logical3A_283 : i32
      %rem3A = arith.constant 8 : i32
      %rem3A_286 = arith.remsi %scan3A_274, %rem3A : i32
      %shift_left3A = arith.constant 4 : i32
      %shift_left3A_287 = arith.shli %rem3A_286, %shift_left3A : i32
      %swap3A = arith.index_cast %add3A_285 : i32 to index
      %swap3A_288 = arith.index_cast %shift_left3A_287 : i32 to index
      %swap3A_289 = tpu.vector_load %arg23[%swap3A, %swap3A_288] {strides = array<i32>} : memref<64x128xf32, #tpu.memory_space<vmem>>, vector<1x16xf32>,
      %swap3A_290 = vector.shape_cast %swap3A_289 : vector<1x16xf32> to vector<16xf32>
      %swap3A_291 = vector.shape_cast %get3A_282 : vector<16xf32> to vector<1x16xf32>
      tpu.vector_store %arg23[%swap3A, %swap3A_288], %swap3A_291 {strides = array<i32>} : memref<64x128xf32, #tpu.memory_space<vmem>>, vector<1x16xf32>,
      %scan3A_292 = arith.constant 0 : i32
      scf.yield %scan3A_292 : i32
    }
    %scan3A_55 = arith.constant 128 : i32
    %dma_start3A_56 = arith.constant 0 : i32
    %dma_start3A_57 = tpu.memref_slice %arg14[%dma_start3A_56] : memref<512xi32, #tpu.memory_space<vmem>> -> memref<128xi32, #tpu.memory_space<vmem>>
    %dma_start3A_58 = arith.constant 0 : i32
    %dma_start3A_59 = arith.constant 0 : i32
    %dma_start3A_60 = tpu.memref_slice %arg7[%dma_start3A_58, %dma_start3A_59] : memref<125000x128xf32, #tpu.memory_space<hbm>> -> memref<125000x128xf32, #tpu.memory_space<hbm>>
    tpu.enqueue_indirect_dma source(%dma_start3A_60 : memref<125000x128xf32, #tpu.memory_space<hbm>>) target(%arg21 : memref<128x128xf32, #tpu.memory_space<vmem>>) offsets(%dma_start3A_57 : memref<128xi32, #tpu.memory_space<vmem>>) semaphore(%arg26 : memref<!tpu.dma_semaphore, #tpu.memory_space<semaphore_mem>>)
    %dma_wait3A_61 = arith.constant 384 : i32
    %dma_wait3A_62 = tpu.memref_slice %arg13[%dma_wait3A_61] : memref<512xi32, #tpu.memory_space<vmem>> -> memref<128xi32, #tpu.memory_space<vmem>>
    %dma_wait3A_63 = arith.constant 0 : i32
    %dma_wait3A_64 = arith.constant 0 : i32
    %dma_wait3A_65 = tpu.memref_slice %arg6[%dma_wait3A_63, %dma_wait3A_64] : memref<125000x128xf32, #tpu.memory_space<hbm>> -> memref<125000x128xf32, #tpu.memory_space<hbm>>
    tpu.wait_indirect_dma semaphore(%arg27 : memref<!tpu.dma_semaphore, #tpu.memory_space<semaphore_mem>>) src(%dma_wait3A_65 : memref<125000x128xf32, #tpu.memory_space<hbm>>) dst(%arg22 : memref<128x128xf32, #tpu.memory_space<vmem>>)
    %scan3A_66 = arith.constant 0 : i32
    %scan3A_67 = arith.constant 0 : i32
    %scan3A_68 = arith.constant 128 : i32
    %scan3A_69 = arith.addi %scan3A_67, %scan3A_68 : i32
    %scan3A_70 = arith.constant 1 : i32
    %scan3A_71 = scf.for %scan3A_274 = %scan3A_67 to %scan3A_69 step %scan3A_70 iter_args(%scan3A_275 = %scan3A_66) -> (i32)  : i32 {
      %add3A_276 = arith.constant 384 : i32
      %add3A_277 = arith.addi %add3A_276, %scan3A_274 : i32
      %get3A = arith.index_cast %add3A_277 : i32 to index
      %get3A_278 = memref.load %arg19[%get3A] : memref<512xi32, #tpu.memory_space<smem>>
      %get3A_279 = arith.index_cast %scan3A_274 : i32 to index
      %get3A_280 = arith.index_cast %get3A_278 : i32 to index
      %get3A_281 = tpu.vector_load %arg22[%get3A_279, %get3A_280] {strides = array<i32>} : memref<128x128xf32, #tpu.memory_space<vmem>>, vector<1x16xf32>,
      %get3A_282 = vector.shape_cast %get3A_281 : vector<1x16xf32> to vector<16xf32>
      %shift_right_logical3A = arith.constant 3 : i32
      %shift_right_logical3A_283 = arith.shrui %scan3A_274, %shift_right_logical3A : i32
      %add3A_284 = arith.constant 48 : i32
      %add3A_285 = arith.addi %add3A_284, %shift_right_logical3A_283 : i32
      %rem3A = arith.constant 8 : i32
      %rem3A_286 = arith.remsi %scan3A_274, %rem3A : i32
      %shift_left3A = arith.constant 4 : i32
      %shift_left3A_287 = arith.shli %rem3A_286, %shift_left3A : i32
      %swap3A = arith.index_cast %add3A_285 : i32 to index
      %swap3A_288 = arith.index_cast %shift_left3A_287 : i32 to index
      %swap3A_289 = tpu.vector_load %arg23[%swap3A, %swap3A_288] {strides = array<i32>} : memref<64x128xf32, #tpu.memory_space<vmem>>, vector<1x16xf32>,
      %swap3A_290 = vector.shape_cast %swap3A_289 : vector<1x16xf32> to vector<16xf32>
      %swap3A_291 = vector.shape_cast %get3A_282 : vector<16xf32> to vector<1x16xf32>
      tpu.vector_store %arg23[%swap3A, %swap3A_288], %swap3A_291 {strides = array<i32>} : memref<64x128xf32, #tpu.memory_space<vmem>>, vector<1x16xf32>,
      %scan3A_292 = arith.constant 0 : i32
      scf.yield %scan3A_292 : i32
    }
    %scan3A_72 = arith.constant 128 : i32
    %dma_start3A_73 = arith.constant 128 : i32
    %dma_start3A_74 = tpu.memref_slice %arg14[%dma_start3A_73] : memref<512xi32, #tpu.memory_space<vmem>> -> memref<128xi32, #tpu.memory_space<vmem>>
    %dma_start3A_75 = arith.constant 0 : i32
    %dma_start3A_76 = arith.constant 0 : i32
    %dma_start3A_77 = tpu.memref_slice %arg7[%dma_start3A_75, %dma_start3A_76] : memref<125000x128xf32, #tpu.memory_space<hbm>> -> memref<125000x128xf32, #tpu.memory_space<hbm>>
    tpu.enqueue_indirect_dma source(%dma_start3A_77 : memref<125000x128xf32, #tpu.memory_space<hbm>>) target(%arg22 : memref<128x128xf32, #tpu.memory_space<vmem>>) offsets(%dma_start3A_74 : memref<128xi32, #tpu.memory_space<vmem>>) semaphore(%arg27 : memref<!tpu.dma_semaphore, #tpu.memory_space<semaphore_mem>>)
    %dma_wait3A_78 = arith.constant 0 : i32
    %dma_wait3A_79 = tpu.memref_slice %arg14[%dma_wait3A_78] : memref<512xi32, #tpu.memory_space<vmem>> -> memref<128xi32, #tpu.memory_space<vmem>>
    %dma_wait3A_80 = arith.constant 0 : i32
    %dma_wait3A_81 = arith.constant 0 : i32
    %dma_wait3A_82 = tpu.memref_slice %arg7[%dma_wait3A_80, %dma_wait3A_81] : memref<125000x128xf32, #tpu.memory_space<hbm>> -> memref<125000x128xf32, #tpu.memory_space<hbm>>
    tpu.wait_indirect_dma semaphore(%arg26 : memref<!tpu.dma_semaphore, #tpu.memory_space<semaphore_mem>>) src(%dma_wait3A_82 : memref<125000x128xf32, #tpu.memory_space<hbm>>) dst(%arg21 : memref<128x128xf32, #tpu.memory_space<vmem>>)
    %scan3A_83 = arith.constant 0 : i32
    %scan3A_84 = arith.constant 0 : i32
    %scan3A_85 = arith.constant 128 : i32
    %scan3A_86 = arith.addi %scan3A_84, %scan3A_85 : i32
    %scan3A_87 = arith.constant 1 : i32
    %scan3A_88 = scf.for %scan3A_274 = %scan3A_84 to %scan3A_86 step %scan3A_87 iter_args(%scan3A_275 = %scan3A_83) -> (i32)  : i32 {
      %add3A_276 = arith.constant 0 : i32
      %add3A_277 = arith.addi %add3A_276, %scan3A_274 : i32
      %get3A = arith.index_cast %add3A_277 : i32 to index
      %get3A_278 = memref.load %arg20[%get3A] : memref<512xi32, #tpu.memory_space<smem>>
      %get3A_279 = arith.index_cast %scan3A_274 : i32 to index
      %get3A_280 = arith.index_cast %get3A_278 : i32 to index
      %get3A_281 = tpu.vector_load %arg21[%get3A_279, %get3A_280] {strides = array<i32>} : memref<128x128xf32, #tpu.memory_space<vmem>>, vector<1x16xf32>,
      %get3A_282 = vector.shape_cast %get3A_281 : vector<1x16xf32> to vector<16xf32>
      %shift_right_logical3A = arith.constant 3 : i32
      %shift_right_logical3A_283 = arith.shrui %scan3A_274, %shift_right_logical3A : i32
      %add3A_284 = arith.constant 0 : i32
      %add3A_285 = arith.addi %add3A_284, %shift_right_logical3A_283 : i32
      %rem3A = arith.constant 8 : i32
      %rem3A_286 = arith.remsi %scan3A_274, %rem3A : i32
      %shift_left3A = arith.constant 4 : i32
      %shift_left3A_287 = arith.shli %rem3A_286, %shift_left3A : i32
      %swap3A = arith.index_cast %add3A_285 : i32 to index
      %swap3A_288 = arith.index_cast %shift_left3A_287 : i32 to index
      %swap3A_289 = tpu.vector_load %arg24[%swap3A, %swap3A_288] {strides = array<i32>} : memref<64x128xf32, #tpu.memory_space<vmem>>, vector<1x16xf32>,
      %swap3A_290 = vector.shape_cast %swap3A_289 : vector<1x16xf32> to vector<16xf32>
      %swap3A_291 = vector.shape_cast %get3A_282 : vector<16xf32> to vector<1x16xf32>
      tpu.vector_store %arg24[%swap3A, %swap3A_288], %swap3A_291 {strides = array<i32>} : memref<64x128xf32, #tpu.memory_space<vmem>>, vector<1x16xf32>,
      %scan3A_292 = arith.constant 0 : i32
      scf.yield %scan3A_292 : i32
    }
    %scan3A_89 = arith.constant 128 : i32
    %dma_start3A_90 = arith.constant 256 : i32
    %dma_start3A_91 = tpu.memref_slice %arg14[%dma_start3A_90] : memref<512xi32, #tpu.memory_space<vmem>> -> memref<128xi32, #tpu.memory_space<vmem>>
    %dma_start3A_92 = arith.constant 0 : i32
    %dma_start3A_93 = arith.constant 0 : i32
    %dma_start3A_94 = tpu.memref_slice %arg7[%dma_start3A_92, %dma_start3A_93] : memref<125000x128xf32, #tpu.memory_space<hbm>> -> memref<125000x128xf32, #tpu.memory_space<hbm>>
    tpu.enqueue_indirect_dma source(%dma_start3A_94 : memref<125000x128xf32, #tpu.memory_space<hbm>>) target(%arg21 : memref<128x128xf32, #tpu.memory_space<vmem>>) offsets(%dma_start3A_91 : memref<128xi32, #tpu.memory_space<vmem>>) semaphore(%arg26 : memref<!tpu.dma_semaphore, #tpu.memory_space<semaphore_mem>>)
    %dma_wait3A_95 = arith.constant 128 : i32
    %dma_wait3A_96 = tpu.memref_slice %arg14[%dma_wait3A_95] : memref<512xi32, #tpu.memory_space<vmem>> -> memref<128xi32, #tpu.memory_space<vmem>>
    %dma_wait3A_97 = arith.constant 0 : i32
    %dma_wait3A_98 = arith.constant 0 : i32
    %dma_wait3A_99 = tpu.memref_slice %arg7[%dma_wait3A_97, %dma_wait3A_98] : memref<125000x128xf32, #tpu.memory_space<hbm>> -> memref<125000x128xf32, #tpu.memory_space<hbm>>
    tpu.wait_indirect_dma semaphore(%arg27 : memref<!tpu.dma_semaphore, #tpu.memory_space<semaphore_mem>>) src(%dma_wait3A_99 : memref<125000x128xf32, #tpu.memory_space<hbm>>) dst(%arg22 : memref<128x128xf32, #tpu.memory_space<vmem>>)
    %scan3A_100 = arith.constant 0 : i32
    %scan3A_101 = arith.constant 0 : i32
    %scan3A_102 = arith.constant 128 : i32
    %scan3A_103 = arith.addi %scan3A_101, %scan3A_102 : i32
    %scan3A_104 = arith.constant 1 : i32
    %scan3A_105 = scf.for %scan3A_274 = %scan3A_101 to %scan3A_103 step %scan3A_104 iter_args(%scan3A_275 = %scan3A_100) -> (i32)  : i32 {
      %add3A_276 = arith.constant 128 : i32
      %add3A_277 = arith.addi %add3A_276, %scan3A_274 : i32
      %get3A = arith.index_cast %add3A_277 : i32 to index
      %get3A_278 = memref.load %arg20[%get3A] : memref<512xi32, #tpu.memory_space<smem>>
      %get3A_279 = arith.index_cast %scan3A_274 : i32 to index
      %get3A_280 = arith.index_cast %get3A_278 : i32 to index
      %get3A_281 = tpu.vector_load %arg22[%get3A_279, %get3A_280] {strides = array<i32>} : memref<128x128xf32, #tpu.memory_space<vmem>>, vector<1x16xf32>,
      %get3A_282 = vector.shape_cast %get3A_281 : vector<1x16xf32> to vector<16xf32>
      %shift_right_logical3A = arith.constant 3 : i32
      %shift_right_logical3A_283 = arith.shrui %scan3A_274, %shift_right_logical3A : i32
      %add3A_284 = arith.constant 16 : i32
      %add3A_285 = arith.addi %add3A_284, %shift_right_logical3A_283 : i32
      %rem3A = arith.constant 8 : i32
      %rem3A_286 = arith.remsi %scan3A_274, %rem3A : i32
      %shift_left3A = arith.constant 4 : i32
      %shift_left3A_287 = arith.shli %rem3A_286, %shift_left3A : i32
      %swap3A = arith.index_cast %add3A_285 : i32 to index
      %swap3A_288 = arith.index_cast %shift_left3A_287 : i32 to index
      %swap3A_289 = tpu.vector_load %arg24[%swap3A, %swap3A_288] {strides = array<i32>} : memref<64x128xf32, #tpu.memory_space<vmem>>, vector<1x16xf32>,
      %swap3A_290 = vector.shape_cast %swap3A_289 : vector<1x16xf32> to vector<16xf32>
      %swap3A_291 = vector.shape_cast %get3A_282 : vector<16xf32> to vector<1x16xf32>
      tpu.vector_store %arg24[%swap3A, %swap3A_288], %swap3A_291 {strides = array<i32>} : memref<64x128xf32, #tpu.memory_space<vmem>>, vector<1x16xf32>,
      %scan3A_292 = arith.constant 0 : i32
      scf.yield %scan3A_292 : i32
    }
    %scan3A_106 = arith.constant 128 : i32
    %dma_start3A_107 = arith.constant 384 : i32
    %dma_start3A_108 = tpu.memref_slice %arg14[%dma_start3A_107] : memref<512xi32, #tpu.memory_space<vmem>> -> memref<128xi32, #tpu.memory_space<vmem>>
    %dma_start3A_109 = arith.constant 0 : i32
    %dma_start3A_110 = arith.constant 0 : i32
    %dma_start3A_111 = tpu.memref_slice %arg7[%dma_start3A_109, %dma_start3A_110] : memref<125000x128xf32, #tpu.memory_space<hbm>> -> memref<125000x128xf32, #tpu.memory_space<hbm>>
    tpu.enqueue_indirect_dma source(%dma_start3A_111 : memref<125000x128xf32, #tpu.memory_space<hbm>>) target(%arg22 : memref<128x128xf32, #tpu.memory_space<vmem>>) offsets(%dma_start3A_108 : memref<128xi32, #tpu.memory_space<vmem>>) semaphore(%arg27 : memref<!tpu.dma_semaphore, #tpu.memory_space<semaphore_mem>>)
    %dma_wait3A_112 = arith.constant 256 : i32
    %dma_wait3A_113 = tpu.memref_slice %arg14[%dma_wait3A_112] : memref<512xi32, #tpu.memory_space<vmem>> -> memref<128xi32, #tpu.memory_space<vmem>>
    %dma_wait3A_114 = arith.constant 0 : i32
    %dma_wait3A_115 = arith.constant 0 : i32
    %dma_wait3A_116 = tpu.memref_slice %arg7[%dma_wait3A_114, %dma_wait3A_115] : memref<125000x128xf32, #tpu.memory_space<hbm>> -> memref<125000x128xf32, #tpu.memory_space<hbm>>
    tpu.wait_indirect_dma semaphore(%arg26 : memref<!tpu.dma_semaphore, #tpu.memory_space<semaphore_mem>>) src(%dma_wait3A_116 : memref<125000x128xf32, #tpu.memory_space<hbm>>) dst(%arg21 : memref<128x128xf32, #tpu.memory_space<vmem>>)
    %scan3A_117 = arith.constant 0 : i32
    %scan3A_118 = arith.constant 0 : i32
    %scan3A_119 = arith.constant 128 : i32
    %scan3A_120 = arith.addi %scan3A_118, %scan3A_119 : i32
    %scan3A_121 = arith.constant 1 : i32
    %scan3A_122 = scf.for %scan3A_274 = %scan3A_118 to %scan3A_120 step %scan3A_121 iter_args(%scan3A_275 = %scan3A_117) -> (i32)  : i32 {
      %add3A_276 = arith.constant 256 : i32
      %add3A_277 = arith.addi %add3A_276, %scan3A_274 : i32
      %get3A = arith.index_cast %add3A_277 : i32 to index
      %get3A_278 = memref.load %arg20[%get3A] : memref<512xi32, #tpu.memory_space<smem>>
      %get3A_279 = arith.index_cast %scan3A_274 : i32 to index
      %get3A_280 = arith.index_cast %get3A_278 : i32 to index
      %get3A_281 = tpu.vector_load %arg21[%get3A_279, %get3A_280] {strides = array<i32>} : memref<128x128xf32, #tpu.memory_space<vmem>>, vector<1x16xf32>,
      %get3A_282 = vector.shape_cast %get3A_281 : vector<1x16xf32> to vector<16xf32>
      %shift_right_logical3A = arith.constant 3 : i32
      %shift_right_logical3A_283 = arith.shrui %scan3A_274, %shift_right_logical3A : i32
      %add3A_284 = arith.constant 32 : i32
      %add3A_285 = arith.addi %add3A_284, %shift_right_logical3A_283 : i32
      %rem3A = arith.constant 8 : i32
      %rem3A_286 = arith.remsi %scan3A_274, %rem3A : i32
      %shift_left3A = arith.constant 4 : i32
      %shift_left3A_287 = arith.shli %rem3A_286, %shift_left3A : i32
      %swap3A = arith.index_cast %add3A_285 : i32 to index
      %swap3A_288 = arith.index_cast %shift_left3A_287 : i32 to index
      %swap3A_289 = tpu.vector_load %arg24[%swap3A, %swap3A_288] {strides = array<i32>} : memref<64x128xf32, #tpu.memory_space<vmem>>, vector<1x16xf32>,
      %swap3A_290 = vector.shape_cast %swap3A_289 : vector<1x16xf32> to vector<16xf32>
      %swap3A_291 = vector.shape_cast %get3A_282 : vector<16xf32> to vector<1x16xf32>
      tpu.vector_store %arg24[%swap3A, %swap3A_288], %swap3A_291 {strides = array<i32>} : memref<64x128xf32, #tpu.memory_space<vmem>>, vector<1x16xf32>,
      %scan3A_292 = arith.constant 0 : i32
      scf.yield %scan3A_292 : i32
    }
    %scan3A_123 = arith.constant 128 : i32
    %dma_start3A_124 = arith.constant 0 : i32
    %dma_start3A_125 = tpu.memref_slice %arg13[%dma_start3A_124] : memref<512xi32, #tpu.memory_space<vmem>> -> memref<128xi32, #tpu.memory_space<vmem>>
    %dma_start3A_126 = arith.constant 0 : i32
    %dma_start3A_127 = arith.constant 0 : i32
    %dma_start3A_128 = tpu.memref_slice %arg8[%dma_start3A_126, %dma_start3A_127] : memref<125000x128xf32, #tpu.memory_space<hbm>> -> memref<125000x128xf32, #tpu.memory_space<hbm>>
    tpu.enqueue_indirect_dma source(%dma_start3A_128 : memref<125000x128xf32, #tpu.memory_space<hbm>>) target(%arg21 : memref<128x128xf32, #tpu.memory_space<vmem>>) offsets(%dma_start3A_125 : memref<128xi32, #tpu.memory_space<vmem>>) semaphore(%arg26 : memref<!tpu.dma_semaphore, #tpu.memory_space<semaphore_mem>>)
    %dma_wait3A_129 = arith.constant 384 : i32
    %dma_wait3A_130 = tpu.memref_slice %arg14[%dma_wait3A_129] : memref<512xi32, #tpu.memory_space<vmem>> -> memref<128xi32, #tpu.memory_space<vmem>>
    %dma_wait3A_131 = arith.constant 0 : i32
    %dma_wait3A_132 = arith.constant 0 : i32
    %dma_wait3A_133 = tpu.memref_slice %arg7[%dma_wait3A_131, %dma_wait3A_132] : memref<125000x128xf32, #tpu.memory_space<hbm>> -> memref<125000x128xf32, #tpu.memory_space<hbm>>
    tpu.wait_indirect_dma semaphore(%arg27 : memref<!tpu.dma_semaphore, #tpu.memory_space<semaphore_mem>>) src(%dma_wait3A_133 : memref<125000x128xf32, #tpu.memory_space<hbm>>) dst(%arg22 : memref<128x128xf32, #tpu.memory_space<vmem>>)
    %scan3A_134 = arith.constant 0 : i32
    %scan3A_135 = arith.constant 0 : i32
    %scan3A_136 = arith.constant 128 : i32
    %scan3A_137 = arith.addi %scan3A_135, %scan3A_136 : i32
    %scan3A_138 = arith.constant 1 : i32
    %scan3A_139 = scf.for %scan3A_274 = %scan3A_135 to %scan3A_137 step %scan3A_138 iter_args(%scan3A_275 = %scan3A_134) -> (i32)  : i32 {
      %add3A_276 = arith.constant 384 : i32
      %add3A_277 = arith.addi %add3A_276, %scan3A_274 : i32
      %get3A = arith.index_cast %add3A_277 : i32 to index
      %get3A_278 = memref.load %arg20[%get3A] : memref<512xi32, #tpu.memory_space<smem>>
      %get3A_279 = arith.index_cast %scan3A_274 : i32 to index
      %get3A_280 = arith.index_cast %get3A_278 : i32 to index
      %get3A_281 = tpu.vector_load %arg22[%get3A_279, %get3A_280] {strides = array<i32>} : memref<128x128xf32, #tpu.memory_space<vmem>>, vector<1x16xf32>,
      %get3A_282 = vector.shape_cast %get3A_281 : vector<1x16xf32> to vector<16xf32>
      %shift_right_logical3A = arith.constant 3 : i32
      %shift_right_logical3A_283 = arith.shrui %scan3A_274, %shift_right_logical3A : i32
      %add3A_284 = arith.constant 48 : i32
      %add3A_285 = arith.addi %add3A_284, %shift_right_logical3A_283 : i32
      %rem3A = arith.constant 8 : i32
      %rem3A_286 = arith.remsi %scan3A_274, %rem3A : i32
      %shift_left3A = arith.constant 4 : i32
      %shift_left3A_287 = arith.shli %rem3A_286, %shift_left3A : i32
      %swap3A = arith.index_cast %add3A_285 : i32 to index
      %swap3A_288 = arith.index_cast %shift_left3A_287 : i32 to index
      %swap3A_289 = tpu.vector_load %arg24[%swap3A, %swap3A_288] {strides = array<i32>} : memref<64x128xf32, #tpu.memory_space<vmem>>, vector<1x16xf32>,
      %swap3A_290 = vector.shape_cast %swap3A_289 : vector<1x16xf32> to vector<16xf32>
      %swap3A_291 = vector.shape_cast %get3A_282 : vector<16xf32> to vector<1x16xf32>
      tpu.vector_store %arg24[%swap3A, %swap3A_288], %swap3A_291 {strides = array<i32>} : memref<64x128xf32, #tpu.memory_space<vmem>>, vector<1x16xf32>,
      %scan3A_292 = arith.constant 0 : i32
      scf.yield %scan3A_292 : i32
    }
    %scan3A_140 = arith.constant 128 : i32
    %dma_start3A_141 = arith.constant 128 : i32
    %dma_start3A_142 = tpu.memref_slice %arg13[%dma_start3A_141] : memref<512xi32, #tpu.memory_space<vmem>> -> memref<128xi32, #tpu.memory_space<vmem>>
    %dma_start3A_143 = arith.constant 0 : i32
    %dma_start3A_144 = arith.constant 0 : i32
    %dma_start3A_145 = tpu.memref_slice %arg8[%dma_start3A_143, %dma_start3A_144] : memref<125000x128xf32, #tpu.memory_space<hbm>> -> memref<125000x128xf32, #tpu.memory_space<hbm>>
    tpu.enqueue_indirect_dma source(%dma_start3A_145 : memref<125000x128xf32, #tpu.memory_space<hbm>>) target(%arg22 : memref<128x128xf32, #tpu.memory_space<vmem>>) offsets(%dma_start3A_142 : memref<128xi32, #tpu.memory_space<vmem>>) semaphore(%arg27 : memref<!tpu.dma_semaphore, #tpu.memory_space<semaphore_mem>>)
    %dma_wait3A_146 = arith.constant 0 : i32
    %dma_wait3A_147 = tpu.memref_slice %arg13[%dma_wait3A_146] : memref<512xi32, #tpu.memory_space<vmem>> -> memref<128xi32, #tpu.memory_space<vmem>>
    %dma_wait3A_148 = arith.constant 0 : i32
    %dma_wait3A_149 = arith.constant 0 : i32
    %dma_wait3A_150 = tpu.memref_slice %arg8[%dma_wait3A_148, %dma_wait3A_149] : memref<125000x128xf32, #tpu.memory_space<hbm>> -> memref<125000x128xf32, #tpu.memory_space<hbm>>
    tpu.wait_indirect_dma semaphore(%arg26 : memref<!tpu.dma_semaphore, #tpu.memory_space<semaphore_mem>>) src(%dma_wait3A_150 : memref<125000x128xf32, #tpu.memory_space<hbm>>) dst(%arg21 : memref<128x128xf32, #tpu.memory_space<vmem>>)
    %scan3A_151 = arith.constant 0 : i32
    %scan3A_152 = arith.constant 0 : i32
    %scan3A_153 = arith.constant 128 : i32
    %scan3A_154 = arith.addi %scan3A_152, %scan3A_153 : i32
    %scan3A_155 = arith.constant 1 : i32
    %scan3A_156 = scf.for %scan3A_274 = %scan3A_152 to %scan3A_154 step %scan3A_155 iter_args(%scan3A_275 = %scan3A_151) -> (i32)  : i32 {
      %add3A_276 = arith.constant 0 : i32
      %add3A_277 = arith.addi %add3A_276, %scan3A_274 : i32
      %get3A = arith.index_cast %add3A_277 : i32 to index
      %get3A_278 = memref.load %arg19[%get3A] : memref<512xi32, #tpu.memory_space<smem>>
      %get3A_279 = arith.index_cast %scan3A_274 : i32 to index
      %get3A_280 = arith.index_cast %get3A_278 : i32 to index
      %get3A_281 = tpu.vector_load %arg21[%get3A_279, %get3A_280] {strides = array<i32>} : memref<128x128xf32, #tpu.memory_space<vmem>>, vector<1x16xf32>,
      %get3A_282 = vector.shape_cast %get3A_281 : vector<1x16xf32> to vector<16xf32>
      %shift_right_logical3A = arith.constant 3 : i32
      %shift_right_logical3A_283 = arith.shrui %scan3A_274, %shift_right_logical3A : i32
      %add3A_284 = arith.constant 0 : i32
      %add3A_285 = arith.addi %add3A_284, %shift_right_logical3A_283 : i32
      %rem3A = arith.constant 8 : i32
      %rem3A_286 = arith.remsi %scan3A_274, %rem3A : i32
      %shift_left3A = arith.constant 4 : i32
      %shift_left3A_287 = arith.shli %rem3A_286, %shift_left3A : i32
      %swap3A = arith.index_cast %add3A_285 : i32 to index
      %swap3A_288 = arith.index_cast %shift_left3A_287 : i32 to index
      %swap3A_289 = tpu.vector_load %arg25[%swap3A, %swap3A_288] {strides = array<i32>} : memref<64x128xf32, #tpu.memory_space<vmem>>, vector<1x16xf32>,
      %swap3A_290 = vector.shape_cast %swap3A_289 : vector<1x16xf32> to vector<16xf32>
      %swap3A_291 = vector.shape_cast %get3A_282 : vector<16xf32> to vector<1x16xf32>
      tpu.vector_store %arg25[%swap3A, %swap3A_288], %swap3A_291 {strides = array<i32>} : memref<64x128xf32, #tpu.memory_space<vmem>>, vector<1x16xf32>,
      %scan3A_292 = arith.constant 0 : i32
      scf.yield %scan3A_292 : i32
    }
    %scan3A_157 = arith.constant 128 : i32
    %dma_start3A_158 = arith.constant 256 : i32
    %dma_start3A_159 = tpu.memref_slice %arg13[%dma_start3A_158] : memref<512xi32, #tpu.memory_space<vmem>> -> memref<128xi32, #tpu.memory_space<vmem>>
    %dma_start3A_160 = arith.constant 0 : i32
    %dma_start3A_161 = arith.constant 0 : i32
    %dma_start3A_162 = tpu.memref_slice %arg8[%dma_start3A_160, %dma_start3A_161] : memref<125000x128xf32, #tpu.memory_space<hbm>> -> memref<125000x128xf32, #tpu.memory_space<hbm>>
    tpu.enqueue_indirect_dma source(%dma_start3A_162 : memref<125000x128xf32, #tpu.memory_space<hbm>>) target(%arg21 : memref<128x128xf32, #tpu.memory_space<vmem>>) offsets(%dma_start3A_159 : memref<128xi32, #tpu.memory_space<vmem>>) semaphore(%arg26 : memref<!tpu.dma_semaphore, #tpu.memory_space<semaphore_mem>>)
    %dma_wait3A_163 = arith.constant 128 : i32
    %dma_wait3A_164 = tpu.memref_slice %arg13[%dma_wait3A_163] : memref<512xi32, #tpu.memory_space<vmem>> -> memref<128xi32, #tpu.memory_space<vmem>>
    %dma_wait3A_165 = arith.constant 0 : i32
    %dma_wait3A_166 = arith.constant 0 : i32
    %dma_wait3A_167 = tpu.memref_slice %arg8[%dma_wait3A_165, %dma_wait3A_166] : memref<125000x128xf32, #tpu.memory_space<hbm>> -> memref<125000x128xf32, #tpu.memory_space<hbm>>
    tpu.wait_indirect_dma semaphore(%arg27 : memref<!tpu.dma_semaphore, #tpu.memory_space<semaphore_mem>>) src(%dma_wait3A_167 : memref<125000x128xf32, #tpu.memory_space<hbm>>) dst(%arg22 : memref<128x128xf32, #tpu.memory_space<vmem>>)
    %scan3A_168 = arith.constant 0 : i32
    %scan3A_169 = arith.constant 0 : i32
    %scan3A_170 = arith.constant 128 : i32
    %scan3A_171 = arith.addi %scan3A_169, %scan3A_170 : i32
    %scan3A_172 = arith.constant 1 : i32
    %scan3A_173 = scf.for %scan3A_274 = %scan3A_169 to %scan3A_171 step %scan3A_172 iter_args(%scan3A_275 = %scan3A_168) -> (i32)  : i32 {
      %add3A_276 = arith.constant 128 : i32
      %add3A_277 = arith.addi %add3A_276, %scan3A_274 : i32
      %get3A = arith.index_cast %add3A_277 : i32 to index
      %get3A_278 = memref.load %arg19[%get3A] : memref<512xi32, #tpu.memory_space<smem>>
      %get3A_279 = arith.index_cast %scan3A_274 : i32 to index
      %get3A_280 = arith.index_cast %get3A_278 : i32 to index
      %get3A_281 = tpu.vector_load %arg22[%get3A_279, %get3A_280] {strides = array<i32>} : memref<128x128xf32, #tpu.memory_space<vmem>>, vector<1x16xf32>,
      %get3A_282 = vector.shape_cast %get3A_281 : vector<1x16xf32> to vector<16xf32>
      %shift_right_logical3A = arith.constant 3 : i32
      %shift_right_logical3A_283 = arith.shrui %scan3A_274, %shift_right_logical3A : i32
      %add3A_284 = arith.constant 16 : i32
      %add3A_285 = arith.addi %add3A_284, %shift_right_logical3A_283 : i32
      %rem3A = arith.constant 8 : i32
      %rem3A_286 = arith.remsi %scan3A_274, %rem3A : i32
      %shift_left3A = arith.constant 4 : i32
      %shift_left3A_287 = arith.shli %rem3A_286, %shift_left3A : i32
      %swap3A = arith.index_cast %add3A_285 : i32 to index
      %swap3A_288 = arith.index_cast %shift_left3A_287 : i32 to index
      %swap3A_289 = tpu.vector_load %arg25[%swap3A, %swap3A_288] {strides = array<i32>} : memref<64x128xf32, #tpu.memory_space<vmem>>, vector<1x16xf32>,
      %swap3A_290 = vector.shape_cast %swap3A_289 : vector<1x16xf32> to vector<16xf32>
      %swap3A_291 = vector.shape_cast %get3A_282 : vector<16xf32> to vector<1x16xf32>
      tpu.vector_store %arg25[%swap3A, %swap3A_288], %swap3A_291 {strides = array<i32>} : memref<64x128xf32, #tpu.memory_space<vmem>>, vector<1x16xf32>,
      %scan3A_292 = arith.constant 0 : i32
      scf.yield %scan3A_292 : i32
    }
    %scan3A_174 = arith.constant 128 : i32
    %dma_start3A_175 = arith.constant 384 : i32
    %dma_start3A_176 = tpu.memref_slice %arg13[%dma_start3A_175] : memref<512xi32, #tpu.memory_space<vmem>> -> memref<128xi32, #tpu.memory_space<vmem>>
    %dma_start3A_177 = arith.constant 0 : i32
    %dma_start3A_178 = arith.constant 0 : i32
    %dma_start3A_179 = tpu.memref_slice %arg8[%dma_start3A_177, %dma_start3A_178] : memref<125000x128xf32, #tpu.memory_space<hbm>> -> memref<125000x128xf32, #tpu.memory_space<hbm>>
    tpu.enqueue_indirect_dma source(%dma_start3A_179 : memref<125000x128xf32, #tpu.memory_space<hbm>>) target(%arg22 : memref<128x128xf32, #tpu.memory_space<vmem>>) offsets(%dma_start3A_176 : memref<128xi32, #tpu.memory_space<vmem>>) semaphore(%arg27 : memref<!tpu.dma_semaphore, #tpu.memory_space<semaphore_mem>>)
    %dma_wait3A_180 = arith.constant 256 : i32
    %dma_wait3A_181 = tpu.memref_slice %arg13[%dma_wait3A_180] : memref<512xi32, #tpu.memory_space<vmem>> -> memref<128xi32, #tpu.memory_space<vmem>>
    %dma_wait3A_182 = arith.constant 0 : i32
    %dma_wait3A_183 = arith.constant 0 : i32
    %dma_wait3A_184 = tpu.memref_slice %arg8[%dma_wait3A_182, %dma_wait3A_183] : memref<125000x128xf32, #tpu.memory_space<hbm>> -> memref<125000x128xf32, #tpu.memory_space<hbm>>
    tpu.wait_indirect_dma semaphore(%arg26 : memref<!tpu.dma_semaphore, #tpu.memory_space<semaphore_mem>>) src(%dma_wait3A_184 : memref<125000x128xf32, #tpu.memory_space<hbm>>) dst(%arg21 : memref<128x128xf32, #tpu.memory_space<vmem>>)
    %scan3A_185 = arith.constant 0 : i32
    %scan3A_186 = arith.constant 0 : i32
    %scan3A_187 = arith.constant 128 : i32
    %scan3A_188 = arith.addi %scan3A_186, %scan3A_187 : i32
    %scan3A_189 = arith.constant 1 : i32
    %scan3A_190 = scf.for %scan3A_274 = %scan3A_186 to %scan3A_188 step %scan3A_189 iter_args(%scan3A_275 = %scan3A_185) -> (i32)  : i32 {
      %add3A_276 = arith.constant 256 : i32
      %add3A_277 = arith.addi %add3A_276, %scan3A_274 : i32
      %get3A = arith.index_cast %add3A_277 : i32 to index
      %get3A_278 = memref.load %arg19[%get3A] : memref<512xi32, #tpu.memory_space<smem>>
      %get3A_279 = arith.index_cast %scan3A_274 : i32 to index
      %get3A_280 = arith.index_cast %get3A_278 : i32 to index
      %get3A_281 = tpu.vector_load %arg21[%get3A_279, %get3A_280] {strides = array<i32>} : memref<128x128xf32, #tpu.memory_space<vmem>>, vector<1x16xf32>,
      %get3A_282 = vector.shape_cast %get3A_281 : vector<1x16xf32> to vector<16xf32>
      %shift_right_logical3A = arith.constant 3 : i32
      %shift_right_logical3A_283 = arith.shrui %scan3A_274, %shift_right_logical3A : i32
      %add3A_284 = arith.constant 32 : i32
      %add3A_285 = arith.addi %add3A_284, %shift_right_logical3A_283 : i32
      %rem3A = arith.constant 8 : i32
      %rem3A_286 = arith.remsi %scan3A_274, %rem3A : i32
      %shift_left3A = arith.constant 4 : i32
      %shift_left3A_287 = arith.shli %rem3A_286, %shift_left3A : i32
      %swap3A = arith.index_cast %add3A_285 : i32 to index
      %swap3A_288 = arith.index_cast %shift_left3A_287 : i32 to index
      %swap3A_289 = tpu.vector_load %arg25[%swap3A, %swap3A_288] {strides = array<i32>} : memref<64x128xf32, #tpu.memory_space<vmem>>, vector<1x16xf32>,
      %swap3A_290 = vector.shape_cast %swap3A_289 : vector<1x16xf32> to vector<16xf32>
      %swap3A_291 = vector.shape_cast %get3A_282 : vector<16xf32> to vector<1x16xf32>
      tpu.vector_store %arg25[%swap3A, %swap3A_288], %swap3A_291 {strides = array<i32>} : memref<64x128xf32, #tpu.memory_space<vmem>>, vector<1x16xf32>,
      %scan3A_292 = arith.constant 0 : i32
      scf.yield %scan3A_292 : i32
    }
    %scan3A_191 = arith.constant 128 : i32
    %dma_start3A_192 = arith.constant 0 : i32
    %dma_start3A_193 = tpu.memref_slice %arg14[%dma_start3A_192] : memref<512xi32, #tpu.memory_space<vmem>> -> memref<128xi32, #tpu.memory_space<vmem>>
    %dma_start3A_194 = arith.constant 0 : i32
    %dma_start3A_195 = arith.constant 0 : i32
    %dma_start3A_196 = tpu.memref_slice %arg9[%dma_start3A_194, %dma_start3A_195] : memref<125000x128xf32, #tpu.memory_space<hbm>> -> memref<125000x128xf32, #tpu.memory_space<hbm>>
    tpu.enqueue_indirect_dma source(%dma_start3A_196 : memref<125000x128xf32, #tpu.memory_space<hbm>>) target(%arg21 : memref<128x128xf32, #tpu.memory_space<vmem>>) offsets(%dma_start3A_193 : memref<128xi32, #tpu.memory_space<vmem>>) semaphore(%arg26 : memref<!tpu.dma_semaphore, #tpu.memory_space<semaphore_mem>>)
    %dma_wait3A_197 = arith.constant 384 : i32
    %dma_wait3A_198 = tpu.memref_slice %arg13[%dma_wait3A_197] : memref<512xi32, #tpu.memory_space<vmem>> -> memref<128xi32, #tpu.memory_space<vmem>>
    %dma_wait3A_199 = arith.constant 0 : i32
    %dma_wait3A_200 = arith.constant 0 : i32
    %dma_wait3A_201 = tpu.memref_slice %arg8[%dma_wait3A_199, %dma_wait3A_200] : memref<125000x128xf32, #tpu.memory_space<hbm>> -> memref<125000x128xf32, #tpu.memory_space<hbm>>
    tpu.wait_indirect_dma semaphore(%arg27 : memref<!tpu.dma_semaphore, #tpu.memory_space<semaphore_mem>>) src(%dma_wait3A_201 : memref<125000x128xf32, #tpu.memory_space<hbm>>) dst(%arg22 : memref<128x128xf32, #tpu.memory_space<vmem>>)
    %scan3A_202 = arith.constant 0 : i32
    %scan3A_203 = arith.constant 0 : i32
    %scan3A_204 = arith.constant 128 : i32
    %scan3A_205 = arith.addi %scan3A_203, %scan3A_204 : i32
    %scan3A_206 = arith.constant 1 : i32
    %scan3A_207 = scf.for %scan3A_274 = %scan3A_203 to %scan3A_205 step %scan3A_206 iter_args(%scan3A_275 = %scan3A_202) -> (i32)  : i32 {
      %add3A_276 = arith.constant 384 : i32
      %add3A_277 = arith.addi %add3A_276, %scan3A_274 : i32
      %get3A = arith.index_cast %add3A_277 : i32 to index
      %get3A_278 = memref.load %arg19[%get3A] : memref<512xi32, #tpu.memory_space<smem>>
      %get3A_279 = arith.index_cast %scan3A_274 : i32 to index
      %get3A_280 = arith.index_cast %get3A_278 : i32 to index
      %get3A_281 = tpu.vector_load %arg22[%get3A_279, %get3A_280] {strides = array<i32>} : memref<128x128xf32, #tpu.memory_space<vmem>>, vector<1x16xf32>,
      %get3A_282 = vector.shape_cast %get3A_281 : vector<1x16xf32> to vector<16xf32>
      %shift_right_logical3A = arith.constant 3 : i32
      %shift_right_logical3A_283 = arith.shrui %scan3A_274, %shift_right_logical3A : i32
      %add3A_284 = arith.constant 48 : i32
      %add3A_285 = arith.addi %add3A_284, %shift_right_logical3A_283 : i32
      %rem3A = arith.constant 8 : i32
      %rem3A_286 = arith.remsi %scan3A_274, %rem3A : i32
      %shift_left3A = arith.constant 4 : i32
      %shift_left3A_287 = arith.shli %rem3A_286, %shift_left3A : i32
      %swap3A = arith.index_cast %add3A_285 : i32 to index
      %swap3A_288 = arith.index_cast %shift_left3A_287 : i32 to index
      %swap3A_289 = tpu.vector_load %arg25[%swap3A, %swap3A_288] {strides = array<i32>} : memref<64x128xf32, #tpu.memory_space<vmem>>, vector<1x16xf32>,
      %swap3A_290 = vector.shape_cast %swap3A_289 : vector<1x16xf32> to vector<16xf32>
      %swap3A_291 = vector.shape_cast %get3A_282 : vector<16xf32> to vector<1x16xf32>
      tpu.vector_store %arg25[%swap3A, %swap3A_288], %swap3A_291 {strides = array<i32>} : memref<64x128xf32, #tpu.memory_space<vmem>>, vector<1x16xf32>,
      %scan3A_292 = arith.constant 0 : i32
      scf.yield %scan3A_292 : i32
    }
    %scan3A_208 = arith.constant 128 : i32
    %dma_start3A_209 = arith.constant 128 : i32
    %dma_start3A_210 = tpu.memref_slice %arg14[%dma_start3A_209] : memref<512xi32, #tpu.memory_space<vmem>> -> memref<128xi32, #tpu.memory_space<vmem>>
    %dma_start3A_211 = arith.constant 0 : i32
    %dma_start3A_212 = arith.constant 0 : i32
    %dma_start3A_213 = tpu.memref_slice %arg9[%dma_start3A_211, %dma_start3A_212] : memref<125000x128xf32, #tpu.memory_space<hbm>> -> memref<125000x128xf32, #tpu.memory_space<hbm>>
    tpu.enqueue_indirect_dma source(%dma_start3A_213 : memref<125000x128xf32, #tpu.memory_space<hbm>>) target(%arg22 : memref<128x128xf32, #tpu.memory_space<vmem>>) offsets(%dma_start3A_210 : memref<128xi32, #tpu.memory_space<vmem>>) semaphore(%arg27 : memref<!tpu.dma_semaphore, #tpu.memory_space<semaphore_mem>>)
    %dma_wait3A_214 = arith.constant 0 : i32
    %dma_wait3A_215 = tpu.memref_slice %arg14[%dma_wait3A_214] : memref<512xi32, #tpu.memory_space<vmem>> -> memref<128xi32, #tpu.memory_space<vmem>>
    %dma_wait3A_216 = arith.constant 0 : i32
    %dma_wait3A_217 = arith.constant 0 : i32
    %dma_wait3A_218 = tpu.memref_slice %arg9[%dma_wait3A_216, %dma_wait3A_217] : memref<125000x128xf32, #tpu.memory_space<hbm>> -> memref<125000x128xf32, #tpu.memory_space<hbm>>
    tpu.wait_indirect_dma semaphore(%arg26 : memref<!tpu.dma_semaphore, #tpu.memory_space<semaphore_mem>>) src(%dma_wait3A_218 : memref<125000x128xf32, #tpu.memory_space<hbm>>) dst(%arg21 : memref<128x128xf32, #tpu.memory_space<vmem>>)
    %scan3A_219 = arith.constant 0 : i32
    %scan3A_220 = arith.constant 0 : i32
    %scan3A_221 = arith.constant 128 : i32
    %scan3A_222 = arith.addi %scan3A_220, %scan3A_221 : i32
    %scan3A_223 = arith.constant 1 : i32
    %scan3A_224 = scf.for %scan3A_274 = %scan3A_220 to %scan3A_222 step %scan3A_223 iter_args(%scan3A_275 = %scan3A_219) -> (i32)  : i32 {
      %add3A_276 = arith.constant 0 : i32
      %add3A_277 = arith.addi %add3A_276, %scan3A_274 : i32
      %get3A = arith.index_cast %add3A_277 : i32 to index
      %get3A_278 = memref.load %arg20[%get3A] : memref<512xi32, #tpu.memory_space<smem>>
      %get3A_279 = arith.index_cast %scan3A_274 : i32 to index
      %get3A_280 = arith.index_cast %get3A_278 : i32 to index
      %get3A_281 = tpu.vector_load %arg21[%get3A_279, %get3A_280] {strides = array<i32>} : memref<128x128xf32, #tpu.memory_space<vmem>>, vector<1x16xf32>,
      %get3A_282 = vector.shape_cast %get3A_281 : vector<1x16xf32> to vector<16xf32>
      %shift_right_logical3A = arith.constant 3 : i32
      %shift_right_logical3A_283 = arith.shrui %scan3A_274, %shift_right_logical3A : i32
      %add3A_284 = arith.constant 0 : i32
      %add3A_285 = arith.addi %add3A_284, %shift_right_logical3A_283 : i32
      %rem3A = arith.constant 8 : i32
      %rem3A_286 = arith.remsi %scan3A_274, %rem3A : i32
      %shift_left3A = arith.constant 4 : i32
      %shift_left3A_287 = arith.shli %rem3A_286, %shift_left3A : i32
      %get3A_288 = arith.index_cast %add3A_285 : i32 to index
      %get3A_289 = arith.index_cast %shift_left3A_287 : i32 to index
      %get3A_290 = tpu.vector_load %arg25[%get3A_288, %get3A_289] {strides = array<i32>} : memref<64x128xf32, #tpu.memory_space<vmem>>, vector<1x16xf32>,
      %get3A_291 = vector.shape_cast %get3A_290 : vector<1x16xf32> to vector<16xf32>
      %mul3A_292 = arith.mulf %get3A_291, %get3A_282 : vector<16xf32>
      %swap3A = arith.index_cast %add3A_285 : i32 to index
      %swap3A_293 = arith.index_cast %shift_left3A_287 : i32 to index
      %swap3A_294 = tpu.vector_load %arg25[%swap3A, %swap3A_293] {strides = array<i32>} : memref<64x128xf32, #tpu.memory_space<vmem>>, vector<1x16xf32>,
      %swap3A_295 = vector.shape_cast %swap3A_294 : vector<1x16xf32> to vector<16xf32>
      %swap3A_296 = vector.shape_cast %mul3A_292 : vector<16xf32> to vector<1x16xf32>
      tpu.vector_store %arg25[%swap3A, %swap3A_293], %swap3A_296 {strides = array<i32>} : memref<64x128xf32, #tpu.memory_space<vmem>>, vector<1x16xf32>,
      %scan3A_297 = arith.constant 0 : i32
      scf.yield %scan3A_297 : i32
    }
    %scan3A_225 = arith.constant 128 : i32
    %dma_start3A_226 = arith.constant 256 : i32
    %dma_start3A_227 = tpu.memref_slice %arg14[%dma_start3A_226] : memref<512xi32, #tpu.memory_space<vmem>> -> memref<128xi32, #tpu.memory_space<vmem>>
    %dma_start3A_228 = arith.constant 0 : i32
    %dma_start3A_229 = arith.constant 0 : i32
    %dma_start3A_230 = tpu.memref_slice %arg9[%dma_start3A_228, %dma_start3A_229] : memref<125000x128xf32, #tpu.memory_space<hbm>> -> memref<125000x128xf32, #tpu.memory_space<hbm>>
    tpu.enqueue_indirect_dma source(%dma_start3A_230 : memref<125000x128xf32, #tpu.memory_space<hbm>>) target(%arg21 : memref<128x128xf32, #tpu.memory_space<vmem>>) offsets(%dma_start3A_227 : memref<128xi32, #tpu.memory_space<vmem>>) semaphore(%arg26 : memref<!tpu.dma_semaphore, #tpu.memory_space<semaphore_mem>>)
    %dma_wait3A_231 = arith.constant 128 : i32
    %dma_wait3A_232 = tpu.memref_slice %arg14[%dma_wait3A_231] : memref<512xi32, #tpu.memory_space<vmem>> -> memref<128xi32, #tpu.memory_space<vmem>>
    %dma_wait3A_233 = arith.constant 0 : i32
    %dma_wait3A_234 = arith.constant 0 : i32
    %dma_wait3A_235 = tpu.memref_slice %arg9[%dma_wait3A_233, %dma_wait3A_234] : memref<125000x128xf32, #tpu.memory_space<hbm>> -> memref<125000x128xf32, #tpu.memory_space<hbm>>
    tpu.wait_indirect_dma semaphore(%arg27 : memref<!tpu.dma_semaphore, #tpu.memory_space<semaphore_mem>>) src(%dma_wait3A_235 : memref<125000x128xf32, #tpu.memory_space<hbm>>) dst(%arg22 : memref<128x128xf32, #tpu.memory_space<vmem>>)
    %scan3A_236 = arith.constant 0 : i32
    %scan3A_237 = arith.constant 0 : i32
    %scan3A_238 = arith.constant 128 : i32
    %scan3A_239 = arith.addi %scan3A_237, %scan3A_238 : i32
    %scan3A_240 = arith.constant 1 : i32
    %scan3A_241 = scf.for %scan3A_274 = %scan3A_237 to %scan3A_239 step %scan3A_240 iter_args(%scan3A_275 = %scan3A_236) -> (i32)  : i32 {
      %add3A_276 = arith.constant 128 : i32
      %add3A_277 = arith.addi %add3A_276, %scan3A_274 : i32
      %get3A = arith.index_cast %add3A_277 : i32 to index
      %get3A_278 = memref.load %arg20[%get3A] : memref<512xi32, #tpu.memory_space<smem>>
      %get3A_279 = arith.index_cast %scan3A_274 : i32 to index
      %get3A_280 = arith.index_cast %get3A_278 : i32 to index
      %get3A_281 = tpu.vector_load %arg22[%get3A_279, %get3A_280] {strides = array<i32>} : memref<128x128xf32, #tpu.memory_space<vmem>>, vector<1x16xf32>,
      %get3A_282 = vector.shape_cast %get3A_281 : vector<1x16xf32> to vector<16xf32>
      %shift_right_logical3A = arith.constant 3 : i32
      %shift_right_logical3A_283 = arith.shrui %scan3A_274, %shift_right_logical3A : i32
      %add3A_284 = arith.constant 16 : i32
      %add3A_285 = arith.addi %add3A_284, %shift_right_logical3A_283 : i32
      %rem3A = arith.constant 8 : i32
      %rem3A_286 = arith.remsi %scan3A_274, %rem3A : i32
      %shift_left3A = arith.constant 4 : i32
      %shift_left3A_287 = arith.shli %rem3A_286, %shift_left3A : i32
      %get3A_288 = arith.index_cast %add3A_285 : i32 to index
      %get3A_289 = arith.index_cast %shift_left3A_287 : i32 to index
      %get3A_290 = tpu.vector_load %arg25[%get3A_288, %get3A_289] {strides = array<i32>} : memref<64x128xf32, #tpu.memory_space<vmem>>, vector<1x16xf32>,
      %get3A_291 = vector.shape_cast %get3A_290 : vector<1x16xf32> to vector<16xf32>
      %mul3A_292 = arith.mulf %get3A_291, %get3A_282 : vector<16xf32>
      %swap3A = arith.index_cast %add3A_285 : i32 to index
      %swap3A_293 = arith.index_cast %shift_left3A_287 : i32 to index
      %swap3A_294 = tpu.vector_load %arg25[%swap3A, %swap3A_293] {strides = array<i32>} : memref<64x128xf32, #tpu.memory_space<vmem>>, vector<1x16xf32>,
      %swap3A_295 = vector.shape_cast %swap3A_294 : vector<1x16xf32> to vector<16xf32>
      %swap3A_296 = vector.shape_cast %mul3A_292 : vector<16xf32> to vector<1x16xf32>
      tpu.vector_store %arg25[%swap3A, %swap3A_293], %swap3A_296 {strides = array<i32>} : memref<64x128xf32, #tpu.memory_space<vmem>>, vector<1x16xf32>,
      %scan3A_297 = arith.constant 0 : i32
      scf.yield %scan3A_297 : i32
    }
    %scan3A_242 = arith.constant 128 : i32
    %dma_start3A_243 = arith.constant 384 : i32
    %dma_start3A_244 = tpu.memref_slice %arg14[%dma_start3A_243] : memref<512xi32, #tpu.memory_space<vmem>> -> memref<128xi32, #tpu.memory_space<vmem>>
    %dma_start3A_245 = arith.constant 0 : i32
    %dma_start3A_246 = arith.constant 0 : i32
    %dma_start3A_247 = tpu.memref_slice %arg9[%dma_start3A_245, %dma_start3A_246] : memref<125000x128xf32, #tpu.memory_space<hbm>> -> memref<125000x128xf32, #tpu.memory_space<hbm>>
    tpu.enqueue_indirect_dma source(%dma_start3A_247 : memref<125000x128xf32, #tpu.memory_space<hbm>>) target(%arg22 : memref<128x128xf32, #tpu.memory_space<vmem>>) offsets(%dma_start3A_244 : memref<128xi32, #tpu.memory_space<vmem>>) semaphore(%arg27 : memref<!tpu.dma_semaphore, #tpu.memory_space<semaphore_mem>>)
    %dma_wait3A_248 = arith.constant 256 : i32
    %dma_wait3A_249 = tpu.memref_slice %arg14[%dma_wait3A_248] : memref<512xi32, #tpu.memory_space<vmem>> -> memref<128xi32, #tpu.memory_space<vmem>>
    %dma_wait3A_250 = arith.constant 0 : i32
    %dma_wait3A_251 = arith.constant 0 : i32
    %dma_wait3A_252 = tpu.memref_slice %arg9[%dma_wait3A_250, %dma_wait3A_251] : memref<125000x128xf32, #tpu.memory_space<hbm>> -> memref<125000x128xf32, #tpu.memory_space<hbm>>
    tpu.wait_indirect_dma semaphore(%arg26 : memref<!tpu.dma_semaphore, #tpu.memory_space<semaphore_mem>>) src(%dma_wait3A_252 : memref<125000x128xf32, #tpu.memory_space<hbm>>) dst(%arg21 : memref<128x128xf32, #tpu.memory_space<vmem>>)
    %scan3A_253 = arith.constant 0 : i32
    %scan3A_254 = arith.constant 0 : i32
    %scan3A_255 = arith.constant 128 : i32
    %scan3A_256 = arith.addi %scan3A_254, %scan3A_255 : i32
    %scan3A_257 = arith.constant 1 : i32
    %scan3A_258 = scf.for %scan3A_274 = %scan3A_254 to %scan3A_256 step %scan3A_257 iter_args(%scan3A_275 = %scan3A_253) -> (i32)  : i32 {
      %add3A_276 = arith.constant 256 : i32
      %add3A_277 = arith.addi %add3A_276, %scan3A_274 : i32
      %get3A = arith.index_cast %add3A_277 : i32 to index
      %get3A_278 = memref.load %arg20[%get3A] : memref<512xi32, #tpu.memory_space<smem>>
      %get3A_279 = arith.index_cast %scan3A_274 : i32 to index
      %get3A_280 = arith.index_cast %get3A_278 : i32 to index
      %get3A_281 = tpu.vector_load %arg21[%get3A_279, %get3A_280] {strides = array<i32>} : memref<128x128xf32, #tpu.memory_space<vmem>>, vector<1x16xf32>,
      %get3A_282 = vector.shape_cast %get3A_281 : vector<1x16xf32> to vector<16xf32>
      %shift_right_logical3A = arith.constant 3 : i32
      %shift_right_logical3A_283 = arith.shrui %scan3A_274, %shift_right_logical3A : i32
      %add3A_284 = arith.constant 32 : i32
      %add3A_285 = arith.addi %add3A_284, %shift_right_logical3A_283 : i32
      %rem3A = arith.constant 8 : i32
      %rem3A_286 = arith.remsi %scan3A_274, %rem3A : i32
      %shift_left3A = arith.constant 4 : i32
      %shift_left3A_287 = arith.shli %rem3A_286, %shift_left3A : i32
      %get3A_288 = arith.index_cast %add3A_285 : i32 to index
      %get3A_289 = arith.index_cast %shift_left3A_287 : i32 to index
      %get3A_290 = tpu.vector_load %arg25[%get3A_288, %get3A_289] {strides = array<i32>} : memref<64x128xf32, #tpu.memory_space<vmem>>, vector<1x16xf32>,
      %get3A_291 = vector.shape_cast %get3A_290 : vector<1x16xf32> to vector<16xf32>
      %mul3A_292 = arith.mulf %get3A_291, %get3A_282 : vector<16xf32>
      %swap3A = arith.index_cast %add3A_285 : i32 to index
      %swap3A_293 = arith.index_cast %shift_left3A_287 : i32 to index
      %swap3A_294 = tpu.vector_load %arg25[%swap3A, %swap3A_293] {strides = array<i32>} : memref<64x128xf32, #tpu.memory_space<vmem>>, vector<1x16xf32>,
      %swap3A_295 = vector.shape_cast %swap3A_294 : vector<1x16xf32> to vector<16xf32>
      %swap3A_296 = vector.shape_cast %mul3A_292 : vector<16xf32> to vector<1x16xf32>
      tpu.vector_store %arg25[%swap3A, %swap3A_293], %swap3A_296 {strides = array<i32>} : memref<64x128xf32, #tpu.memory_space<vmem>>, vector<1x16xf32>,
      %scan3A_297 = arith.constant 0 : i32
      scf.yield %scan3A_297 : i32
    }
    %scan3A_259 = arith.constant 128 : i32
    %dma_wait3A_260 = arith.constant 384 : i32
    %dma_wait3A_261 = tpu.memref_slice %arg14[%dma_wait3A_260] : memref<512xi32, #tpu.memory_space<vmem>> -> memref<128xi32, #tpu.memory_space<vmem>>
    %dma_wait3A_262 = arith.constant 0 : i32
    %dma_wait3A_263 = arith.constant 0 : i32
    %dma_wait3A_264 = tpu.memref_slice %arg9[%dma_wait3A_262, %dma_wait3A_263] : memref<125000x128xf32, #tpu.memory_space<hbm>> -> memref<125000x128xf32, #tpu.memory_space<hbm>>
    tpu.wait_indirect_dma semaphore(%arg27 : memref<!tpu.dma_semaphore, #tpu.memory_space<semaphore_mem>>) src(%dma_wait3A_264 : memref<125000x128xf32, #tpu.memory_space<hbm>>) dst(%arg22 : memref<128x128xf32, #tpu.memory_space<vmem>>)
    %scan3A_265 = arith.constant 0 : i32
    %scan3A_266 = arith.constant 0 : i32
    %scan3A_267 = arith.constant 128 : i32
    %scan3A_268 = arith.addi %scan3A_266, %scan3A_267 : i32
    %scan3A_269 = arith.constant 1 : i32
    %scan3A_270 = scf.for %scan3A_274 = %scan3A_266 to %scan3A_268 step %scan3A_269 iter_args(%scan3A_275 = %scan3A_265) -> (i32)  : i32 {
      %add3A_276 = arith.constant 384 : i32
      %add3A_277 = arith.addi %add3A_276, %scan3A_274 : i32
      %get3A = arith.index_cast %add3A_277 : i32 to index
      %get3A_278 = memref.load %arg20[%get3A] : memref<512xi32, #tpu.memory_space<smem>>
      %get3A_279 = arith.index_cast %scan3A_274 : i32 to index
      %get3A_280 = arith.index_cast %get3A_278 : i32 to index
      %get3A_281 = tpu.vector_load %arg22[%get3A_279, %get3A_280] {strides = array<i32>} : memref<128x128xf32, #tpu.memory_space<vmem>>, vector<1x16xf32>,
      %get3A_282 = vector.shape_cast %get3A_281 : vector<1x16xf32> to vector<16xf32>
      %shift_right_logical3A = arith.constant 3 : i32
      %shift_right_logical3A_283 = arith.shrui %scan3A_274, %shift_right_logical3A : i32
      %add3A_284 = arith.constant 48 : i32
      %add3A_285 = arith.addi %add3A_284, %shift_right_logical3A_283 : i32
      %rem3A = arith.constant 8 : i32
      %rem3A_286 = arith.remsi %scan3A_274, %rem3A : i32
      %shift_left3A = arith.constant 4 : i32
      %shift_left3A_287 = arith.shli %rem3A_286, %shift_left3A : i32
      %get3A_288 = arith.index_cast %add3A_285 : i32 to index
      %get3A_289 = arith.index_cast %shift_left3A_287 : i32 to index
      %get3A_290 = tpu.vector_load %arg25[%get3A_288, %get3A_289] {strides = array<i32>} : memref<64x128xf32, #tpu.memory_space<vmem>>, vector<1x16xf32>,
      %get3A_291 = vector.shape_cast %get3A_290 : vector<1x16xf32> to vector<16xf32>
      %mul3A_292 = arith.mulf %get3A_291, %get3A_282 : vector<16xf32>
      %swap3A = arith.index_cast %add3A_285 : i32 to index
      %swap3A_293 = arith.index_cast %shift_left3A_287 : i32 to index
      %swap3A_294 = tpu.vector_load %arg25[%swap3A, %swap3A_293] {strides = array<i32>} : memref<64x128xf32, #tpu.memory_space<vmem>>, vector<1x16xf32>,
      %swap3A_295 = vector.shape_cast %swap3A_294 : vector<1x16xf32> to vector<16xf32>
      %swap3A_296 = vector.shape_cast %mul3A_292 : vector<16xf32> to vector<1x16xf32>
      tpu.vector_store %arg25[%swap3A, %swap3A_293], %swap3A_296 {strides = array<i32>} : memref<64x128xf32, #tpu.memory_space<vmem>>, vector<1x16xf32>,
      %scan3A_297 = arith.constant 0 : i32
      scf.yield %scan3A_297 : i32
    }
    %scan3A_271 = arith.constant 128 : i32
    %mul3A_272 = arith.constant 64 : i32
    %mul3A_273 = arith.muli %add3A, %mul3A_272 : i32
    "tpu.region"() ({
      %run_scoped3A = tpu.sem_alloc : memref<!tpu.dma_semaphore, #tpu.memory_space<semaphore_mem>>
      %dma_start3A_274 = arith.constant 0 : i32
      %dma_start3A_275 = tpu.memref_slice %arg10[%mul3A_273, %dma_start3A_274] : memref<2048x128xf32, #tpu.memory_space<hbm>> -> memref<64x128xf32, #tpu.memory_space<hbm>>
      %dma_start3A_276 = arith.constant 0 : i32
      %dma_start3A_277 = tpu.memref_slice %arg10[%mul3A_273, %dma_start3A_276] : memref<2048x128xf32, #tpu.memory_space<hbm>> -> memref<64x128xf32, #tpu.memory_space<hbm>>
      tpu.enqueue_dma source(%arg23 : memref<64x128xf32, #tpu.memory_space<vmem>>) target(%dma_start3A_277 : memref<64x128xf32, #tpu.memory_space<hbm>>) target_semaphore(%run_scoped3A : memref<!tpu.dma_semaphore, #tpu.memory_space<semaphore_mem>>)
      %dma_wait3A_278 = arith.constant 0 : i32
      %dma_wait3A_279 = tpu.memref_slice %arg10[%mul3A_273, %dma_wait3A_278] : memref<2048x128xf32, #tpu.memory_space<hbm>> -> memref<64x128xf32, #tpu.memory_space<hbm>>
      %dma_wait3A_280 = arith.constant 0 : i32
      %dma_wait3A_281 = tpu.memref_slice %arg10[%mul3A_273, %dma_wait3A_280] : memref<2048x128xf32, #tpu.memory_space<hbm>> -> memref<64x128xf32, #tpu.memory_space<hbm>>
      tpu.wait_dma2 semaphore(%run_scoped3A : memref<!tpu.dma_semaphore, #tpu.memory_space<semaphore_mem>>) src(%arg23 : memref<64x128xf32, #tpu.memory_space<vmem>>) dst(%dma_wait3A_281 : memref<64x128xf32, #tpu.memory_space<hbm>>)
      tpu.yield
    }) : () -> ()
    "tpu.region"() ({
      %run_scoped3A = tpu.sem_alloc : memref<!tpu.dma_semaphore, #tpu.memory_space<semaphore_mem>>
      %dma_start3A_274 = arith.constant 0 : i32
      %dma_start3A_275 = tpu.memref_slice %arg11[%mul3A_273, %dma_start3A_274] : memref<2048x128xf32, #tpu.memory_space<hbm>> -> memref<64x128xf32, #tpu.memory_space<hbm>>
      %dma_start3A_276 = arith.constant 0 : i32
      %dma_start3A_277 = tpu.memref_slice %arg11[%mul3A_273, %dma_start3A_276] : memref<2048x128xf32, #tpu.memory_space<hbm>> -> memref<64x128xf32, #tpu.memory_space<hbm>>
      tpu.enqueue_dma source(%arg24 : memref<64x128xf32, #tpu.memory_space<vmem>>) target(%dma_start3A_277 : memref<64x128xf32, #tpu.memory_space<hbm>>) target_semaphore(%run_scoped3A : memref<!tpu.dma_semaphore, #tpu.memory_space<semaphore_mem>>)
      %dma_wait3A_278 = arith.constant 0 : i32
      %dma_wait3A_279 = tpu.memref_slice %arg11[%mul3A_273, %dma_wait3A_278] : memref<2048x128xf32, #tpu.memory_space<hbm>> -> memref<64x128xf32, #tpu.memory_space<hbm>>
      %dma_wait3A_280 = arith.constant 0 : i32
      %dma_wait3A_281 = tpu.memref_slice %arg11[%mul3A_273, %dma_wait3A_280] : memref<2048x128xf32, #tpu.memory_space<hbm>> -> memref<64x128xf32, #tpu.memory_space<hbm>>
      tpu.wait_dma2 semaphore(%run_scoped3A : memref<!tpu.dma_semaphore, #tpu.memory_space<semaphore_mem>>) src(%arg24 : memref<64x128xf32, #tpu.memory_space<vmem>>) dst(%dma_wait3A_281 : memref<64x128xf32, #tpu.memory_space<hbm>>)
      tpu.yield
    }) : () -> ()
    "tpu.region"() ({
      %run_scoped3A = tpu.sem_alloc : memref<!tpu.dma_semaphore, #tpu.memory_space<semaphore_mem>>
      %dma_start3A_274 = arith.constant 0 : i32
      %dma_start3A_275 = tpu.memref_slice %arg12[%mul3A_273, %dma_start3A_274] : memref<2048x128xf32, #tpu.memory_space<hbm>> -> memref<64x128xf32, #tpu.memory_space<hbm>>
      %dma_start3A_276 = arith.constant 0 : i32
      %dma_start3A_277 = tpu.memref_slice %arg12[%mul3A_273, %dma_start3A_276] : memref<2048x128xf32, #tpu.memory_space<hbm>> -> memref<64x128xf32, #tpu.memory_space<hbm>>
      tpu.enqueue_dma source(%arg25 : memref<64x128xf32, #tpu.memory_space<vmem>>) target(%dma_start3A_277 : memref<64x128xf32, #tpu.memory_space<hbm>>) target_semaphore(%run_scoped3A : memref<!tpu.dma_semaphore, #tpu.memory_space<semaphore_mem>>)
      %dma_wait3A_278 = arith.constant 0 : i32
      %dma_wait3A_279 = tpu.memref_slice %arg12[%mul3A_273, %dma_wait3A_278] : memref<2048x128xf32, #tpu.memory_space<hbm>> -> memref<64x128xf32, #tpu.memory_space<hbm>>
      %dma_wait3A_280 = arith.constant 0 : i32
      %dma_wait3A_281 = tpu.memref_slice %arg12[%mul3A_273, %dma_wait3A_280] : memref<2048x128xf32, #tpu.memory_space<hbm>> -> memref<64x128xf32, #tpu.memory_space<hbm>>
      tpu.wait_dma2 semaphore(%run_scoped3A : memref<!tpu.dma_semaphore, #tpu.memory_space<semaphore_mem>>) src(%arg25 : memref<64x128xf32, #tpu.memory_space<vmem>>) dst(%dma_wait3A_281 : memref<64x128xf32, #tpu.memory_space<hbm>>)
      tpu.yield
    }) : () -> ()
    return
  }
}

module attributes {stable_mosaic.version = 14 : i64} {
  func.func @_mlp_body(%arg0: memref<2048x128xf32, #tpu.memory_space<vmem>>, %arg1: memref<2048x128xf32, #tpu.memory_space<vmem>>, %arg2: memref<2048x128xf32, #tpu.memory_space<vmem>>, %arg3: memref<128x256xf32, #tpu.memory_space<vmem>>, %arg4: memref<128x256xf32, #tpu.memory_space<vmem>>, %arg5: memref<1x256xf32, #tpu.memory_space<vmem>>, %arg6: memref<256x128xf32, #tpu.memory_space<vmem>>, %arg7: memref<1x128xf32, #tpu.memory_space<vmem>>, %arg8: memref<256x8xf32, #tpu.memory_space<vmem>>, %arg9: memref<2048x8xf32, #tpu.memory_space<vmem>>) attributes {dimension_semantics = [], scalar_prefetch = 0 : i64, scratch_operands = 0 : i64, tpu.core_type = #tpu.core_type<tc>} {
    %get3A = arith.constant 0 : index
    %get3A_0 = arith.constant 0 : index
    %get3A_1 = vector.load %arg0[%get3A, %get3A_0] : memref<2048x128xf32, #tpu.memory_space<vmem>>, vector<2048x128xf32>
    %get3A_2 = arith.constant 0 : index
    %get3A_3 = arith.constant 0 : index
    %get3A_4 = vector.load %arg3[%get3A_2, %get3A_3] : memref<128x256xf32, #tpu.memory_space<vmem>>, vector<128x256xf32>
    %dot_general3A = arith.constant dense<0.000000e+00> : vector<2048x256xf32>
    %dot_general3A_5 = tpu.matmul %get3A_1, %get3A_4, %dot_general3A {dimension_numbers = #tpu.dot_dimension_numbers<[1], [0], [0], [1], [0, 0, 1, 1], [], []>, transpose_lhs_hint = false} : vector<2048x128xf32>, vector<128x256xf32>, vector<2048x256xf32> -> vector<2048x256xf32>
    %get3A_6 = arith.constant 0 : index
    %get3A_7 = arith.constant 0 : index
    %get3A_8 = vector.load %arg1[%get3A_6, %get3A_7] : memref<2048x128xf32, #tpu.memory_space<vmem>>, vector<2048x128xf32>
    %get3A_9 = arith.constant 0 : index
    %get3A_10 = arith.constant 0 : index
    %get3A_11 = vector.load %arg4[%get3A_9, %get3A_10] : memref<128x256xf32, #tpu.memory_space<vmem>>, vector<128x256xf32>
    %dot_general3A_12 = arith.constant dense<0.000000e+00> : vector<2048x256xf32>
    %dot_general3A_13 = tpu.matmul %get3A_8, %get3A_11, %dot_general3A_12 {dimension_numbers = #tpu.dot_dimension_numbers<[1], [0], [0], [1], [0, 0, 1, 1], [], []>, transpose_lhs_hint = false} : vector<2048x128xf32>, vector<128x256xf32>, vector<2048x256xf32> -> vector<2048x256xf32>
    %add3A = arith.addf %dot_general3A_5, %dot_general3A_13 : vector<2048x256xf32>
    %get3A_14 = arith.constant 0 : index
    %get3A_15 = arith.constant 0 : index
    %get3A_16 = vector.load %arg5[%get3A_14, %get3A_15] : memref<1x256xf32, #tpu.memory_space<vmem>>, vector<1x256xf32>
    %add3A_17 = vector.broadcast %get3A_16 : vector<1x256xf32> to vector<2048x256xf32>
    %add3A_18 = arith.addf %add3A, %add3A_17 : vector<2048x256xf32>
    %max3A = arith.constant 0.000000e+00 : f32
    %max3A_19 = vector.broadcast %max3A : f32 to vector<2048x256xf32>
    %max3A_20 = arith.maximumf %add3A_18, %max3A_19 : vector<2048x256xf32>
    %get3A_21 = arith.constant 0 : index
    %get3A_22 = arith.constant 0 : index
    %get3A_23 = vector.load %arg6[%get3A_21, %get3A_22] : memref<256x128xf32, #tpu.memory_space<vmem>>, vector<256x128xf32>
    %dot_general3A_24 = arith.constant dense<0.000000e+00> : vector<2048x128xf32>
    %dot_general3A_25 = tpu.matmul %max3A_20, %get3A_23, %dot_general3A_24 {dimension_numbers = #tpu.dot_dimension_numbers<[1], [0], [0], [1], [0, 0, 1, 1], [], []>, transpose_lhs_hint = false} : vector<2048x256xf32>, vector<256x128xf32>, vector<2048x128xf32> -> vector<2048x128xf32>
    %get3A_26 = arith.constant 0 : index
    %get3A_27 = arith.constant 0 : index
    %get3A_28 = vector.load %arg7[%get3A_26, %get3A_27] : memref<1x128xf32, #tpu.memory_space<vmem>>, vector<1x128xf32>
    %add3A_29 = vector.broadcast %get3A_28 : vector<1x128xf32> to vector<2048x128xf32>
    %add3A_30 = arith.addf %dot_general3A_25, %add3A_29 : vector<2048x128xf32>
    %max3A_31 = arith.constant 0.000000e+00 : f32
    %max3A_32 = vector.broadcast %max3A_31 : f32 to vector<2048x128xf32>
    %max3A_33 = arith.maximumf %add3A_30, %max3A_32 : vector<2048x128xf32>
    %get3A_34 = arith.constant 0 : index
    %get3A_35 = arith.constant 0 : index
    %get3A_36 = vector.load %arg2[%get3A_34, %get3A_35] : memref<2048x128xf32, #tpu.memory_space<vmem>>, vector<2048x128xf32>
    %concatenate3A = tpu.concatenate %max3A_33, %get3A_36 in 1 : vector<2048x128xf32>, vector<2048x128xf32> -> vector<2048x256xf32>
    %get3A_37 = arith.constant 0 : index
    %get3A_38 = arith.constant 0 : index
    %get3A_39 = vector.load %arg8[%get3A_37, %get3A_38] : memref<256x8xf32, #tpu.memory_space<vmem>>, vector<256x8xf32>
    %dot_general3A_40 = arith.constant dense<0.000000e+00> : vector<2048x8xf32>
    %dot_general3A_41 = tpu.matmul %concatenate3A, %get3A_39, %dot_general3A_40 {dimension_numbers = #tpu.dot_dimension_numbers<[1], [0], [0], [1], [0, 0, 1, 1], [], []>, transpose_lhs_hint = false} : vector<2048x256xf32>, vector<256x8xf32>, vector<2048x8xf32> -> vector<2048x8xf32>
    %swap3A = arith.constant 0 : index
    %swap3A_42 = arith.constant 0 : index
    %swap3A_43 = vector.load %arg9[%swap3A, %swap3A_42] : memref<2048x8xf32, #tpu.memory_space<vmem>>, vector<2048x8xf32>
    tpu.vector_store %arg9[%swap3A, %swap3A_42], %dot_general3A_41 {strides = array<i32>} : memref<2048x8xf32, #tpu.memory_space<vmem>>, vector<2048x8xf32>,
    return
  }
}

</mosaic_0001>

<sc_bundles>
// kernel: kernel.4.cloned.1.call-start
scs
__scs_entry_jumppad:
0x0: {  	(pc) =	sbr.rel $0x88, $3  }
0x1: {  	(tag) =	ssettag $0x0;
	lr =	simm.s32 $0x1  }
0x2: {  	[smem:$0x3F95] =	sst lr;
	_ =	strace $0xD0000000  }
0x3: {  	_ = 	snop  }
0x4: {  	_ = 	snop  }
0x5: {  	_ = 	snop  }
0x6: {  	_ = 	snop  }
0x7: {  	_ = 	snop  }
__scs_overlays_trampoline_lowered:
0x8: {  	[smem:$0x3FA4] =	sst s0  }
0x9: {  	[smem:$0x3FA5] =	sst s1  }
0xa: {  	[smem:$0x3FA6] =	sst s2  }
0xb: {  	[smem:$0x3FA7] =	sst s3  }
0xc: {  	[smem:$0x3FA8] =	sst s4  }
0xd: {  	[smem:$0x3FA9] =	sst s5  }
0xe: {  	[smem:$0x3FAA] =	sst s6  }
0xf: {  	[smem:$0x3FAB] =	sst s7  }
0x10: {  	[smem:$0x3FAC] =	sst s8  }
0x11: {  	[smem:$0x3FAD] =	sst s9;
	s0 =	simm.s32 @!p0 $0x0  }
0x12: {  	s1 =	sld [smem:$0x3F93];
	s0 =	simm.s32 @p0 $0x1  }
0x13: {  	[smem:$0x3FAE] =	sst s0;
	s0 =	simm.s32 @!p1 $0x0  }
0x14: {  	s2 =	sld [smem:$0x3F92];
	s0 =	simm.s32 @p1 $0x1  }
0x15: {  	[smem:$0x3FAF] =	sst s0;
	s0 =	simm.s32 @!p2 $0x0  }
0x16: {  	s3 =	sld [smem:$0x3FDB];
	s0 =	simm.s32 @p2 $0x1  }
0x17: {  	s4 =	simm.s32 $0x1BF5;
	[smem:$0x3FB1] =	sst s0  }
0x18: {  	s0 =	sld [smem:$0x3F94];
	_ =	swait.ge [sflag:s4], $0x0  }
0x19: {  	s7 =	sld [smem:$0x3F95]  }
0x1a: {  	s8 =	sadd.s32 $0xFFFFE003, lr  }
0x1b: {  	s9 =	sadd.s32 $0xFFFFFEF7, lr;
	s5 =	simm.s32 $0xFFFFFFFF;
	p2 =	slt.u32 s8, $0xFFFFF086  }
0x1c: {  	p1 =	slt.u32 s9, $0xF7A;
	s5 =	simm.s32 @!p2 $0x0  }
0x1d: {  	s5 =	simm.s32 @p1 $0x1;
	p0 =	seq.s32 s7, s2  }
0x1e: {  	s7 =	smul.u32 @!p0 $0xF7A, s2;
	p2 =	seq.s32 @!p0 s5, $0x0  }
0x1f: {  	s9 =	smul.u32 $0xF7A, s1;
	s8 =	simm.s32 @!p0 $0x1BF5;
	p2 =	por !p2, p0  }
0x20: {  	[sflag:s8] =	ssyncset.s32 @!p0 $0xFFFFF086;
	s6 =	sadd.s32 @!p0 s3, s7;
	s7 =	simm.s32 @!p0 $0x108  }
0x21: {  	s3 =	sadd.s32 s3, s9;
	s6 =	sadd.s32 @!p0 $0x88, s6;
	s7 =	simm.s32 @p2 $0x1082  }
0x22: {  	[simem:s7], [sflag:s8] =	dma.local @!p0 [hbm:s6], $0xF7A  }
0x23: {  	s9 =	sor.u32 $0xD0000000, s2;
	s6 =	simm.s32 $0x108;
	_ =	swait.ge @!p0 [sflag:s8], $0x0  }
0x24: {  	s3 =	sadd.s32 $0x88, s3;
	s6 =	simm.s32 @!p1 $0x1082;
	[sflag:s4] =	ssyncset.s32 $0xFFFFF086  }
0x25: {  	[simem:s6], [sflag:s4] =	dma.local [hbm:s3], $0xF7A  }
0x26: {  	[smem:$0x3F95] =	sst s1;
	(tag) =	ssettag s2;
	_ =	strace s9  }
0x27: {  	s1 =	sld [smem:$0x3FA5]  }
0x28: {  	s2 =	sld [smem:$0x3FA6]  }
0x29: {  	s4 =	sld [smem:$0x3FA8]  }
0x2a: {  	p0 =	seq.s32 s5, $0x0;
	s5 =	sld [smem:$0x3FA9]  }
0x2b: {  	s6 =	sld [smem:$0x3FAA]  }
0x2c: {  	s7 =	sld [smem:$0x3FAB]  }
0x2d: {  	s3 =	simm.s32 $0x108;
	s8 =	sld [smem:$0x3FAC]  }
0x2e: {  	s3 =	simm.s32 @!p0 $0x1082;
	s9 =	sld [smem:$0x3FAD]  }
0x2f: {  	lr =	sadd.s32 s0, s3;
	s0 =	sld [smem:$0x3FA4]  }
0x30: {  	s3 =	sld [smem:$0x3FA7]  }
0x31: {  	[smem:$0x3FB0] =	sst s10  }
0x32: {  	s10 =	sld [smem:$0x3FAE];
	_ =	sdelay $0x3  }
0x33: {  	p0 =	seq.s32 s10, $0x1;
	s10 =	sld [smem:$0x3FB0];
	_ =	sdelay $0x3  }
0x34: {  	[smem:$0x3FB0] =	sst s10  }
0x35: {  	s10 =	sld [smem:$0x3FAF];
	_ =	sdelay $0x3  }
0x36: {  	p1 =	seq.s32 s10, $0x1;
	s10 =	sld [smem:$0x3FB0];
	_ =	sdelay $0x3  }
0x37: {  	[smem:$0x3FB0] =	sst s10  }
0x38: {  	s10 =	sld [smem:$0x3FB1]  }
0x39: {  	_ = 	snop;
	(pc) =	sbr.ind lr, $3  }
0x3a: {  	_ = 	snop  }
0x3b: {  	_ = 	snop  }
0x3c: {  	p2 =	seq.s32 s10, $0x1;
	s10 =	sld [smem:$0x3FB0]  }
0x3d: {  	_ =	shalt  }
0x3e: {  	_ =	shalt  }
0x3f: {  	_ =	shalt  }
0x40: {  	_ =	shalt  }
0x41: {  	_ =	shalt  }
0x42: {  	_ =	shalt  }
0x43: {  	_ =	shalt  }
0x44: {  	_ =	shalt  }
0x45: {  	_ =	shalt  }
0x46: {  	_ =	shalt  }
0x47: {  	_ =	shalt  }
0x48: {  	_ =	shalt  }
0x49: {  	_ =	shalt  }
0x4a: {  	_ =	shalt  }
0x4b: {  	_ =	shalt  }
0x4c: {  	_ =	shalt  }
0x4d: {  	_ =	shalt  }
0x4e: {  	_ =	shalt  }
0x4f: {  	_ =	shalt  }
0x50: {  	_ =	shalt  }
0x51: {  	_ =	shalt  }
0x52: {  	_ =	shalt  }
0x53: {  	_ =	shalt  }
0x54: {  	_ =	shalt  }
0x55: {  	_ =	shalt  }
0x56: {  	_ =	shalt  }
0x57: {  	_ =	shalt  }
0x58: {  	_ =	shalt  }
0x59: {  	_ =	shalt  }
0x5a: {  	_ =	shalt  }
0x5b: {  	_ =	shalt  }
0x5c: {  	_ =	shalt  }
0x5d: {  	_ =	shalt  }
0x5e: {  	_ =	shalt  }
0x5f: {  	_ =	shalt  }
0x60: {  	_ =	shalt  }
0x61: {  	_ =	shalt  }
0x62: {  	_ =	shalt  }
0x63: {  	_ =	shalt  }
0x64: {  	_ =	shalt  }
0x65: {  	_ =	shalt  }
0x66: {  	_ =	shalt  }
0x67: {  	_ =	shalt  }
0x68: {  	_ =	shalt  }
0x69: {  	_ =	shalt  }
0x6a: {  	_ =	shalt  }
0x6b: {  	_ =	shalt  }
0x6c: {  	_ =	shalt  }
0x6d: {  	_ =	shalt  }
0x6e: {  	_ =	shalt  }
0x6f: {  	_ =	shalt  }
0x70: {  	_ =	shalt  }
0x71: {  	_ =	shalt  }
0x72: {  	_ =	shalt  }
0x73: {  	_ =	shalt  }
0x74: {  	_ =	shalt  }
0x75: {  	_ =	shalt  }
0x76: {  	_ =	shalt  }
0x77: {  	_ =	shalt  }
0x78: {  	_ =	shalt  }
0x79: {  	_ =	shalt  }
0x7a: {  	_ =	shalt  }
0x7b: {  	_ =	shalt  }
0x7c: {  	_ =	shalt  }
0x7d: {  	_ =	shalt  }
0x7e: {  	_ =	shalt  }
0x7f: {  	_ =	shalt  }
0x80: {  	_ =	shalt  }
0x81: {  	_ =	shalt  }
0x82: {  	_ =	shalt  }
0x83: {  	_ =	shalt  }
0x84: {  	_ =	shalt  }
0x85: {  	_ =	shalt  }
0x86: {  	_ =	shalt  }
0x87: {  	_ =	shalt  }
.Lfunc_end0:
.L_simem_size_0:
called_computation.8_lowered:
.L_overlay_start_0:
0x88: {  	s2 =	sld [smem:$0x3FD9]  }
0x89: {  	s3 =	sld [smem:$0x3FFE];
	_ =	sdelay $0x1  }
0x8a: {  	s1 =	srdreg.scid  }
0x8b: {  	s0 =	sand.u32 $0x1, s1  }
0x8c: {  	s17 =	sshll.u32 s0, $0xA;
	s2 =	sadd.s32 s3, s2  }
0x8d: {  	s2 =	sadd.s32 s2, s17  }
0x8e: {  	[smem:$0x3FBC] =	sst s2  }
0x8f: {  	_ = 	snop  }
0x90: {  	s2 =	sld [smem:$0x3FD0];
	(tm) =	ssettm $0x1  }
0x91: {  	s18 =	sld [smem:$0x3FFB];
	_ =	sdelay $0x3  }
0x92: {  	_ =	strace s18  }
0x93: {  	s3 =	sld [smem:$0x3FFC];
	_ =	sdelay $0x3  }
0x94: {  	_ =	strace s3  }
0x95: {  	s3 =	sld [smem:$0x3FFD];
	_ =	sdelay $0x3  }
0x96: {  	_ =	strace s3  }
0x97: {  	_ =	strace $0x8FFFFFFF  }
0x98: {  	s19 =	sld [smem:$0x3FDB];
	_ =	sdelay $0x1  }
0x99: {  	s4 =	simm.s32 $_scs_section_size  }
0x9a: {  	s5 =	simm.s32 $_size__tile_overlayer_lowered;
	s6 =	simm.s32 $_tile_overlayer_lowered  }
0x9b: {  	s22 =	simm.s32 $0x1BFF;
	s21 =	sshll.u32 s6, $0x1;
	s3 =	sadd.s32 s4, s19  }
0x9c: {  	s7 =	simm.s32 $0x0;
	s20 =	sshll.u32 s5, $0x1;
	s5 =	sadd.s32 s21, s3  }
0x9d: {  	[timem:s7], [sflag:s22] =	dma.local [hbm:s5], s20  }
0x9e: {  	_ =	swait.ge [sflag:s22], s20  }
0x9f: {  	s4 =	ssub.s32 $0x0, s20;
	[sflag:s22] =	ssyncset.done $0x0  }
0xa0: {  	[sflag:s22] =	ssyncadd.s32 s4;
	_ =	sdelay $0x1  }
0xa1: {  	s23 =	simm.s32 $0x1B8B  }
0xa2: {  	_ =	swait.ge [sflag:s23], $0x1  }
0xa3: {  	[sflag:s23] =	ssyncset.done $0x0  }
0xa4: {  	s25 =	simm.s32 $0x1B8E;
	s24 =	sld [smem:$0x3FFE];
	[sflag:s23] =	ssyncadd.s32 $0xFFFFFFFF  }
0xa5: {  	s26 =	simm.s32 $execute0_lowered;
	[smem:$0x3FD2] =	sst s25  }
0xa6: {  	s5 =	sshll.u32 s26, $0x1;
	_ =	strace $0x8000005E;
	[dreg:$0x1] =	wrdreg $0xFFFFFFFF  }
0xa7: {  	s28 =	simm.s32 $_size_execute0_lowered;
	s3 =	sadd.s32 s3, s5;
	[dreg:$0x0] =	wrdreg $0x0  }
0xa8: {  	s5 =	sshll.u32 s28, $0x1;
	[dreg:$0x2] =	wrdreg s3  }
0xa9: {  	[dreg:$0x3] =	wrdreg s5  }
0xaa: {  	[dreg:$0x4] =	wrdreg $0xC0  }
0xab: {  	_ =	task [dreg:s7], $0x5FFFF  }
0xac: {  	[dreg:$0x1] =	wrdreg $0xFFFFFFFF  }
0xad: {  	[dreg:$0x0] =	wrdreg $0x60  }
0xae: {  	[dreg:$0x2] =	wrdreg s24  }
0xaf: {  	[dreg:$0x3] =	wrdreg s2  }
0xb0: {  	[dreg:$0x4] =	wrdreg $0x8000  }
0xb1: {  	[dreg:$0x5] =	wrdreg $0xA000  }
0xb2: {  	[dreg:$0x6] =	wrdreg $0x9  }
0xb3: {  	_ =	task.clear_ibuf [dreg:s7], $0x7FFFF;
	_ =	strace $0x9000005E  }
0xb4: {  	s29 =	simm.s32 $0x9;
	_ =	strace $0x80000060  }
0xb5: {  	_ =	swait.ge [sflag:s29], $0x1  }
0xb6: {  	[sflag:s29] =	ssyncadd.s32 $0xFFFFFFFF  }
0xb7: {  	_ =	strace $0x90000060  }
0xb8: {  	_ =	sfence  }
0xb9: {  	s30 =	sld [smem:$0x0];
	_ =	sdelay $0x2  }
0xba: {  	s31 =	sshll.u32 s1, $0xD;
	s1 =	sshrl.u32 s1, $0x2  }
0xbb: {  	s3 =	sand.u32 $0x4000, s31;
	s1 =	sadd.s32 s1, s30  }
0xbc: {  	s0 =	sor.u32 s3, s0;
	s1 =	sshll.u32 s1, $0x11  }
0xbd: {  	s0 =	sor.u32 s1, s0  }
0xbe: {  	s0 =	sadd.s32 $0x8F2B, s0  }
0xbf: {  	[sflag:s0] =	ssyncadd.remote.s32 $0x1  }
0xc0: {  	_ =	sfence.sel $0xFFFF  }
0xc1: {  	[dreg:$0x0] =	wrdreg $0xFFFFFFFF;
	(pc) =	sbr.abs _section_cstart, $3  }
0xc2: {  	[dreg:$0x1] =	wrdreg $0xFFFFFFFF  }
0xc3: {  	_ =	task.clear_ibuf [dreg:s7], $0x2FFFF;
	_ =	strace $0x9FFFFFFF  }
0xc4: {  	(tm) =	ssettm $0x7FFFFFFF  }
0xc5: {  	_ =	shalt  }
tec
execute0_lowered:
.L_overlay_start_1:
0x0: {  	(tag) =	ssettag $0x1  }
0x1: {  	s0 =	rddreg [dreg:$0x0]  }
0x2: {  	s1 =	rddreg [dreg:$0x1]  }
0x3: {  	s7 =	rddreg [dreg:$0x2];
	s2 =	srdreg.scid  }
0x4: {  	s14 =	stileid.u32;
	s8 =	rddreg [dreg:$0x3];
	s28 =	simm.s32 $0x80  }
0x5: {  	s29 =	simm.s32 $0x100;
	s30 =	simm.s32 $0x180;
	s31 =	simm.s32 $0x280  }
0x6: {  	s5 =	sand.u32 $0x1, s2;
	s3 =	sshll.u32 s14, $0x1;
	s2 =	simm.s32 $0x0  }
0x7: {  	s4 =	sadd.s32 $0x3D0D600, s0;
	s16 =	sshll.u32 s14, $0x9;
	s17 =	sshll.u32 s14, $0x7  }
0x8: {  	s6 =	sor.u32 s5, s3;
	[smem:$0x7FF] =	sst s2;
	s3 =	sadd.s32 $0x4600, s0  }
0x9: {  	s11 =	ssub.s32 $0x2, s5;
	s5 =	sadd.s32 $0x3EF5C00, s0;
	s9 =	sshll.u32 s6, $0x6  }
0xa: {  	_ =	strace $0x8000005F;
	s12 =	sshll.u32 s6, $0xA;
	s13 =	sshrl.u32 s11, $0x1  }
0xb: {  	s6 =	sadd.s32 $0x40DE200, s0;
	s10 =	sadd.s32 s9, s0;
	s1 =	sadd.s32 s1, s9  }
0xc: {  	s0 =	sadd.s32 s12, s0;
	s15 =	sadd.s32 $0x44AFE00, s10;
	[dreg:$0x8] =	wrdreg s1  }
0xd: {  	s13 =	ssub.s32 s11, s13;
	s18 =	sadd.s32 $0x44AF600, s10;
	[dreg:$0x5] =	wrdreg s15  }
0xe: {  	s11 =	sand.u32 $0x1000, s16;
	s10 =	sadd.s32 $0x44B0600, s10;
	[dreg:$0x6] =	wrdreg s18  }
0xf: {  	s12 =	sand.u32 $0x380, s17;
	s20 =	sadd.s32 $0x42C6800, s0;
	[dreg:$0x7] =	wrdreg s10  }
0x10: {  	s9 =	simm.s32 $0xC00;
	s21 =	sadd.s32 $0x42CE800, s0;
	[dreg:$0x9] =	wrdreg s20  }
0x11: {  	s19 =	sor.u32 s12, s11;
	s0 =	sadd.s32 $0x42D6800, s0;
	[dreg:$0xa] =	wrdreg s21  }
0x12: {  	s22 =	smax.u32 s13, $0x1;
	s1 =	simm.s32 $0x300;
	[dreg:$0xb] =	wrdreg s0  }
0x13: {  	s11 =	sadd.s32 s19, s7;
	s12 =	sadd.s32 s19, s8;
	[dreg:$0xc] =	wrdreg s22  }
0x14: {  	s0 =	simm.s32 $0x380;
	s7 =	simm.s32 $0x4C00;
	s23 =	sadd.s32 $0x400, s11  }
0x15: {  	s8 =	simm.s32 $0x1;
	s24 =	sadd.s32 $0x800, s11;
	[dreg:$0xd] =	wrdreg s23  }
0x16: {  	s10 =	simm.s32 $0x2;
	s25 =	sadd.s32 $0xC00, s11;
	[dreg:$0xe] =	wrdreg s24  }
0x17: {  	s26 =	sadd.s32 $0x400, s12;
	s21 =	sadd.s32 $0x800, s12;
	[dreg:$0xf] =	wrdreg s25  }
0x18: {  	s22 =	sadd.s32 $0xC00, s12;
	[dreg:$0x10] =	wrdreg s26;
	s23 =	simm.s32 $0x3  }
0x19: {  	s24 =	simm.s32 $0x200;
	s25 =	simm.s32 $0x400;
	s26 =	simm.s32 $0x0  }
.LBB2_1:
0x1a: {  	s13 =	rddreg [dreg:$0x5]  }
0x1b: {  	[tilespmem:s2], [sflag:$0x3] =	stream.linear.gather [hbm4b:s13+s2], $0x200, $0x38;
	[tilespmem:$0xEC00] =	vst v63  }
0x1c: {  	_ =	swait.ge [sflag:s23], $0x200  }
0x1d: {  	[sflag:s23] =	ssyncset.done $0x0  }
0x1e: {  	s14 =	rddreg [dreg:$0x6];
	[sflag:s23] =	ssyncadd.s32 $0xFFFFFE00  }
0x1f: {  	[tilespmem:s24], [sflag:$0x3] =	stream.linear.gather [hbm4b:s14+s2], $0x200, $0x38;
	[tilespmem:$0xEC00] =	vst v63  }
0x20: {  	_ =	swait.ge [sflag:s23], $0x200  }
0x21: {  	[sflag:s23] =	ssyncset.done $0x0  }
0x22: {  	s15 =	rddreg [dreg:$0x7];
	[sflag:s23] =	ssyncadd.s32 $0xFFFFFE00  }
0x23: {  	[tilespmem:s25], [sflag:$0x3] =	stream.linear.gather [hbm4b:s15+s2], $0x200, $0x38;
	[tilespmem:$0xEC00] =	vst v63  }
0x24: {  	_ =	swait.ge [sflag:s23], $0x200  }
0x25: {  	[sflag:s23] =	ssyncset.done $0x0  }
0x26: {  	s14 =	simm.s32 $0x600;
	s16 =	rddreg [dreg:$0x8];
	[sflag:s23] =	ssyncadd.s32 $0xFFFFFE00  }
0x27: {  	[tilespmem:s14], [sflag:$0x3] =	stream.linear.gather [hbm4b:s16+s2], $0x200, $0x38;
	[tilespmem:$0xEC00] =	vst v63  }
0x28: {  	_ =	swait.ge [sflag:s23], $0x200  }
0x29: {  	[sflag:s23] =	ssyncset.done $0x0  }
0x2a: {  	[sflag:s23] =	ssyncadd.s32 $0xFFFFFE00  }
0x2b: {  	[spmem:s11] =	stream.strided.scatter [tilespmem:s25], [sflag:$0x3], $0x200, s25, s28, $0x38;
	[tilespmem:$0xEC00] =	vst v63  }
0x2c: {  	_ =	swait.ge [sflag:s23], $0x200  }
0x2d: {  	[sflag:s23] =	ssyncset.done $0x0  }
0x2e: {  	[sflag:s23] =	ssyncadd.s32 $0xFFFFFE00  }
0x2f: {  	[spmem:s12] =	stream.strided.scatter [tilespmem:s14], [sflag:$0x3], $0x200, s25, s28, $0x38;
	[tilespmem:$0xEC00] =	vst v63  }
0x30: {  	_ =	swait.ge [sflag:s23], $0x200  }
0x31: {  	[sflag:s23] =	ssyncset.done $0x0  }
0x32: {  	[sflag:s23] =	ssyncadd.s32 $0xFFFFFE00  }
0x33: {  	[smem:s2], [sflag:$0x3] =	stream.linear.gather [spmem:s11], $0x80, $0x38;
	[tilespmem:$0xEC00] =	vst v63  }
0x34: {  	s17 =	rddreg [dreg:$0xd]  }
0x35: {  	[smem:s28], [sflag:$0x3] =	stream.linear.gather [spmem:s17], $0x80, $0x38;
	[tilespmem:$0xEC00] =	vst v63  }
0x36: {  	s13 =	rddreg [dreg:$0xe]  }
0x37: {  	[smem:s29], [sflag:$0x3] =	stream.linear.gather [spmem:s13], $0x80, $0x38;
	[tilespmem:$0xEC00] =	vst v63  }
0x38: {  	s13 =	rddreg [dreg:$0xf]  }
0x39: {  	[smem:s30], [sflag:$0x3] =	stream.linear.gather [spmem:s13], $0x80, $0x38;
	[tilespmem:$0xEC00] =	vst v63  }
0x3a: {  	_ =	swait.ge [sflag:s23], $0x200  }
0x3b: {  	[sflag:s23] =	ssyncset.done $0x0  }
0x3c: {  	[sflag:s23] =	ssyncadd.s32 $0xFFFFFE00  }
0x3d: {  	[smem:s24], [sflag:$0x3] =	stream.linear.gather [spmem:s12], $0x80, $0x38;
	[tilespmem:$0xEC00] =	vst v63  }
0x3e: {  	s18 =	rddreg [dreg:$0x10]  }
0x3f: {  	[smem:s31], [sflag:$0x3] =	stream.linear.gather [spmem:s18], $0x80, $0x38;
	[tilespmem:$0xEC00] =	vst v63  }
0x40: {  	_ = 	snop  }
0x41: {  	[smem:s1], [sflag:$0x3] =	stream.linear.gather [spmem:s21], $0x80, $0x38;
	[tilespmem:$0xEC00] =	vst v63  }
0x42: {  	_ = 	snop  }
0x43: {  	[smem:s0], [sflag:$0x3] =	stream.linear.gather [spmem:s22], $0x80, $0x38;
	[tilespmem:$0xEC00] =	vst v63  }
0x44: {  	_ =	swait.ge [sflag:s23], $0x200  }
0x45: {  	[sflag:s23] =	ssyncset.done $0x0  }
0x46: {  	[sflag:s23] =	ssyncadd.s32 $0xFFFFFE00  }
0x47: {  	[tilespmem:s9], [sflag:$0x1] =	stream.indirect.gather [hbm4b:s3+s28], $0x80, s2, s28, $0xb8;
	[tilespmem:$0xEC00] =	vst v63  }
0x48: {  	_ = 	snop  }
0x49: {  	[tilespmem:s7], [sflag:$0x2] =	stream.indirect.gather [hbm4b:s3+s28], $0x80, s28, s28, $0xb8;
	[tilespmem:$0xEC00] =	vst v63  }
0x4a: {  	_ =	swait.ge [sflag:s8], $0x4000  }
0x4b: {  	[sflag:s8] =	ssyncset.done $0x0  }
0x4c: {  	[sflag:s8] =	ssyncadd.s32 $0xFFFFC000  }
0x4d: {  	s19 =	sld [smem:$0x0];
	_ =	sdelay $0x2  }
0x4e: {  	s20 =	sand.u32 $0x7F, s19;
	s13 =	sshll.u32 s19, $0x2  }
0x4f: {  	s16 =	sld [smem:$0x1];
	s13 =	sand.u32 $0xFFFFFE00, s13;
	s14 =	sshll.u32 s20, $0x2  }
0x50: {  	s14 =	sor.u32 s14, s13  }
0x51: {  	s15 =	simm.s32 $0x20;
	s14 =	sshra.s32 s14, $0x2  }
0x52: {  	s18 =	sshll.u32 s16, $0x2;
	s16 =	sand.u32 $0x7F, s16;
	s17 =	sadd.s32 $0xC00, s14  }
0x53: {  	s13 =	simm.s32 $0x10;
	s18 =	sand.u32 $0xFFFFFE00, s18;
	s19 =	sshll.u32 s16, $0x2;
	v0 =	vld [tilespmem:s17+$0x0]  }
0x54: {  	s16 =	simm.s32 $0x0;
	s14 =	simm.s32 $0xC80;
	s17 =	simm.s32 $0x2  }
.LBB2_2:
0x55: {  	s20 =	sld [smem:s17+$0x0];
	s18 =	sor.u32 s19, s18;
	s19 =	sand.u32 $0x7F0, s16  }
0x56: {  	s16 =	smov.u32 s13;
	s13 =	smov.u32 s15;
	p0 =	sne.s32 s15, $0x7F0  }
.Ltmp0:
0x57: {  	s15 =	sadd.s32 $0x10, s15;
	s18 =	sshra.s32 s18, $0x2;
	(pc) =	sbr.rel @p0 .LBB2_2-.Ltmp0, $4  }
0x58: {  	s18 =	sadd.s32 s18, s14;
	[tilespmem:s19+$0x8C00] =	vst v0  }
0x59: {  	v0 =	vld [tilespmem:s18+$0x0]  }
0x5a: {  	s14 =	sadd.s32 $0x80, s14;
	s19 =	sand.u32 $0x7F, s20;
	s18 =	sshll.u32 s20, $0x2  }
0x5b: {  	s17 =	sadd.s32 $0x1, s17;
	s18 =	sand.u32 $0xFFFFFE00, s18;
	s19 =	sshll.u32 s19, $0x2  }
0x5c: {  	s15 =	sor.u32 s19, s18  }
0x5d: {  	s16 =	sand.u32 $0x7F0, s16;
	s15 =	sshra.s32 s15, $0x2  }
0x5e: {  	s14 =	sadd.s32 s15, s14;
	[tilespmem:s16+$0x8C00] =	vst v0  }
0x5f: {  	v0 =	vld [tilespmem:s14+$0x0];
	_ =	sdelay $0x3  }
0x60: {  	s13 =	sand.u32 $0x7F0, s13  }
0x61: {  	s15 =	simm.s32 $0x80;
	[tilespmem:s13+$0x8C00] =	vst v0  }
0x62: {  	[tilespmem:s9], [sflag:$0x1] =	stream.indirect.gather [hbm4b:s3+s15], $0x80, s29, s15, $0xb8;
	[tilespmem:$0xEC00] =	vst v63  }
0x63: {  	_ =	swait.ge [sflag:s10], $0x4000  }
0x64: {  	[sflag:s10] =	ssyncset.done $0x0  }
0x65: {  	[sflag:s10] =	ssyncadd.s32 $0xFFFFC000  }
0x66: {  	s16 =	sld [smem:$0x80];
	_ =	sdelay $0x2  }
0x67: {  	s17 =	sand.u32 $0x7F, s16;
	s13 =	sshll.u32 s16, $0x2  }
0x68: {  	s18 =	sld [smem:$0x81];
	s13 =	sand.u32 $0xFFFFFE00, s13;
	s14 =	sshll.u32 s17, $0x2  }
0x69: {  	s13 =	sor.u32 s14, s13  }
0x6a: {  	s15 =	simm.s32 $0x4C80;
	s17 =	sshra.s32 s13, $0x2  }
0x6b: {  	s16 =	simm.s32 $0x20;
	s20 =	sshll.u32 s18, $0x2;
	s17 =	sadd.s32 $0x4C00, s17  }
0x6c: {  	s19 =	sand.u32 $0x7F, s18;
	s14 =	simm.s32 $0x0;
	s18 =	sand.u32 $0xFFFFFE00, s20;
	v0 =	vld [tilespmem:s17+$0x0]  }
0x6d: {  	s19 =	sshll.u32 s19, $0x2;
	s13 =	simm.s32 $0x10;
	s17 =	simm.s32 $0x82  }
.LBB2_4:
0x6e: {  	s20 =	sld [smem:s17+$0x0];
	s18 =	sor.u32 s19, s18;
	s19 =	sand.u32 $0x7F0, s14  }
0x6f: {  	s14 =	smov.u32 s13;
	s13 =	smov.u32 s16;
	p0 =	sne.s32 s16, $0x7F0  }
.Ltmp1:
0x70: {  	s16 =	sadd.s32 $0x10, s16;
	s18 =	sshra.s32 s18, $0x2;
	(pc) =	sbr.rel @p0 .LBB2_4-.Ltmp1, $4  }
0x71: {  	s18 =	sadd.s32 s18, s15;
	[tilespmem:s19+$0x9400] =	vst v0  }
0x72: {  	v0 =	vld [tilespmem:s18+$0x0]  }
0x73: {  	s15 =	sadd.s32 $0x80, s15;
	s19 =	sand.u32 $0x7F, s20;
	s18 =	sshll.u32 s20, $0x2  }
0x74: {  	s17 =	sadd.s32 $0x1, s17;
	s18 =	sand.u32 $0xFFFFFE00, s18;
	s19 =	sshll.u32 s19, $0x2  }
0x75: {  	s16 =	sor.u32 s19, s18  }
0x76: {  	s14 =	sand.u32 $0x7F0, s14;
	s16 =	sshra.s32 s16, $0x2  }
0x77: {  	s15 =	sadd.s32 s16, s15;
	[tilespmem:s14+$0x9400] =	vst v0  }
0x78: {  	v0 =	vld [tilespmem:s15+$0x0];
	_ =	sdelay $0x3  }
0x79: {  	s13 =	sand.u32 $0x7F0, s13  }
0x7a: {  	[tilespmem:s13+$0x9400] =	vst v0  }
0x7b: {  	[tilespmem:s7], [sflag:$0x2] =	stream.indirect.gather [hbm4b:s3+s28], $0x80, s30, s28, $0xb8;
	[tilespmem:$0xEC00] =	vst v63  }
0x7c: {  	_ =	swait.ge [sflag:s8], $0x4000  }
0x7d: {  	[sflag:s8] =	ssyncset.done $0x0  }
0x7e: {  	[sflag:s8] =	ssyncadd.s32 $0xFFFFC000  }
0x7f: {  	s16 =	sld [smem:$0x100];
	_ =	sdelay $0x2  }
0x80: {  	s17 =	sand.u32 $0x7F, s16;
	s13 =	sshll.u32 s16, $0x2  }
0x81: {  	s18 =	sld [smem:$0x101];
	s13 =	sand.u32 $0xFFFFFE00, s13;
	s14 =	sshll.u32 s17, $0x2  }
0x82: {  	s13 =	sor.u32 s14, s13  }
0x83: {  	s15 =	simm.s32 $0xC80;
	s17 =	sshra.s32 s13, $0x2  }
0x84: {  	s16 =	simm.s32 $0x20;
	s20 =	sshll.u32 s18, $0x2;
	s17 =	sadd.s32 $0xC00, s17  }
0x85: {  	s19 =	sand.u32 $0x7F, s18;
	s14 =	simm.s32 $0x0;
	s18 =	sand.u32 $0xFFFFFE00, s20;
	v0 =	vld [tilespmem:s17+$0x0]  }
0x86: {  	s19 =	sshll.u32 s19, $0x2;
	s13 =	simm.s32 $0x10;
	s17 =	simm.s32 $0x102  }
.LBB2_6:
0x87: {  	s20 =	sld [smem:s17+$0x0];
	s18 =	sor.u32 s19, s18;
	s19 =	sand.u32 $0x7F0, s14  }
0x88: {  	s14 =	smov.u32 s13;
	s13 =	smov.u32 s16;
	p0 =	sne.s32 s16, $0x7F0  }
.Ltmp2:
0x89: {  	s16 =	sadd.s32 $0x10, s16;
	s18 =	sshra.s32 s18, $0x2;
	(pc) =	sbr.rel @p0 .LBB2_6-.Ltmp2, $4  }
0x8a: {  	s18 =	sadd.s32 s18, s15;
	[tilespmem:s19+$0x9C00] =	vst v0  }
0x8b: {  	v0 =	vld [tilespmem:s18+$0x0]  }
0x8c: {  	s15 =	sadd.s32 $0x80, s15;
	s19 =	sand.u32 $0x7F, s20;
	s18 =	sshll.u32 s20, $0x2  }
0x8d: {  	s17 =	sadd.s32 $0x1, s17;
	s18 =	sand.u32 $0xFFFFFE00, s18;
	s19 =	sshll.u32 s19, $0x2  }
0x8e: {  	s16 =	sor.u32 s19, s18  }
0x8f: {  	s14 =	sand.u32 $0x7F0, s14;
	s16 =	sshra.s32 s16, $0x2  }
0x90: {  	s15 =	sadd.s32 s16, s15;
	[tilespmem:s14+$0x9C00] =	vst v0  }
0x91: {  	v0 =	vld [tilespmem:s15+$0x0];
	_ =	sdelay $0x3  }
0x92: {  	s13 =	sand.u32 $0x7F0, s13  }
0x93: {  	[tilespmem:s13+$0x9C00] =	vst v0  }
0x94: {  	[tilespmem:s9], [sflag:$0x1] =	stream.indirect.gather [hbm4b:s4+s28], $0x80, s24, s28, $0xb8;
	[tilespmem:$0xEC00] =	vst v63  }
0x95: {  	_ =	swait.ge [sflag:s10], $0x4000  }
0x96: {  	[sflag:s10] =	ssyncset.done $0x0  }
0x97: {  	[sflag:s10] =	ssyncadd.s32 $0xFFFFC000  }
0x98: {  	s16 =	sld [smem:$0x180];
	_ =	sdelay $0x2  }
0x99: {  	s17 =	sand.u32 $0x7F, s16;
	s13 =	sshll.u32 s16, $0x2  }
0x9a: {  	s18 =	sld [smem:$0x181];
	s13 =	sand.u32 $0xFFFFFE00, s13;
	s14 =	sshll.u32 s17, $0x2  }
0x9b: {  	s13 =	sor.u32 s14, s13  }
0x9c: {  	s15 =	simm.s32 $0x4C80;
	s17 =	sshra.s32 s13, $0x2  }
0x9d: {  	s16 =	simm.s32 $0x20;
	s20 =	sshll.u32 s18, $0x2;
	s17 =	sadd.s32 $0x4C00, s17  }
0x9e: {  	s19 =	sand.u32 $0x7F, s18;
	s14 =	simm.s32 $0x0;
	s18 =	sand.u32 $0xFFFFFE00, s20;
	v0 =	vld [tilespmem:s17+$0x0]  }
0x9f: {  	s19 =	sshll.u32 s19, $0x2;
	s13 =	simm.s32 $0x10;
	s17 =	simm.s32 $0x182  }
.LBB2_8:
0xa0: {  	s20 =	sld [smem:s17+$0x0];
	s18 =	sor.u32 s19, s18;
	s19 =	sand.u32 $0x7F0, s14  }
0xa1: {  	s14 =	smov.u32 s13;
	s13 =	smov.u32 s16;
	p0 =	sne.s32 s16, $0x7F0  }
.Ltmp3:
0xa2: {  	s16 =	sadd.s32 $0x10, s16;
	s18 =	sshra.s32 s18, $0x2;
	(pc) =	sbr.rel @p0 .LBB2_8-.Ltmp3, $4  }
0xa3: {  	s18 =	sadd.s32 s18, s15;
	[tilespmem:s19+$0xA400] =	vst v0  }
0xa4: {  	v0 =	vld [tilespmem:s18+$0x0]  }
0xa5: {  	s15 =	sadd.s32 $0x80, s15;
	s19 =	sand.u32 $0x7F, s20;
	s18 =	sshll.u32 s20, $0x2  }
0xa6: {  	s17 =	sadd.s32 $0x1, s17;
	s18 =	sand.u32 $0xFFFFFE00, s18;
	s19 =	sshll.u32 s19, $0x2  }
0xa7: {  	s16 =	sor.u32 s19, s18  }
0xa8: {  	s14 =	sand.u32 $0x7F0, s14;
	s16 =	sshra.s32 s16, $0x2  }
0xa9: {  	s15 =	sadd.s32 s16, s15;
	[tilespmem:s14+$0xA400] =	vst v0  }
0xaa: {  	v0 =	vld [tilespmem:s15+$0x0];
	_ =	sdelay $0x3  }
0xab: {  	s13 =	sand.u32 $0x7F0, s13  }
0xac: {  	[tilespmem:s13+$0xA400] =	vst v0  }
0xad: {  	[tilespmem:s7], [sflag:$0x2] =	stream.indirect.gather [hbm4b:s4+s28], $0x80, s31, s28, $0xb8;
	[tilespmem:$0xEC00] =	vst v63  }
0xae: {  	_ =	swait.ge [sflag:s8], $0x4000  }
0xaf: {  	[sflag:s8] =	ssyncset.done $0x0  }
0xb0: {  	[sflag:s8] =	ssyncadd.s32 $0xFFFFC000  }
0xb1: {  	s16 =	sld [smem:$0x200];
	_ =	sdelay $0x2  }
0xb2: {  	s17 =	sand.u32 $0x7F, s16;
	s13 =	sshll.u32 s16, $0x2  }
0xb3: {  	s18 =	sld [smem:$0x201];
	s13 =	sand.u32 $0xFFFFFE00, s13;
	s14 =	sshll.u32 s17, $0x2  }
0xb4: {  	s13 =	sor.u32 s14, s13  }
0xb5: {  	s15 =	simm.s32 $0xC80;
	s17 =	sshra.s32 s13, $0x2  }
0xb6: {  	s16 =	simm.s32 $0x20;
	s20 =	sshll.u32 s18, $0x2;
	s17 =	sadd.s32 $0xC00, s17  }
0xb7: {  	s19 =	sand.u32 $0x7F, s18;
	s14 =	simm.s32 $0x0;
	s18 =	sand.u32 $0xFFFFFE00, s20;
	v0 =	vld [tilespmem:s17+$0x0]  }
0xb8: {  	s19 =	sshll.u32 s19, $0x2;
	s13 =	simm.s32 $0x10;
	s17 =	simm.s32 $0x202  }
.LBB2_10:
0xb9: {  	s20 =	sld [smem:s17+$0x0];
	s18 =	sor.u32 s19, s18;
	s19 =	sand.u32 $0x7F0, s14  }
0xba: {  	s14 =	smov.u32 s13;
	s13 =	smov.u32 s16;
	p0 =	sne.s32 s16, $0x7F0  }
.Ltmp4:
0xbb: {  	s16 =	sadd.s32 $0x10, s16;
	s18 =	sshra.s32 s18, $0x2;
	(pc) =	sbr.rel @p0 .LBB2_10-.Ltmp4, $4  }
0xbc: {  	s18 =	sadd.s32 s18, s15;
	[tilespmem:s19+$0xAC00] =	vst v0  }
0xbd: {  	v0 =	vld [tilespmem:s18+$0x0]  }
0xbe: {  	s15 =	sadd.s32 $0x80, s15;
	s19 =	sand.u32 $0x7F, s20;
	s18 =	sshll.u32 s20, $0x2  }
0xbf: {  	s17 =	sadd.s32 $0x1, s17;
	s18 =	sand.u32 $0xFFFFFE00, s18;
	s19 =	sshll.u32 s19, $0x2  }
0xc0: {  	s16 =	sor.u32 s19, s18  }
0xc1: {  	s14 =	sand.u32 $0x7F0, s14;
	s16 =	sshra.s32 s16, $0x2  }
0xc2: {  	s15 =	sadd.s32 s16, s15;
	[tilespmem:s14+$0xAC00] =	vst v0  }
0xc3: {  	v0 =	vld [tilespmem:s15+$0x0];
	_ =	sdelay $0x3  }
0xc4: {  	s13 =	sand.u32 $0x7F0, s13  }
0xc5: {  	[tilespmem:s13+$0xAC00] =	vst v0  }
0xc6: {  	[tilespmem:s9], [sflag:$0x1] =	stream.indirect.gather [hbm4b:s4+s28], $0x80, s1, s28, $0xb8;
	[tilespmem:$0xEC00] =	vst v63  }
0xc7: {  	_ =	swait.ge [sflag:s10], $0x4000  }
0xc8: {  	[sflag:s10] =	ssyncset.done $0x0  }
0xc9: {  	[sflag:s10] =	ssyncadd.s32 $0xFFFFC000  }
0xca: {  	s16 =	sld [smem:$0x280];
	_ =	sdelay $0x2  }
0xcb: {  	s17 =	sand.u32 $0x7F, s16;
	s13 =	sshll.u32 s16, $0x2  }
0xcc: {  	s18 =	sld [smem:$0x281];
	s13 =	sand.u32 $0xFFFFFE00, s13;
	s14 =	sshll.u32 s17, $0x2  }
0xcd: {  	s13 =	sor.u32 s14, s13  }
0xce: {  	s15 =	simm.s32 $0x4C80;
	s17 =	sshra.s32 s13, $0x2  }
0xcf: {  	s16 =	simm.s32 $0x20;
	s20 =	sshll.u32 s18, $0x2;
	s17 =	sadd.s32 $0x4C00, s17  }
0xd0: {  	s19 =	sand.u32 $0x7F, s18;
	s14 =	simm.s32 $0x0;
	s18 =	sand.u32 $0xFFFFFE00, s20;
	v0 =	vld [tilespmem:s17+$0x0]  }
0xd1: {  	s19 =	sshll.u32 s19, $0x2;
	s13 =	simm.s32 $0x10;
	s17 =	simm.s32 $0x282  }
.LBB2_12:
0xd2: {  	s20 =	sld [smem:s17+$0x0];
	s18 =	sor.u32 s19, s18;
	s19 =	sand.u32 $0x7F0, s14  }
0xd3: {  	s14 =	smov.u32 s13;
	s13 =	smov.u32 s16;
	p0 =	sne.s32 s16, $0x7F0  }
.Ltmp5:
0xd4: {  	s16 =	sadd.s32 $0x10, s16;
	s18 =	sshra.s32 s18, $0x2;
	(pc) =	sbr.rel @p0 .LBB2_12-.Ltmp5, $4  }
0xd5: {  	s18 =	sadd.s32 s18, s15;
	[tilespmem:s19+$0xB400] =	vst v0  }
0xd6: {  	v0 =	vld [tilespmem:s18+$0x0]  }
0xd7: {  	s15 =	sadd.s32 $0x80, s15;
	s19 =	sand.u32 $0x7F, s20;
	s18 =	sshll.u32 s20, $0x2  }
0xd8: {  	s17 =	sadd.s32 $0x1, s17;
	s18 =	sand.u32 $0xFFFFFE00, s18;
	s19 =	sshll.u32 s19, $0x2  }
0xd9: {  	s16 =	sor.u32 s19, s18  }
0xda: {  	s14 =	sand.u32 $0x7F0, s14;
	s16 =	sshra.s32 s16, $0x2  }
0xdb: {  	s15 =	sadd.s32 s16, s15;
	[tilespmem:s14+$0xB400] =	vst v0  }
0xdc: {  	v0 =	vld [tilespmem:s15+$0x0];
	_ =	sdelay $0x3  }
0xdd: {  	s13 =	sand.u32 $0x7F0, s13  }
0xde: {  	[tilespmem:s13+$0xB400] =	vst v0  }
0xdf: {  	[tilespmem:s7], [sflag:$0x2] =	stream.indirect.gather [hbm4b:s4+s28], $0x80, s0, s28, $0xb8;
	[tilespmem:$0xEC00] =	vst v63  }
0xe0: {  	_ =	swait.ge [sflag:s8], $0x4000  }
0xe1: {  	[sflag:s8] =	ssyncset.done $0x0  }
0xe2: {  	[sflag:s8] =	ssyncadd.s32 $0xFFFFC000  }
0xe3: {  	s16 =	sld [smem:$0x300];
	_ =	sdelay $0x2  }
0xe4: {  	s17 =	sand.u32 $0x7F, s16;
	s13 =	sshll.u32 s16, $0x2  }
0xe5: {  	s18 =	sld [smem:$0x301];
	s13 =	sand.u32 $0xFFFFFE00, s13;
	s14 =	sshll.u32 s17, $0x2  }
0xe6: {  	s13 =	sor.u32 s14, s13  }
0xe7: {  	s15 =	simm.s32 $0xC80;
	s17 =	sshra.s32 s13, $0x2  }
0xe8: {  	s16 =	simm.s32 $0x20;
	s20 =	sshll.u32 s18, $0x2;
	s17 =	sadd.s32 $0xC00, s17  }
0xe9: {  	s19 =	sand.u32 $0x7F, s18;
	s14 =	simm.s32 $0x0;
	s18 =	sand.u32 $0xFFFFFE00, s20;
	v0 =	vld [tilespmem:s17+$0x0]  }
0xea: {  	s19 =	sshll.u32 s19, $0x2;
	s13 =	simm.s32 $0x10;
	s17 =	simm.s32 $0x302  }
.LBB2_14:
0xeb: {  	s20 =	sld [smem:s17+$0x0];
	s18 =	sor.u32 s19, s18;
	s19 =	sand.u32 $0x7F0, s14  }
0xec: {  	s14 =	smov.u32 s13;
	s13 =	smov.u32 s16;
	p0 =	sne.s32 s16, $0x7F0  }
.Ltmp6:
0xed: {  	s16 =	sadd.s32 $0x10, s16;
	s18 =	sshra.s32 s18, $0x2;
	(pc) =	sbr.rel @p0 .LBB2_14-.Ltmp6, $4  }
0xee: {  	s18 =	sadd.s32 s18, s15;
	[tilespmem:s19+$0xBC00] =	vst v0  }
0xef: {  	v0 =	vld [tilespmem:s18+$0x0]  }
0xf0: {  	s15 =	sadd.s32 $0x80, s15;
	s19 =	sand.u32 $0x7F, s20;
	s18 =	sshll.u32 s20, $0x2  }
0xf1: {  	s17 =	sadd.s32 $0x1, s17;
	s18 =	sand.u32 $0xFFFFFE00, s18;
	s19 =	sshll.u32 s19, $0x2  }
0xf2: {  	s16 =	sor.u32 s19, s18  }
0xf3: {  	s14 =	sand.u32 $0x7F0, s14;
	s16 =	sshra.s32 s16, $0x2  }
0xf4: {  	s15 =	sadd.s32 s16, s15;
	[tilespmem:s14+$0xBC00] =	vst v0  }
0xf5: {  	v0 =	vld [tilespmem:s15+$0x0];
	_ =	sdelay $0x3  }
0xf6: {  	s13 =	sand.u32 $0x7F0, s13  }
0xf7: {  	[tilespmem:s13+$0xBC00] =	vst v0;
	s13 =	simm.s32 $0x0  }
0xf8: {  	[tilespmem:s9], [sflag:$0x1] =	stream.indirect.gather [hbm4b:s5+s28], $0x80, s13, s28, $0xb8;
	[tilespmem:$0xEC00] =	vst v63  }
0xf9: {  	_ =	swait.ge [sflag:s10], $0x4000  }
0xfa: {  	[sflag:s10] =	ssyncset.done $0x0  }
0xfb: {  	[sflag:s10] =	ssyncadd.s32 $0xFFFFC000  }
0xfc: {  	s17 =	sld [smem:$0x380];
	_ =	sdelay $0x2  }
0xfd: {  	s18 =	sand.u32 $0x7F, s17;
	s14 =	sshll.u32 s17, $0x2  }
0xfe: {  	s14 =	sand.u32 $0xFFFFFE00, s14;
	s15 =	sshll.u32 s18, $0x2  }
0xff: {  	s17 =	sld [smem:$0x381];
	s14 =	sor.u32 s15, s14  }
0x100: {  	s15 =	sshra.s32 s14, $0x2  }
0x101: {  	s16 =	simm.s32 $0x20;
	s14 =	simm.s32 $0x10;
	s19 =	sadd.s32 $0x4C00, s15  }
0x102: {  	s20 =	sand.u32 $0x7F, s17;
	s17 =	sshll.u32 s17, $0x2;
	s15 =	simm.s32 $0x4C80;
	v0 =	vld [tilespmem:s19+$0x0]  }
0x103: {  	s18 =	sand.u32 $0xFFFFFE00, s17;
	s17 =	simm.s32 $0x382;
	s19 =	sshll.u32 s20, $0x2  }
.LBB2_16:
0x104: {  	s20 =	sld [smem:s17+$0x0];
	s18 =	sor.u32 s19, s18;
	s19 =	sand.u32 $0x7F0, s13  }
0x105: {  	s13 =	smov.u32 s14;
	s14 =	smov.u32 s16;
	p0 =	sne.s32 s16, $0x7F0  }
.Ltmp7:
0x106: {  	s16 =	sadd.s32 $0x10, s16;
	s18 =	sshra.s32 s18, $0x2;
	(pc) =	sbr.rel @p0 .LBB2_16-.Ltmp7, $4  }
0x107: {  	s18 =	sadd.s32 s18, s15;
	[tilespmem:s19+$0xC400] =	vst v0  }
0x108: {  	v0 =	vld [tilespmem:s18+$0x0]  }
0x109: {  	s15 =	sadd.s32 $0x80, s15;
	s19 =	sand.u32 $0x7F, s20;
	s18 =	sshll.u32 s20, $0x2  }
0x10a: {  	s17 =	sadd.s32 $0x1, s17;
	s18 =	sand.u32 $0xFFFFFE00, s18;
	s19 =	sshll.u32 s19, $0x2  }
0x10b: {  	s16 =	sor.u32 s19, s18  }
0x10c: {  	s13 =	sand.u32 $0x7F0, s13;
	s16 =	sshra.s32 s16, $0x2  }
0x10d: {  	s15 =	sadd.s32 s16, s15;
	[tilespmem:s13+$0xC400] =	vst v0  }
0x10e: {  	v0 =	vld [tilespmem:s15+$0x0];
	_ =	sdelay $0x3  }
0x10f: {  	s15 =	sand.u32 $0x7F0, s14  }
0x110: {  	[tilespmem:s15+$0xC400] =	vst v0  }
0x111: {  	[tilespmem:s7], [sflag:$0x2] =	stream.indirect.gather [hbm4b:s5+s28], $0x80, s28, s28, $0xb8;
	[tilespmem:$0xEC00] =	vst v63  }
0x112: {  	_ =	swait.ge [sflag:s8], $0x4000  }
0x113: {  	[sflag:s8] =	ssyncset.done $0x0  }
0x114: {  	[sflag:s8] =	ssyncadd.s32 $0xFFFFC000  }
0x115: {  	s16 =	sld [smem:$0x0];
	_ =	sdelay $0x2  }
0x116: {  	s17 =	sand.u32 $0x7F, s16;
	s13 =	sshll.u32 s16, $0x2  }
0x117: {  	s18 =	sld [smem:$0x1];
	s13 =	sand.u32 $0xFFFFFE00, s13;
	s14 =	sshll.u32 s17, $0x2  }
0x118: {  	s13 =	sor.u32 s14, s13  }
0x119: {  	s15 =	simm.s32 $0xC80;
	s17 =	sshra.s32 s13, $0x2  }
0x11a: {  	s16 =	simm.s32 $0x20;
	s20 =	sshll.u32 s18, $0x2;
	s17 =	sadd.s32 $0xC00, s17  }
0x11b: {  	s19 =	sand.u32 $0x7F, s18;
	s14 =	simm.s32 $0x0;
	s18 =	sand.u32 $0xFFFFFE00, s20;
	v0 =	vld [tilespmem:s17+$0x0]  }
0x11c: {  	s19 =	sshll.u32 s19, $0x2;
	s13 =	simm.s32 $0x10;
	s17 =	simm.s32 $0x2  }
.LBB2_18:
0x11d: {  	s20 =	sld [smem:s17+$0x0];
	s18 =	sor.u32 s19, s18;
	s19 =	sand.u32 $0x7F0, s14  }
0x11e: {  	s14 =	smov.u32 s13;
	s13 =	smov.u32 s16;
	p0 =	sne.s32 s16, $0x7F0  }
.Ltmp8:
0x11f: {  	s16 =	sadd.s32 $0x10, s16;
	s18 =	sshra.s32 s18, $0x2;
	(pc) =	sbr.rel @p0 .LBB2_18-.Ltmp8, $4  }
0x120: {  	s18 =	sadd.s32 s18, s15;
	[tilespmem:s19+$0xCC00] =	vst v0  }
0x121: {  	v0 =	vld [tilespmem:s18+$0x0]  }
0x122: {  	s15 =	sadd.s32 $0x80, s15;
	s19 =	sand.u32 $0x7F, s20;
	s18 =	sshll.u32 s20, $0x2  }
0x123: {  	s17 =	sadd.s32 $0x1, s17;
	s18 =	sand.u32 $0xFFFFFE00, s18;
	s19 =	sshll.u32 s19, $0x2  }
0x124: {  	s16 =	sor.u32 s19, s18  }
0x125: {  	s14 =	sand.u32 $0x7F0, s14;
	s16 =	sshra.s32 s16, $0x2  }
0x126: {  	s15 =	sadd.s32 s16, s15;
	[tilespmem:s14+$0xCC00] =	vst v0  }
0x127: {  	v0 =	vld [tilespmem:s15+$0x0];
	_ =	sdelay $0x3  }
0x128: {  	s13 =	sand.u32 $0x7F0, s13  }
0x129: {  	s15 =	simm.s32 $0x80;
	[tilespmem:s13+$0xCC00] =	vst v0  }
0x12a: {  	[tilespmem:s9], [sflag:$0x1] =	stream.indirect.gather [hbm4b:s5+s15], $0x80, s29, s15, $0xb8;
	[tilespmem:$0xEC00] =	vst v63  }
0x12b: {  	_ =	swait.ge [sflag:s10], $0x4000  }
0x12c: {  	[sflag:s10] =	ssyncset.done $0x0  }
0x12d: {  	[sflag:s10] =	ssyncadd.s32 $0xFFFFC000  }
0x12e: {  	s16 =	sld [smem:$0x80];
	_ =	sdelay $0x2  }
0x12f: {  	s17 =	sand.u32 $0x7F, s16;
	s13 =	sshll.u32 s16, $0x2  }
0x130: {  	s18 =	sld [smem:$0x81];
	s13 =	sand.u32 $0xFFFFFE00, s13;
	s14 =	sshll.u32 s17, $0x2  }
0x131: {  	s13 =	sor.u32 s14, s13  }
0x132: {  	s15 =	simm.s32 $0x4C80;
	s17 =	sshra.s32 s13, $0x2  }
0x133: {  	s16 =	simm.s32 $0x20;
	s20 =	sshll.u32 s18, $0x2;
	s17 =	sadd.s32 $0x4C00, s17  }
0x134: {  	s19 =	sand.u32 $0x7F, s18;
	s14 =	simm.s32 $0x0;
	s18 =	sand.u32 $0xFFFFFE00, s20;
	v0 =	vld [tilespmem:s17+$0x0]  }
0x135: {  	s19 =	sshll.u32 s19, $0x2;
	s13 =	simm.s32 $0x10;
	s17 =	simm.s32 $0x82  }
.LBB2_20:
0x136: {  	s20 =	sld [smem:s17+$0x0];
	s18 =	sor.u32 s19, s18;
	s19 =	sand.u32 $0x7F0, s14  }
0x137: {  	s14 =	smov.u32 s13;
	s13 =	smov.u32 s16;
	p0 =	sne.s32 s16, $0x7F0  }
.Ltmp9:
0x138: {  	s16 =	sadd.s32 $0x10, s16;
	s18 =	sshra.s32 s18, $0x2;
	(pc) =	sbr.rel @p0 .LBB2_20-.Ltmp9, $4  }
0x139: {  	s18 =	sadd.s32 s18, s15;
	[tilespmem:s19+$0xD400] =	vst v0  }
0x13a: {  	v0 =	vld [tilespmem:s18+$0x0]  }
0x13b: {  	s15 =	sadd.s32 $0x80, s15;
	s19 =	sand.u32 $0x7F, s20;
	s18 =	sshll.u32 s20, $0x2  }
0x13c: {  	s17 =	sadd.s32 $0x1, s17;
	s18 =	sand.u32 $0xFFFFFE00, s18;
	s19 =	sshll.u32 s19, $0x2  }
0x13d: {  	s16 =	sor.u32 s19, s18  }
0x13e: {  	s14 =	sand.u32 $0x7F0, s14;
	s16 =	sshra.s32 s16, $0x2  }
0x13f: {  	s15 =	sadd.s32 s16, s15;
	[tilespmem:s14+$0xD400] =	vst v0  }
0x140: {  	v0 =	vld [tilespmem:s15+$0x0];
	_ =	sdelay $0x3  }
0x141: {  	s13 =	sand.u32 $0x7F0, s13  }
0x142: {  	[tilespmem:s13+$0xD400] =	vst v0  }
0x143: {  	[tilespmem:s7], [sflag:$0x2] =	stream.indirect.gather [hbm4b:s5+s28], $0x80, s30, s28, $0xb8;
	[tilespmem:$0xEC00] =	vst v63  }
0x144: {  	_ =	swait.ge [sflag:s8], $0x4000  }
0x145: {  	[sflag:s8] =	ssyncset.done $0x0  }
0x146: {  	[sflag:s8] =	ssyncadd.s32 $0xFFFFC000  }
0x147: {  	s16 =	sld [smem:$0x100];
	_ =	sdelay $0x2  }
0x148: {  	s17 =	sand.u32 $0x7F, s16;
	s13 =	sshll.u32 s16, $0x2  }
0x149: {  	s18 =	sld [smem:$0x101];
	s13 =	sand.u32 $0xFFFFFE00, s13;
	s14 =	sshll.u32 s17, $0x2  }
0x14a: {  	s13 =	sor.u32 s14, s13  }
0x14b: {  	s15 =	simm.s32 $0xC80;
	s17 =	sshra.s32 s13, $0x2  }
0x14c: {  	s16 =	simm.s32 $0x20;
	s20 =	sshll.u32 s18, $0x2;
	s17 =	sadd.s32 $0xC00, s17  }
0x14d: {  	s19 =	sand.u32 $0x7F, s18;
	s14 =	simm.s32 $0x0;
	s18 =	sand.u32 $0xFFFFFE00, s20;
	v0 =	vld [tilespmem:s17+$0x0]  }
0x14e: {  	s19 =	sshll.u32 s19, $0x2;
	s13 =	simm.s32 $0x10;
	s17 =	simm.s32 $0x102  }
.LBB2_22:
0x14f: {  	s20 =	sld [smem:s17+$0x0];
	s18 =	sor.u32 s19, s18;
	s19 =	sand.u32 $0x7F0, s14  }
0x150: {  	s14 =	smov.u32 s13;
	s13 =	smov.u32 s16;
	p0 =	sne.s32 s16, $0x7F0  }
.Ltmp10:
0x151: {  	s16 =	sadd.s32 $0x10, s16;
	s18 =	sshra.s32 s18, $0x2;
	(pc) =	sbr.rel @p0 .LBB2_22-.Ltmp10, $4  }
0x152: {  	s18 =	sadd.s32 s18, s15;
	[tilespmem:s19+$0xDC00] =	vst v0  }
0x153: {  	v0 =	vld [tilespmem:s18+$0x0]  }
0x154: {  	s15 =	sadd.s32 $0x80, s15;
	s19 =	sand.u32 $0x7F, s20;
	s18 =	sshll.u32 s20, $0x2  }
0x155: {  	s17 =	sadd.s32 $0x1, s17;
	s18 =	sand.u32 $0xFFFFFE00, s18;
	s19 =	sshll.u32 s19, $0x2  }
0x156: {  	s16 =	sor.u32 s19, s18  }
0x157: {  	s14 =	sand.u32 $0x7F0, s14;
	s16 =	sshra.s32 s16, $0x2  }
0x158: {  	s15 =	sadd.s32 s16, s15;
	[tilespmem:s14+$0xDC00] =	vst v0  }
0x159: {  	v0 =	vld [tilespmem:s15+$0x0];
	_ =	sdelay $0x3  }
0x15a: {  	s13 =	sand.u32 $0x7F0, s13  }
0x15b: {  	[tilespmem:s13+$0xDC00] =	vst v0  }
0x15c: {  	[tilespmem:s9], [sflag:$0x1] =	stream.indirect.gather [hbm4b:s6+s28], $0x80, s24, s28, $0xb8;
	[tilespmem:$0xEC00] =	vst v63  }
0x15d: {  	_ =	swait.ge [sflag:s10], $0x4000  }
0x15e: {  	[sflag:s10] =	ssyncset.done $0x0  }
0x15f: {  	[sflag:s10] =	ssyncadd.s32 $0xFFFFC000  }
0x160: {  	s16 =	sld [smem:$0x180];
	_ =	sdelay $0x2  }
0x161: {  	s17 =	sand.u32 $0x7F, s16;
	s13 =	sshll.u32 s16, $0x2  }
0x162: {  	s18 =	sld [smem:$0x181];
	s13 =	sand.u32 $0xFFFFFE00, s13;
	s14 =	sshll.u32 s17, $0x2  }
0x163: {  	s13 =	sor.u32 s14, s13  }
0x164: {  	s15 =	simm.s32 $0x4C80;
	s17 =	sshra.s32 s13, $0x2  }
0x165: {  	s16 =	simm.s32 $0x20;
	s20 =	sshll.u32 s18, $0x2;
	s17 =	sadd.s32 $0x4C00, s17  }
0x166: {  	s19 =	sand.u32 $0x7F, s18;
	s14 =	simm.s32 $0x0;
	s18 =	sand.u32 $0xFFFFFE00, s20;
	v0 =	vld [tilespmem:s17+$0x0]  }
0x167: {  	s19 =	sshll.u32 s19, $0x2;
	s13 =	simm.s32 $0x10;
	s17 =	simm.s32 $0x182  }
.LBB2_24:
0x168: {  	s20 =	sld [smem:s17+$0x0];
	s18 =	sor.u32 s19, s18;
	s19 =	sand.u32 $0x7F0, s14  }
0x169: {  	s14 =	smov.u32 s13;
	s13 =	smov.u32 s16;
	p0 =	sne.s32 s16, $0x7F0  }
.Ltmp11:
0x16a: {  	s16 =	sadd.s32 $0x10, s16;
	s18 =	sshra.s32 s18, $0x2;
	(pc) =	sbr.rel @p0 .LBB2_24-.Ltmp11, $4  }
0x16b: {  	s18 =	sadd.s32 s18, s15;
	[tilespmem:s19+$0xE400] =	vst v0  }
0x16c: {  	v0 =	vld [tilespmem:s18+$0x0]  }
0x16d: {  	s15 =	sadd.s32 $0x80, s15;
	s19 =	sand.u32 $0x7F, s20;
	s18 =	sshll.u32 s20, $0x2  }
0x16e: {  	s17 =	sadd.s32 $0x1, s17;
	s18 =	sand.u32 $0xFFFFFE00, s18;
	s19 =	sshll.u32 s19, $0x2  }
0x16f: {  	s16 =	sor.u32 s19, s18  }
0x170: {  	s14 =	sand.u32 $0x7F0, s14;
	s16 =	sshra.s32 s16, $0x2  }
0x171: {  	s15 =	sadd.s32 s16, s15;
	[tilespmem:s14+$0xE400] =	vst v0  }
0x172: {  	v0 =	vld [tilespmem:s15+$0x0];
	_ =	sdelay $0x3  }
0x173: {  	s13 =	sand.u32 $0x7F0, s13  }
0x174: {  	[tilespmem:s13+$0xE400] =	vst v0  }
0x175: {  	[tilespmem:s7], [sflag:$0x2] =	stream.indirect.gather [hbm4b:s6+s28], $0x80, s31, s28, $0xb8;
	[tilespmem:$0xEC00] =	vst v63  }
0x176: {  	_ =	swait.ge [sflag:s8], $0x4000  }
0x177: {  	[sflag:s8] =	ssyncset.done $0x0  }
0x178: {  	[sflag:s8] =	ssyncadd.s32 $0xFFFFC000  }
0x179: {  	s17 =	sld [smem:$0x200];
	_ =	sdelay $0x2  }
0x17a: {  	s18 =	sand.u32 $0x7F, s17;
	s13 =	sshll.u32 s17, $0x2  }
0x17b: {  	s13 =	sand.u32 $0xFFFFFE00, s13;
	s14 =	sshll.u32 s18, $0x2  }
0x17c: {  	s19 =	simm.s32 $0x0;
	s13 =	sor.u32 s14, s13  }
0x17d: {  	s14 =	sshra.s32 s13, $0x2;
	s13 =	sand.u32 $0x7F0, s19  }
0x17e: {  	s20 =	sadd.s32 $0xC00, s14;
	v0 =	vld [tilespmem:s13+$0xCC00]  }
0x17f: {  	s16 =	simm.s32 $0x201;
	s15 =	simm.s32 $0x10;
	v1 =	vld [tilespmem:s20+$0x0]  }
0x180: {  	s17 =	simm.s32 $0x20;
	s14 =	simm.s32 $0xC00;
	s18 =	sld [smem:$0x201]  }
.LBB2_26:
0x181: {  	p0 =	sne.s32 s17, $0x7F0;
	_ =	sdelay $0x1  }
0x182: {  	s19 =	sand.u32 $0x7F, s18;
	s18 =	sshll.u32 s18, $0x2  }
0x183: {  	s18 =	sand.u32 $0xFFFFFE00, s18;
	s19 =	sshll.u32 s19, $0x2;
	v0 =	vmul.f32 v0, v1  }
.Ltmp12:
0x184: {  	s18 =	sor.u32 s19, s18;
	(pc) =	sbr.rel @p0 .LBB2_26-.Ltmp12, $4  }
0x185: {  	s14 =	sadd.s32 $0x80, s14;
	s18 =	sshra.s32 s18, $0x2;
	[tilespmem:s13+$0xCC00] =	vst v0;
	s13 =	sand.u32 $0x7F0, s15  }
0x186: {  	s15 =	smov.u32 s17;
	s18 =	sadd.s32 s18, s14;
	v0 =	vld [tilespmem:s13+$0xCC00]  }
0x187: {  	s16 =	sadd.s32 $0x1, s16;
	v1 =	vld [tilespmem:s18+$0x0]  }
0x188: {  	s17 =	sadd.s32 $0x10, s17;
	s18 =	sld [smem:s16+$0x0]  }
0x189: {  	_ =	sdelay $0x1  }
0x18a: {  	s16 =	sand.u32 $0x7F, s18;
	s17 =	sshll.u32 s18, $0x2  }
0x18b: {  	s17 =	sand.u32 $0xFFFFFE00, s17;
	s16 =	sshll.u32 s16, $0x2;
	v0 =	vmul.f32 v0, v1  }
0x18c: {  	s16 =	sor.u32 s16, s17  }
0x18d: {  	s15 =	sand.u32 $0x7F0, s15;
	s14 =	sadd.s32 $0x80, s14;
	s16 =	sshra.s32 s16, $0x2;
	[tilespmem:s13+$0xCC00] =	vst v0  }
0x18e: {  	s13 =	sadd.s32 s16, s14;
	v0 =	vld [tilespmem:s15+$0xCC00]  }
0x18f: {  	v1 =	vld [tilespmem:s13+$0x0];
	_ =	sdelay $0x4  }
0x190: {  	v0 =	vmul.f32 v0, v1;
	_ =	sdelay $0x1  }
0x191: {  	[tilespmem:s15+$0xCC00] =	vst v0  }
0x192: {  	[tilespmem:s9], [sflag:$0x1] =	stream.indirect.gather [hbm4b:s6+s28], $0x80, s1, s28, $0xb8;
	[tilespmem:$0xEC00] =	vst v63  }
0x193: {  	_ =	swait.ge [sflag:s10], $0x4000  }
0x194: {  	[sflag:s10] =	ssyncset.done $0x0  }
0x195: {  	[sflag:s10] =	ssyncadd.s32 $0xFFFFC000  }
0x196: {  	s17 =	sld [smem:$0x280];
	_ =	sdelay $0x2  }
0x197: {  	s18 =	sand.u32 $0x7F, s17;
	s13 =	sshll.u32 s17, $0x2  }
0x198: {  	s13 =	sand.u32 $0xFFFFFE00, s13;
	s14 =	sshll.u32 s18, $0x2  }
0x199: {  	s19 =	simm.s32 $0x0;
	s13 =	sor.u32 s14, s13  }
0x19a: {  	s14 =	sshra.s32 s13, $0x2;
	s13 =	sand.u32 $0x7F0, s19  }
0x19b: {  	s20 =	sadd.s32 $0x4C00, s14;
	v0 =	vld [tilespmem:s13+$0xD400]  }
0x19c: {  	s16 =	simm.s32 $0x281;
	s15 =	simm.s32 $0x10;
	v1 =	vld [tilespmem:s20+$0x0]  }
0x19d: {  	s17 =	simm.s32 $0x20;
	s14 =	simm.s32 $0x4C00;
	s18 =	sld [smem:$0x281]  }
.LBB2_28:
0x19e: {  	p0 =	sne.s32 s17, $0x7F0;
	_ =	sdelay $0x1  }
0x19f: {  	s19 =	sand.u32 $0x7F, s18;
	s18 =	sshll.u32 s18, $0x2  }
0x1a0: {  	s18 =	sand.u32 $0xFFFFFE00, s18;
	s19 =	sshll.u32 s19, $0x2;
	v0 =	vmul.f32 v0, v1  }
.Ltmp13:
0x1a1: {  	s18 =	sor.u32 s19, s18;
	(pc) =	sbr.rel @p0 .LBB2_28-.Ltmp13, $4  }
0x1a2: {  	s14 =	sadd.s32 $0x80, s14;
	s18 =	sshra.s32 s18, $0x2;
	[tilespmem:s13+$0xD400] =	vst v0;
	s13 =	sand.u32 $0x7F0, s15  }
0x1a3: {  	s15 =	smov.u32 s17;
	s18 =	sadd.s32 s18, s14;
	v0 =	vld [tilespmem:s13+$0xD400]  }
0x1a4: {  	s16 =	sadd.s32 $0x1, s16;
	v1 =	vld [tilespmem:s18+$0x0]  }
0x1a5: {  	s17 =	sadd.s32 $0x10, s17;
	s18 =	sld [smem:s16+$0x0]  }
0x1a6: {  	_ =	sdelay $0x1  }
0x1a7: {  	s16 =	sand.u32 $0x7F, s18;
	s17 =	sshll.u32 s18, $0x2  }
0x1a8: {  	s17 =	sand.u32 $0xFFFFFE00, s17;
	s16 =	sshll.u32 s16, $0x2;
	v0 =	vmul.f32 v0, v1  }
0x1a9: {  	s16 =	sor.u32 s16, s17  }
0x1aa: {  	s15 =	sand.u32 $0x7F0, s15;
	s14 =	sadd.s32 $0x80, s14;
	s16 =	sshra.s32 s16, $0x2;
	[tilespmem:s13+$0xD400] =	vst v0  }
0x1ab: {  	s13 =	sadd.s32 s16, s14;
	v0 =	vld [tilespmem:s15+$0xD400]  }
0x1ac: {  	v1 =	vld [tilespmem:s13+$0x0];
	_ =	sdelay $0x4  }
0x1ad: {  	v0 =	vmul.f32 v0, v1;
	_ =	sdelay $0x1  }
0x1ae: {  	[tilespmem:s15+$0xD400] =	vst v0  }
0x1af: {  	[tilespmem:s7], [sflag:$0x2] =	stream.indirect.gather [hbm4b:s6+s28], $0x80, s0, s28, $0xb8;
	[tilespmem:$0xEC00] =	vst v63  }
0x1b0: {  	_ =	swait.ge [sflag:s8], $0x4000  }
0x1b1: {  	[sflag:s8] =	ssyncset.done $0x0  }
0x1b2: {  	[sflag:s8] =	ssyncadd.s32 $0xFFFFC000  }
0x1b3: {  	s17 =	sld [smem:$0x300];
	_ =	sdelay $0x2  }
0x1b4: {  	s18 =	sand.u32 $0x7F, s17;
	s13 =	sshll.u32 s17, $0x2  }
0x1b5: {  	s13 =	sand.u32 $0xFFFFFE00, s13;
	s14 =	sshll.u32 s18, $0x2  }
0x1b6: {  	s19 =	simm.s32 $0x0;
	s13 =	sor.u32 s14, s13  }
0x1b7: {  	s14 =	sshra.s32 s13, $0x2;
	s13 =	sand.u32 $0x7F0, s19  }
0x1b8: {  	s20 =	sadd.s32 $0xC00, s14;
	v0 =	vld [tilespmem:s13+$0xDC00]  }
0x1b9: {  	s16 =	simm.s32 $0x301;
	s15 =	simm.s32 $0x10;
	v1 =	vld [tilespmem:s20+$0x0]  }
0x1ba: {  	s17 =	simm.s32 $0x20;
	s14 =	simm.s32 $0xC00;
	s18 =	sld [smem:$0x301]  }
.LBB2_30:
0x1bb: {  	p0 =	sne.s32 s17, $0x7F0;
	_ =	sdelay $0x1  }
0x1bc: {  	s19 =	sand.u32 $0x7F, s18;
	s18 =	sshll.u32 s18, $0x2  }
0x1bd: {  	s18 =	sand.u32 $0xFFFFFE00, s18;
	s19 =	sshll.u32 s19, $0x2;
	v0 =	vmul.f32 v0, v1  }
.Ltmp14:
0x1be: {  	s18 =	sor.u32 s19, s18;
	(pc) =	sbr.rel @p0 .LBB2_30-.Ltmp14, $4  }
0x1bf: {  	s14 =	sadd.s32 $0x80, s14;
	s18 =	sshra.s32 s18, $0x2;
	[tilespmem:s13+$0xDC00] =	vst v0;
	s13 =	sand.u32 $0x7F0, s15  }
0x1c0: {  	s15 =	smov.u32 s17;
	s18 =	sadd.s32 s18, s14;
	v0 =	vld [tilespmem:s13+$0xDC00]  }
0x1c1: {  	s16 =	sadd.s32 $0x1, s16;
	v1 =	vld [tilespmem:s18+$0x0]  }
0x1c2: {  	s17 =	sadd.s32 $0x10, s17;
	s18 =	sld [smem:s16+$0x0]  }
0x1c3: {  	_ =	sdelay $0x1  }
0x1c4: {  	s16 =	sand.u32 $0x7F, s18;
	s17 =	sshll.u32 s18, $0x2  }
0x1c5: {  	s17 =	sand.u32 $0xFFFFFE00, s17;
	s16 =	sshll.u32 s16, $0x2;
	v0 =	vmul.f32 v0, v1  }
0x1c6: {  	s16 =	sor.u32 s16, s17  }
0x1c7: {  	s15 =	sand.u32 $0x7F0, s15;
	s14 =	sadd.s32 $0x80, s14;
	s16 =	sshra.s32 s16, $0x2;
	[tilespmem:s13+$0xDC00] =	vst v0  }
0x1c8: {  	s13 =	sadd.s32 s16, s14;
	v0 =	vld [tilespmem:s15+$0xDC00]  }
0x1c9: {  	v1 =	vld [tilespmem:s13+$0x0];
	_ =	sdelay $0x4  }
0x1ca: {  	v0 =	vmul.f32 v0, v1;
	_ =	sdelay $0x1  }
0x1cb: {  	[tilespmem:s15+$0xDC00] =	vst v0  }
0x1cc: {  	_ =	swait.ge [sflag:s10], $0x4000  }
0x1cd: {  	[sflag:s10] =	ssyncset.done $0x0  }
0x1ce: {  	[sflag:s10] =	ssyncadd.s32 $0xFFFFC000  }
0x1cf: {  	s17 =	sld [smem:$0x380];
	_ =	sdelay $0x2  }
0x1d0: {  	s18 =	sand.u32 $0x7F, s17;
	s13 =	sshll.u32 s17, $0x2  }
0x1d1: {  	s13 =	sand.u32 $0xFFFFFE00, s13;
	s14 =	sshll.u32 s18, $0x2  }
0x1d2: {  	s19 =	simm.s32 $0x0;
	s13 =	sor.u32 s14, s13  }
0x1d3: {  	s14 =	sshra.s32 s13, $0x2;
	s13 =	sand.u32 $0x7F0, s19  }
0x1d4: {  	s20 =	sadd.s32 $0x4C00, s14;
	v0 =	vld [tilespmem:s13+$0xE400]  }
0x1d5: {  	s16 =	simm.s32 $0x381;
	s15 =	simm.s32 $0x10;
	v1 =	vld [tilespmem:s20+$0x0]  }
0x1d6: {  	s17 =	simm.s32 $0x20;
	s14 =	simm.s32 $0x4C00;
	s18 =	sld [smem:$0x381]  }
.LBB2_32:
0x1d7: {  	p0 =	sne.s32 s17, $0x7F0;
	_ =	sdelay $0x1  }
0x1d8: {  	s19 =	sand.u32 $0x7F, s18;
	s18 =	sshll.u32 s18, $0x2  }
0x1d9: {  	s18 =	sand.u32 $0xFFFFFE00, s18;
	s19 =	sshll.u32 s19, $0x2;
	v0 =	vmul.f32 v0, v1  }
.Ltmp15:
0x1da: {  	s18 =	sor.u32 s19, s18;
	(pc) =	sbr.rel @p0 .LBB2_32-.Ltmp15, $4  }
0x1db: {  	s14 =	sadd.s32 $0x80, s14;
	s18 =	sshra.s32 s18, $0x2;
	[tilespmem:s13+$0xE400] =	vst v0;
	s13 =	sand.u32 $0x7F0, s15  }
0x1dc: {  	s15 =	smov.u32 s17;
	s18 =	sadd.s32 s18, s14;
	v0 =	vld [tilespmem:s13+$0xE400]  }
0x1dd: {  	s16 =	sadd.s32 $0x1, s16;
	v1 =	vld [tilespmem:s18+$0x0]  }
0x1de: {  	s17 =	sadd.s32 $0x10, s17;
	s18 =	sld [smem:s16+$0x0]  }
0x1df: {  	_ =	sdelay $0x1  }
0x1e0: {  	s16 =	sand.u32 $0x7F, s18;
	s17 =	sshll.u32 s18, $0x2  }
0x1e1: {  	s17 =	sand.u32 $0xFFFFFE00, s17;
	s16 =	sshll.u32 s16, $0x2;
	v0 =	vmul.f32 v0, v1  }
0x1e2: {  	s16 =	sor.u32 s16, s17  }
0x1e3: {  	s15 =	sand.u32 $0x7F0, s15;
	s20 =	sadd.s32 $0x80, s14;
	s16 =	sshra.s32 s16, $0x2;
	[tilespmem:s13+$0xE400] =	vst v0  }
0x1e4: {  	s13 =	sadd.s32 s16, s20;
	v0 =	vld [tilespmem:s15+$0xE400]  }
0x1e5: {  	v63 =	vld [tilespmem:s13+$0x0];
	_ =	sdelay $0x4  }
0x1e6: {  	v0 =	vmul.f32 v0, v63;
	_ =	sdelay $0x1  }
0x1e7: {  	s14 =	rddreg [dreg:$0x9];
	[tilespmem:s15+$0xE400] =	vst v0;
	s15 =	simm.s32 $0x8C00  }
0x1e8: {  	[hbm4b:s14+s2] =	stream.linear.scatter [tilespmem:s15], [sflag:$0x3], $0x2000, $0x38;
	[tilespmem:$0xEC00] =	vst v63  }
0x1e9: {  	_ =	swait.ge [sflag:s23], $0x2000  }
0x1ea: {  	[sflag:s23] =	ssyncset.done $0x0  }
0x1eb: {  	s17 =	simm.s32 $0xAC00;
	s16 =	rddreg [dreg:$0xa];
	[sflag:s23] =	ssyncadd.s32 $0xFFFFE000  }
0x1ec: {  	[hbm4b:s16+s2] =	stream.linear.scatter [tilespmem:s17], [sflag:$0x3], $0x2000, $0x38;
	[tilespmem:$0xEC00] =	vst v63  }
0x1ed: {  	_ =	swait.ge [sflag:s23], $0x2000  }
0x1ee: {  	[sflag:s23] =	ssyncset.done $0x0  }
0x1ef: {  	s19 =	simm.s32 $0xCC00;
	s18 =	rddreg [dreg:$0xb];
	[sflag:s23] =	ssyncadd.s32 $0xFFFFE000  }
0x1f0: {  	[hbm4b:s18+s2] =	stream.linear.scatter [tilespmem:s19], [sflag:$0x3], $0x2000, $0x38;
	[tilespmem:$0xEC00] =	vst v63  }
0x1f1: {  	_ =	swait.ge [sflag:s23], $0x2000  }
0x1f2: {  	s26 =	sadd.s32 $0x1, s26;
	s20 =	rddreg [dreg:$0xc]  }
0x1f3: {  	p0 =	sne.s32 s26, s20  }
.Ltmp16:
0x1f4: {  	_ = 	snop;
	(pc) =	sbr.rel @p0 .LBB2_1-.Ltmp16, $3  }
0x1f5: {  	_ =	sdelay $0x1  }
0x1f6: {  	[sflag:s23] =	ssyncset.done $0x0  }
0x1f7: {  	[sflag:s23] =	ssyncadd.s32 $0xFFFFE000  }
0x1f8: {  	_ =	sfence.sel $0x180000  }
0x1f9: {  	[bflag:$0x0] =	sbarrier.arrive $0xFFFF  }
0x1fa: {  	_ =	strace $0x9000005F  }
0x1fb: {  	s0 =	stileid.u32;
	[bflag:$0x2] =	sbarrier.arrive $0xFFFF  }
0x1fc: {  	p0 =	sne.s32 s0, $0x0;
	s0 =	rddreg [dreg:$0x4]  }
0x1fd: {  	s0 =	sadd.s32 @!p0 $0x100000, s0  }
0x1fe: {  	[sflag:s0] =	ssyncadd.tile.s32 @!p0 $0x1;
	_ =	shalt  }
.Lfunc_end2:
_tile_overlayer_lowered:
.L_overlay_start_2:
0x1ff: {  	(tag) =	ssettag $0x2  }
0x200: {  	s0 =	rddreg [dreg:$0x0];
	s2 =	stileid.u32  }
0x201: {  	s1 =	rddreg [dreg:$0x1];
	p0 =	sne.s32 s2, $0x0  }
0x202: {  	s3 =	rddreg [dreg:$0x2];
	[bflag:$0x3] =	sbarrier.arrive $0xFFFF;
	s2 =	simm.s32 @!p0 $0x1C03  }
0x203: {  	[timem:s3], [sflag:s2] =	dma.local @!p0 [hbm:s0], s1  }
0x204: {  	s0 =	simm.s32 @!p0 $0x3  }
0x205: {  	_ =	swait.ge @!p0 [sflag:s0], s1  }
0x206: {  	s1 =	ssub.s32 @!p0 $0x0, s1;
	[sflag:s0] =	ssyncset.done @!p0 $0x0  }
0x207: {  	[sflag:s0] =	ssyncadd.s32 @!p0 s1  }
0x208: {  	[bflag:$0x3] =	sbarrier.arrive $0xFFFF  }
0x209: {  	_ =	shalt  }

// kernel: sparse-core-data-format-call.1.cloned.1.call-start
scs
called_computation.1_lowered:
.L_overlay_start_0:
0x0: {  	s2 =	sld [smem:$0x3FD9]  }
0x1: {  	s3 =	sld [smem:$0x3FFE];
	_ =	sdelay $0x1  }
0x2: {  	s1 =	srdreg.scid  }
0x3: {  	s0 =	sand.u32 $0x1, s1  }
0x4: {  	s18 =	sshll.u32 s0, $0xA;
	s2 =	sadd.s32 s3, s2  }
0x5: {  	s2 =	sadd.s32 s2, s18  }
0x6: {  	[smem:$0x3FBC] =	sst s2  }
0x7: {  	_ = 	snop  }
0x8: {  	s19 =	sld [smem:$0x3FC6];
	(tm) =	ssettm $0x1  }
0x9: {  	s20 =	sld [smem:$0x3FFB];
	_ =	sdelay $0x3  }
0xa: {  	_ =	strace s20  }
0xb: {  	s2 =	sld [smem:$0x3FFC];
	_ =	sdelay $0x3  }
0xc: {  	_ =	strace s2  }
0xd: {  	s2 =	sld [smem:$0x3FFD];
	_ =	sdelay $0x3  }
0xe: {  	_ =	strace s2  }
0xf: {  	_ =	strace $0x8FFFFFFF  }
0x10: {  	s21 =	sld [smem:$0x3FDB];
	_ =	sdelay $0x1  }
0x11: {  	s4 =	simm.s32 $_scs_section_size  }
0x12: {  	s5 =	simm.s32 $_size__tile_overlayer_lowered;
	s6 =	simm.s32 $_tile_overlayer_lowered  }
0x13: {  	s7 =	simm.s32 $0x1BFF;
	s22 =	sshll.u32 s6, $0x1;
	s4 =	sadd.s32 s4, s21  }
0x14: {  	s23 =	simm.s32 $0x0;
	s5 =	sshll.u32 s5, $0x1;
	s6 =	sadd.s32 s22, s4  }
0x15: {  	[timem:s23], [sflag:s7] =	dma.local [hbm:s6], s5  }
0x16: {  	_ =	swait.ge [sflag:s7], s5  }
0x17: {  	s5 =	ssub.s32 $0x0, s5;
	[sflag:s7] =	ssyncset.done $0x0  }
0x18: {  	[sflag:s7] =	ssyncadd.s32 s5;
	_ =	sdelay $0x1  }
0x19: {  	s24 =	simm.s32 $0x1B8B  }
0x1a: {  	_ =	swait.ge [sflag:s24], $0x1  }
0x1b: {  	[sflag:s24] =	ssyncset.done $0x0  }
0x1c: {  	[sflag:s24] =	ssyncadd.s32 $0xFFFFFFFF  }
0x1d: {  	s5 =	sld [smem:$0x0]  }
0x1e: {  	s6 =	sand.u32 $0xFFFFFFFE, s1  }
0x1f: {  	p0 =	sne.s32 s1, s6  }
0x20: {  	s6 =	sshll.u32 @p0 s6, $0xE  }
0x21: {  	s6 =	sadd.s32 @p0 $0x11B8D, s6;
	s7 =	sshll.u32 @p0 s5, $0x11  }
0x22: {  	s6 =	sor.u32 @p0 s7, s6  }
0x23: {  	[sflag:s6] =	ssyncadd.remote.s32 @p0 $0x1;
	_ =	sdelay $0x1  }
0x24: {  	s6 =	simm.s32 @p0 $0x1B8D  }
0x25: {  	_ =	swait.eq @p0 [sflag:s6], $0x1  }
0x26: {  	[sflag:s6] =	ssyncadd.s32 @p0 $0xFFFFFFFF  }
0x27: {  	s7 =	sshll.u32 @!p0 s1, $0xE  }
0x28: {  	s7 =	sor.u32 @!p0 $0x4000, s7;
	s6 =	simm.s32 @!p0 $0x1B8D  }
0x29: {  	s5 =	sshll.u32 @!p0 s5, $0x11;
	s7 =	sadd.s32 @!p0 $0x11B8D, s7;
	_ =	swait.eq @!p0 [sflag:s6], $0x1  }
0x2a: {  	s5 =	sor.u32 @!p0 s5, s7;
	[sflag:s6] =	ssyncadd.s32 @!p0 $0xFFFFFFFF  }
0x2b: {  	s26 =	simm.s32 $0x1B8E;
	s25 =	sld [smem:$0x3FFE];
	[sflag:s5] =	ssyncadd.remote.s32 @!p0 $0x1  }
0x2c: {  	s27 =	simm.s32 $execute0_lowered;
	[smem:$0x3FD2] =	sst s26  }
0x2d: {  	s6 =	sshll.u32 s27, $0x1;
	_ =	strace $0x8000004F;
	[dreg:$0x1] =	wrdreg $0xFFFFFFFF  }
0x2e: {  	s28 =	simm.s32 $_size_execute0_lowered;
	s4 =	sadd.s32 s4, s6;
	[dreg:$0x0] =	wrdreg $0x0  }
0x2f: {  	s6 =	sshll.u32 s28, $0x1;
	[dreg:$0x2] =	wrdreg s4  }
0x30: {  	[dreg:$0x3] =	wrdreg s6  }
0x31: {  	[dreg:$0x4] =	wrdreg $0xC0  }
0x32: {  	_ =	task [dreg:s23], $0x5FFFF  }
0x33: {  	[dreg:$0x1] =	wrdreg $0xFFFFFFFF  }
0x34: {  	[dreg:$0x0] =	wrdreg $0x60  }
0x35: {  	[dreg:$0x2] =	wrdreg s19  }
0x36: {  	[dreg:$0x3] =	wrdreg s25  }
0x37: {  	[dreg:$0x4] =	wrdreg $0x9  }
0x38: {  	_ =	task.clear_ibuf [dreg:s23], $0x5FFFF;
	_ =	strace $0x9000004F  }
0x39: {  	s29 =	simm.s32 $0x9;
	_ =	strace $0x80000051  }
0x3a: {  	_ =	swait.ge [sflag:s29], $0x1  }
0x3b: {  	[sflag:s29] =	ssyncadd.s32 $0xFFFFFFFF  }
0x3c: {  	_ =	strace $0x90000051  }
0x3d: {  	_ =	sfence  }
0x3e: {  	s30 =	sld [smem:$0x0];
	_ =	sdelay $0x2  }
0x3f: {  	s31 =	sshll.u32 s1, $0xD;
	s1 =	sshrl.u32 s1, $0x2  }
0x40: {  	s4 =	sand.u32 $0x4000, s31;
	s1 =	sadd.s32 s1, s30  }
0x41: {  	s0 =	sor.u32 s4, s0;
	s1 =	sshll.u32 s1, $0x11  }
0x42: {  	s0 =	sor.u32 s1, s0  }
0x43: {  	s0 =	sadd.s32 $0x8F2B, s0  }
0x44: {  	[sflag:s0] =	ssyncadd.remote.s32 $0x1  }
0x45: {  	_ =	sfence.sel $0xFFFF  }
0x46: {  	[dreg:$0x0] =	wrdreg $0xFFFFFFFF;
	(pc) =	sbr.abs _section_cstart, $3  }
0x47: {  	[dreg:$0x1] =	wrdreg $0xFFFFFFFF  }
0x48: {  	_ =	task.clear_ibuf [dreg:s23], $0x2FFFF;
	_ =	strace $0x9FFFFFFF  }
0x49: {  	(tm) =	ssettm $0x7FFFFFFF  }
tec
execute0_lowered:
.L_overlay_start_1:
0x0: {  	(tag) =	ssettag $0x1  }
0x1: {  	s0 =	srdreg.scid;
	s2 =	rddreg [dreg:$0x0]  }
0x2: {  	s5 =	rddreg [dreg:$0x1];
	s1 =	stileid.u32  }
0x3: {  	s4 =	simm.s32 $0x1;
	s6 =	simm.s32 $0x2;
	s15 =	simm.s32 $0x0  }
0x4: {  	p0 =	por $0x0, $0x0;
	s8 =	simm.s32 $0x80;
	s0 =	sshll.u32 s0, $0x4  }
0x5: {  	s14 =	simm.s32 $0x0;
	s9 =	simm.s32 $0x0;
	s3 =	sand.u32 $0x10, s0  }
.Ltmp0:
0x6: {  	s10 =	simm.s32 $0x0;
	s3 =	sor.u32 s1, s3;
	(pc) =	sbr.rel .LBB1_1-.Ltmp0, $4  }
0x7: {  	s0 =	rddreg [dreg:$0x2];
	_ =	strace $0x80000050;
	s3 =	sshll.u32 s3, $0x7  }
0x8: {  	s12 =	simm.s32 $0x0;
	[sflag:s4] =	ssyncpa.u1 $0x0;
	s7 =	ssub.s32 $0xF4200, s3  }
0x9: {  	s13 =	simm.s32 $0x0;
	[sflag:s6] =	ssyncpa.u1 $0x0;
	s6 =	sshrl.u32 s7, $0xC  }
0xa: {  	s5 =	sadd.s32 $0x2DCB200, s5;
	s11 =	smov.u32 s3;
	s7 =	sadd.s32 $0x2, s6  }
.LBB1_5:
0xb: {  	p1 =	slt.u32 s13, $0x2  }
0xc: {  	s17 =	smov.u32 s15;
	p2 =	sgt.s32 @!p1 s15, $0xF41C0;
	s16 =	sshra.s32 @!p1 s15, $0x1F  }
0xd: {  	p3 =	sgt.s32 @!p1 s14, $0x70;
	s18 =	sshra.s32 @!p1 s14, $0x1F;
	p2 =	por !p2, p1  }
0xe: {  	s15 =	sand.u32 @!p1 s16, s15;
	p3 =	por !p3, p1;
	s16 =	smov.u32 s14  }
0xf: {  	s14 =	sand.u32 @!p1 s18, s14;
	s17 =	simm.s32 @p2 $0xF41C0;
	s16 =	simm.s32 @p3 $0x70  }
0x10: {  	s15 =	ssub.s32 @!p1 s17, s15;
	s14 =	ssub.s32 @!p1 s16, s14  }
0x11: {  	s18 =	smov.u32 s12;
	s16 =	sadd.s32 @!p1 $0xFFF0BE40, s15;
	s17 =	sadd.s32 @!p1 $0xFFFFFF90, s14  }
0x12: {  	s15 =	ssub.s32 @!p1 $0xF4240, s15;
	p2 =	sgt.s32 @!p1 s16, $0x7F;
	p3 =	sgt.s32 @!p1 s17, $0xF  }
0x13: {  	s14 =	ssub.s32 @!p1 $0x80, s14;
	p2 =	por !p2, p1;
	p3 =	por !p3, p1  }
0x14: {  	s16 =	sadd.s32 $0x1000, s11;
	s15 =	simm.s32 @!p2 $0x0;
	s14 =	simm.s32 @!p3 $0x0  }
0x15: {  	p2 =	sgt.s32 s16, $0xF423F;
	s14 =	smul.u32 @!p1 s14, s15;
	s15 =	sadd.s32 $0x10, s12  }
0x16: {  	s18 =	smov.u32 @p2 s15  }
0x17: {  	s16 =	smov.u32 @p2 s3;
	p2 =	sgt.s32 s18, $0xF  }
0x18: {  	s18 =	simm.s32 @p2 $0x0;
	p2 =	sne.s32 s13, s7  }
.Ltmp1:
0x19: {  	p0 =	por !p0, !p0;
	s17 =	simm.s32 @!p1 $0x2;
	(pc) =	sbr.rel @!p2 .LBB1_6-.Ltmp1, $4  }
0x1a: {  	s15 =	smov.u32 s9;
	s9 =	smov.u32 s11;
	s14 =	sand.u32 @!p1 $0x3FFFFFFF, s14  }
0x1b: {  	s11 =	smov.u32 s16;
	_ =	swait.ge @!p1 [sflag:s17], s14;
	s19 =	ssub.s32 @!p1 $0x0, s14  }
0x1c: {  	s14 =	smov.u32 s10;
	s13 =	sadd.s32 $0x1, s13;
	[sflag:s17] =	ssyncset.done @!p1 $0x0  }
0x1d: {  	s10 =	smov.u32 s12;
	s12 =	smov.u32 s18;
	[sflag:s17] =	ssyncadd.s32 @!p1 s19  }
.LBB1_1:
0x1e: {  	p1 =	sgt.u32 s13, s6  }
0x1f: {  	s16 =	sshrl.u32 @!p1 s12, $0x3  }
0x20: {  	s17 =	sshll.u32 @!p1 s11, $0x3;
	s16 =	smul.u32 @!p1 $0x7A1400, s16  }
0x21: {  	s18 =	sshll.u32 @!p1 s12, $0x7;
	s17 =	sand.u32 @!p1 $0xFFFFFC00, s17  }
0x22: {  	s16 =	sadd.s32 @!p1 s16, s17;
	s17 =	sand.u32 @!p1 $0x380, s18  }
0x23: {  	s18 =	sand.u32 @!p1 $0x7F, s11;
	s16 =	sor.u32 @!p1 s17, s16  }
0x24: {  	s17 =	sor.u32 @!p1 s18, s16  }
0x25: {  	s18 =	smulhi.u32 @!p1 $0x218D6287, s17;
	_ =	sdelay $0x1  }
0x26: {  	s16 =	smulhi.u32 @!p1 $0x218D6287, s16;
	s18 =	sshrl.u32 @!p1 s18, $0x11  }
0x27: {  	s18 =	smul.u32 @!p1 $0xF4280, s18  }
0x28: {  	s19 =	sxor.u32 @!p1 $0xFFFFFFFF, s13;
	s16 =	sshrl.u32 @!p1 s16, $0x11  }
0x29: {  	s19 =	sshll.u32 @!p1 s19, $0xB;
	s16 =	sand.u32 @!p1 $0xF, s16;
	s17 =	ssub.s32 @!p1 s17, s18  }
0x2a: {  	s16 =	smul.u32 @!p1 $0x1E850, s16;
	s18 =	sshrl.u32 @!p1 s17, $0x3;
	s17 =	sand.u32 @!p1 $0x7, s17  }
0x2b: {  	s19 =	sand.u32 @!p1 $0x800, s19;
	s18 =	sadd.s32 @!p1 s2, s18;
	s17 =	sshll.u32 @!p1 s17, $0x12  }
0x2c: {  	s16 =	sadd.s32 @!p1 s16, s18;
	s17 =	sor.u32 @!p1 $0x400, s17;
	s18 =	simm.s32 @!p1 $0x7A1400  }
0x2d: {  	[tilespmem:s19], [sflag:$0x1] =	stream.strided.gather @!p1 [hbm4b:s16+s17], $0x800, s18, s17, $0x38;
	[tilespmem:$0x2100] =	vst v63  }
0x2e: {  	p1 =	seq.s32 s13, $0x0  }
0x2f: {  	p2 =	sge.u32 @!p1 s13, s7  }
0x30: {  	p1 =	por p1, p2  }
.Ltmp2:
0x31: {  	_ = 	snop;
	(pc) =	sbr.rel @p1 .LBB1_5-.Ltmp2, $1  }
0x32: {  	_ =	sdelay $0x3  }
0x33: {  	s16 =	simm.s32 $0x1  }
0x34: {  	_ =	swait.ge [sflag:s4], $0x800;
	s16 =	simm.s32 @!p0 $0x0  }
0x35: {  	[sflag:s4] =	ssyncset.done $0x0;
	s17 =	sshll.u32 s16, $0xB  }
0x36: {  	[sflag:s4] =	ssyncadd.s32 $0xFFFFF800;
	s17 =	sor.u32 $0x40, s17  }
0x37: {  	s16 =	smul.u32 $0x2200, s16;
	v0 =	vld [tilespmem:s17+$0x30]  }
0x38: {  	v1 =	vld [tilespmem:s17+$0xFFFFFFD0]  }
0x39: {  	s16 =	sshrl.u32 s16, $0x2;
	v5 =	vld [tilespmem:s17+$0xFFFFFFE0]  }
0x3a: {  	v6 =	vld [tilespmem:s17+$0xFFFFFFF0];
	s19 =	sor.u32 $0x1000, s16  }
0x3b: {  	s31 =	sand.u32 $0x1, s13;
	v4 =	vld [tilespmem:s17+$0x0];
	s18 =	sadd.s32 $0x0, s19  }
0x3c: {  	v3 =	vld [tilespmem:s17+$0x10];
	s16 =	smul.u32 $0x2200, s31;
	[tilespmem:s18+$0x770 ss:$0x11] =	vst.msk $0xffff, v0  }
0x3d: {  	v2 =	vld [tilespmem:s17+$0x20];
	[tilespmem:s18+$0x110 ss:$0x11] =	vst.msk $0xffff, v1  }
0x3e: {  	s16 =	sshrl.u32 s16, $0x2;
	v1 =	vld [tilespmem:s17+$0xFFFFFFC0];
	[tilespmem:s18+$0x220 ss:$0x11] =	vst.msk $0xffff, v5;
	s17 =	sadd.s32 $0x80, s17  }
0x3f: {  	s20 =	simm.s32 $0x4;
	s21 =	simm.s32 $0x8;
	s16 =	sor.u32 $0x1000, s16;
	[tilespmem:s18+$0x330 ss:$0x11] =	vst.msk $0xffff, v6;
	v0 =	vld [tilespmem:s17+$0x30]  }
.LBB1_3:
0x40: {  	p1 =	sne.s32 s21, $0x3C;
	v5 =	vld [tilespmem:s17+$0xFFFFFFD0];
	[tilespmem:s18+$0x440 ss:$0x11] =	vst.msk $0xffff, v4  }
0x41: {  	v6 =	vld [tilespmem:s17+$0xFFFFFFE0];
	[tilespmem:s18+$0x550 ss:$0x11] =	vst.msk $0xffff, v3  }
0x42: {  	s22 =	sshra.s32 s20, $0x2;
	s20 =	smov.u32 s21;
	v7 =	vld [tilespmem:s17+$0xFFFFFFF0];
	[tilespmem:s18+$0x660 ss:$0x11] =	vst.msk $0xffff, v2  }
.Ltmp3:
0x43: {  	v4 =	vld [tilespmem:s17+$0x0];
	[tilespmem:s18+$0x0 ss:$0x11] =	vst.msk $0xffff, v1;
	s18 =	sadd.s32 s22, s19;
	(pc) =	sbr.rel @p1 .LBB1_3-.Ltmp3, $4  }
0x44: {  	v3 =	vld [tilespmem:s17+$0x10];
	[tilespmem:s18+$0x770 ss:$0x11] =	vst.msk $0xffff, v0  }
0x45: {  	[tilespmem:s18+$0x110 ss:$0x11] =	vst.msk $0xffff, v5;
	v2 =	vld [tilespmem:s17+$0x20]  }
0x46: {  	v1 =	vld [tilespmem:s17+$0xFFFFFFC0];
	[tilespmem:s18+$0x220 ss:$0x11] =	vst.msk $0xffff, v6;
	s17 =	sadd.s32 $0x80, s17  }
0x47: {  	s21 =	sadd.s32 $0x4, s21;
	v0 =	vld [tilespmem:s17+$0x30];
	[tilespmem:s18+$0x330 ss:$0x11] =	vst.msk $0xffff, v7  }
0x48: {  	s21 =	sshll.u32 s9, $0x7;
	s22 =	sshll.u32 s10, $0x3;
	s20 =	sshra.s32 s20, $0x2  }
0x49: {  	p1 =	sgt.s32 s9, $0xF41C0;
	s30 =	sshra.s32 s9, $0x1F;
	s25 =	sshra.s32 s10, $0x1F  }
0x4a: {  	v5 =	vld [tilespmem:s17+$0xFFFFFFD0];
	s28 =	sshrl.u32 s10, $0x3;
	s23 =	sand.u32 $0xFFFFFC00, s21;
	s22 =	sand.u32 $0xFFFFFC00, s22  }
0x4b: {  	[tilespmem:s18+$0x440 ss:$0x11] =	vst.msk $0xffff, v4;
	v58 =	vld [tilespmem:s17+$0xFFFFFFE0];
	s21 =	sand.u32 $0x380, s21;
	s19 =	sadd.s32 s20, s19;
	s22 =	sadd.s32 s22, s23  }
0x4c: {  	v59 =	vld [tilespmem:s17+$0xFFFFFFF0];
	[tilespmem:s18+$0x550 ss:$0x11] =	vst.msk $0xffff, v3;
	s29 =	sor.u32 s21, s22;
	s21 =	smov.u32 s9;
	s22 =	sand.u32 s30, s9  }
0x4d: {  	v60 =	vld [tilespmem:s17+$0x0];
	[tilespmem:s18+$0x660 ss:$0x11] =	vst.msk $0xffff, v2;
	s30 =	sand.u32 $0x7, s10;
	s20 =	sshrl.u32 s29, $0x7;
	s21 =	simm.s32 @!p1 $0xF41C0  }
0x4e: {  	v61 =	vld [tilespmem:s17+$0x10];
	[tilespmem:s18+$0x0 ss:$0x11] =	vst.msk $0xffff, v1;
	p1 =	sgt.s32 s10, $0x70;
	s24 =	ssub.s32 s21, s22;
	s21 =	smov.u32 s10  }
0x4f: {  	v62 =	vld [tilespmem:s17+$0x20];
	[tilespmem:s19+$0x770 ss:$0x11] =	vst.msk $0xffff, v0;
	s31 =	smulhi.u32 $0x218DEF5, s20;
	s22 =	sand.u32 s25, s10;
	s21 =	simm.s32 @!p1 $0x70  }
0x50: {  	v63 =	vld [tilespmem:s17+$0xFFFFFFC0];
	[tilespmem:s19+$0x110 ss:$0x11] =	vst.msk $0xffff, v5;
	s26 =	sadd.s32 $0xFFF0BE40, s24;
	s17 =	ssub.s32 $0xF4240, s24;
	s21 =	ssub.s32 s21, s22  }
0x51: {  	[tilespmem:s19+$0x220 ss:$0x11] =	vst.msk $0xffff, v58;
	s23 =	sshrl.u32 s31, $0xD;
	p1 =	sgt.s32 s26, $0x7F;
	s27 =	sadd.s32 $0xFFFFFF90, s21  }
0x52: {  	[tilespmem:s19+$0x330 ss:$0x11] =	vst.msk $0xffff, v59;
	s23 =	smul.u32 $0xF4240, s23;
	s18 =	ssub.s32 $0x80, s21;
	p2 =	sgt.s32 s27, $0xF  }
.Ltmp4:
0x53: {  	[tilespmem:s19+$0x440 ss:$0x11] =	vst.msk $0xffff, v60;
	s17 =	simm.s32 @p1 $0x0;
	s18 =	simm.s32 @p2 $0x0;
	(pc) =	sbr.rel .LBB1_5-.Ltmp4, $4  }
0x54: {  	s29 =	sand.u32 $0xF, s28;
	[tilespmem:s19+$0x550 ss:$0x11] =	vst.msk $0xffff, v61;
	s20 =	ssub.s32 s20, s23;
	s17 =	smul.u32 s18, s17  }
0x55: {  	[tilespmem:s19+$0x660 ss:$0x11] =	vst.msk $0xffff, v62;
	s21 =	sshll.u32 s30, $0x12;
	s20 =	sshll.u32 s20, $0x4;
	s18 =	sadd.s32 s5, s29  }
0x56: {  	[tilespmem:s19+$0x0 ss:$0x11] =	vst.msk $0xffff, v63;
	s31 =	sor.u32 $0x10, s21;
	s18 =	sadd.s32 s20, s18;
	s17 =	sand.u32 $0x3FFFFFFF, s17  }
0x57: {  	[hbm4b:s18+s31] =	stream.strided.scatter [tilespmem:s16], [sflag:$0x2], s17, s8, s31, $0x8;
	[tilespmem:$0x2100] =	vst v63  }
.LBB1_6:
0x58: {  	_ =	sfence.sel $0x180000  }
0x59: {  	s2 =	simm.s32 $0x1;
	[bflag:$0x0] =	sbarrier.arrive $0xFFFF  }
0x5a: {  	s31 =	simm.s32 $0x2;
	[sflag:s2] =	ssyncpa.u1 $0x1  }
0x5b: {  	[sflag:s31] =	ssyncpa.u1 $0x1  }
0x5c: {  	p0 =	sne.s32 s1, $0x0;
	_ =	strace $0x90000050  }
0x5d: {  	s0 =	sadd.s32 @!p0 $0x100000, s0;
	[bflag:$0x2] =	sbarrier.arrive $0xFFFF  }
0x5e: {  	[sflag:s0] =	ssyncadd.tile.s32 @!p0 $0x1;
	_ =	shalt  }
.Lfunc_end1:
_tile_overlayer_lowered:
.L_overlay_start_2:
0x5f: {  	(tag) =	ssettag $0x2  }
0x60: {  	s0 =	rddreg [dreg:$0x0];
	s2 =	stileid.u32  }
0x61: {  	s1 =	rddreg [dreg:$0x1];
	p0 =	sne.s32 s2, $0x0  }
0x62: {  	s3 =	rddreg [dreg:$0x2];
	[bflag:$0x3] =	sbarrier.arrive $0xFFFF;
	s2 =	simm.s32 @!p0 $0x1C01  }
0x63: {  	[timem:s3], [sflag:s2] =	dma.local @!p0 [hbm:s0], s1  }
0x64: {  	s0 =	simm.s32 @!p0 $0x1  }
0x65: {  	_ =	swait.ge @!p0 [sflag:s0], s1  }
0x66: {  	s1 =	ssub.s32 @!p0 $0x0, s1;
	[sflag:s0] =	ssyncset.done @!p0 $0x0  }
0x67: {  	[sflag:s0] =	ssyncadd.s32 @!p0 s1  }
0x68: {  	[bflag:$0x3] =	sbarrier.arrive $0xFFFF  }
0x69: {  	_ =	shalt  }

// kernel: sparse-core-data-format-call.2.cloned.1.call-start
scs
called_computation.2_lowered:
.L_overlay_start_0:
0x0: {  	s2 =	sld [smem:$0x3FD9]  }
0x1: {  	s3 =	sld [smem:$0x3FFE];
	_ =	sdelay $0x1  }
0x2: {  	s1 =	srdreg.scid  }
0x3: {  	s0 =	sand.u32 $0x1, s1  }
0x4: {  	s18 =	sshll.u32 s0, $0xA;
	s2 =	sadd.s32 s3, s2  }
0x5: {  	s2 =	sadd.s32 s2, s18  }
0x6: {  	[smem:$0x3FBC] =	sst s2  }
0x7: {  	_ = 	snop  }
0x8: {  	(tm) =	ssettm $0x1  }
0x9: {  	s19 =	sld [smem:$0x3FFB];
	_ =	sdelay $0x3  }
0xa: {  	_ =	strace s19  }
0xb: {  	s2 =	sld [smem:$0x3FFC];
	_ =	sdelay $0x3  }
0xc: {  	_ =	strace s2  }
0xd: {  	s2 =	sld [smem:$0x3FFD];
	_ =	sdelay $0x3  }
0xe: {  	_ =	strace s2  }
0xf: {  	_ =	strace $0x8FFFFFFF  }
0x10: {  	s20 =	sld [smem:$0x3FDB];
	_ =	sdelay $0x1  }
0x11: {  	s21 =	simm.s32 $_scs_section_size  }
0x12: {  	s4 =	simm.s32 $_size__tile_overlayer_lowered;
	s5 =	simm.s32 $_tile_overlayer_lowered  }
0x13: {  	s6 =	simm.s32 $0x1BFF;
	s22 =	sshll.u32 s5, $0x1;
	s3 =	sadd.s32 s21, s20  }
0x14: {  	s23 =	simm.s32 $0x0;
	s4 =	sshll.u32 s4, $0x1;
	s5 =	sadd.s32 s22, s3  }
0x15: {  	[timem:s23], [sflag:s6] =	dma.local [hbm:s5], s4  }
0x16: {  	_ =	swait.ge [sflag:s6], s4  }
0x17: {  	s4 =	ssub.s32 $0x0, s4;
	[sflag:s6] =	ssyncset.done $0x0  }
0x18: {  	[sflag:s6] =	ssyncadd.s32 s4;
	_ =	sdelay $0x1  }
0x19: {  	s24 =	simm.s32 $0x1B8B  }
0x1a: {  	_ =	swait.ge [sflag:s24], $0x1  }
0x1b: {  	[sflag:s24] =	ssyncset.done $0x0  }
0x1c: {  	[sflag:s24] =	ssyncadd.s32 $0xFFFFFFFF  }
0x1d: {  	s4 =	sld [smem:$0x0]  }
0x1e: {  	s5 =	sand.u32 $0xFFFFFFFE, s1  }
0x1f: {  	p0 =	sne.s32 s1, s5  }
0x20: {  	s5 =	sshll.u32 @p0 s5, $0xE  }
0x21: {  	s5 =	sadd.s32 @p0 $0x11B8D, s5;
	s6 =	sshll.u32 @p0 s4, $0x11  }
0x22: {  	s5 =	sor.u32 @p0 s6, s5  }
0x23: {  	[sflag:s5] =	ssyncadd.remote.s32 @p0 $0x1;
	_ =	sdelay $0x1  }
0x24: {  	s5 =	simm.s32 @p0 $0x1B8D  }
0x25: {  	_ =	swait.eq @p0 [sflag:s5], $0x1  }
0x26: {  	[sflag:s5] =	ssyncadd.s32 @p0 $0xFFFFFFFF  }
0x27: {  	s6 =	sshll.u32 @!p0 s1, $0xE  }
0x28: {  	s6 =	sor.u32 @!p0 $0x4000, s6;
	s5 =	simm.s32 @!p0 $0x1B8D  }
0x29: {  	s4 =	sshll.u32 @!p0 s4, $0x11;
	s6 =	sadd.s32 @!p0 $0x11B8D, s6;
	_ =	swait.eq @!p0 [sflag:s5], $0x1  }
0x2a: {  	s4 =	sor.u32 @!p0 s4, s6;
	[sflag:s5] =	ssyncadd.s32 @!p0 $0xFFFFFFFF  }
0x2b: {  	s26 =	simm.s32 $0x1B8E;
	s25 =	sld [smem:$0x3FFE];
	[sflag:s4] =	ssyncadd.remote.s32 @!p0 $0x1  }
0x2c: {  	s27 =	simm.s32 $execute0_lowered;
	[smem:$0x3FD2] =	sst s26  }
0x2d: {  	s5 =	sshll.u32 s27, $0x1;
	_ =	strace $0x80000058;
	[dreg:$0x1] =	wrdreg $0xFFFFFFFF  }
0x2e: {  	s28 =	simm.s32 $_size_execute0_lowered;
	s3 =	sadd.s32 s3, s5;
	[dreg:$0x0] =	wrdreg $0x0  }
0x2f: {  	s5 =	sshll.u32 s28, $0x1;
	[dreg:$0x2] =	wrdreg s3  }
0x30: {  	[dreg:$0x3] =	wrdreg s5  }
0x31: {  	[dreg:$0x4] =	wrdreg $0xC0  }
0x32: {  	_ =	task [dreg:s23], $0x5FFFF  }
0x33: {  	[dreg:$0x1] =	wrdreg $0xFFFFFFFF  }
0x34: {  	[dreg:$0x0] =	wrdreg $0x60  }
0x35: {  	[dreg:$0x2] =	wrdreg s25  }
0x36: {  	[dreg:$0x3] =	wrdreg $0xB  }
0x37: {  	_ =	task.clear_ibuf [dreg:s23], $0x4FFFF;
	_ =	strace $0x90000058  }
0x38: {  	s29 =	simm.s32 $0xB;
	_ =	strace $0x8000005A  }
0x39: {  	_ =	swait.ge [sflag:s29], $0x1  }
0x3a: {  	[sflag:s29] =	ssyncadd.s32 $0xFFFFFFFF  }
0x3b: {  	_ =	strace $0x9000005A  }
0x3c: {  	_ =	sfence  }
0x3d: {  	s30 =	sld [smem:$0x0];
	_ =	sdelay $0x2  }
0x3e: {  	s31 =	sshll.u32 s1, $0xD;
	s1 =	sshrl.u32 s1, $0x2  }
0x3f: {  	s4 =	sand.u32 $0x4000, s31;
	s1 =	sadd.s32 s1, s30  }
0x40: {  	s0 =	sor.u32 s4, s0;
	s1 =	sshll.u32 s1, $0x11  }
0x41: {  	s0 =	sor.u32 s1, s0  }
0x42: {  	s0 =	sadd.s32 $0x8F2B, s0  }
0x43: {  	[sflag:s0] =	ssyncadd.remote.s32 $0x1  }
0x44: {  	_ =	sfence.sel $0xFFFF  }
0x45: {  	[dreg:$0x0] =	wrdreg $0xFFFFFFFF;
	(pc) =	sbr.abs _section_cstart, $3  }
0x46: {  	[dreg:$0x1] =	wrdreg $0xFFFFFFFF  }
0x47: {  	_ =	task.clear_ibuf [dreg:s23], $0x2FFFF;
	_ =	strace $0x9FFFFFFF  }
0x48: {  	(tm) =	ssettm $0x7FFFFFFF  }
0x49: {  	_ =	shalt  }
tec
execute0_lowered:
.L_overlay_start_1:
0x0: {  	(tag) =	ssettag $0x1  }
0x1: {  	s0 =	srdreg.scid  }
0x2: {  	s4 =	rddreg [dreg:$0x0];
	s1 =	stileid.u32  }
0x3: {  	s5 =	simm.s32 $0x1;
	s7 =	simm.s32 $0x2;
	s0 =	sshll.u32 s0, $0x4  }
0x4: {  	s11 =	simm.s32 $0x0;
	p0 =	por $0x0, $0x0;
	s2 =	sand.u32 $0x10, s0  }
.Ltmp0:
0x5: {  	s8 =	simm.s32 $0xF4400;
	s3 =	sor.u32 s1, s2;
	(pc) =	sbr.rel .LBB1_1-.Ltmp0, $4  }
0x6: {  	s0 =	rddreg [dreg:$0x1];
	_ =	strace $0x80000059;
	s3 =	sshll.u32 s3, $0x7  }
0x7: {  	s10 =	simm.s32 $0x0;
	s2 =	sadd.s32 $0x1E88E00, s4;
	s6 =	ssub.s32 $0x1E800, s3  }
0x8: {  	s4 =	sadd.s32 $0x40DE600, s4;
	[sflag:s5] =	ssyncpa.u1 $0x0;
	s6 =	sshrl.u32 s6, $0xC  }
0x9: {  	[sflag:s7] =	ssyncpa.u1 $0x0;
	s9 =	smov.u32 s3;
	s7 =	sadd.s32 $0x2, s6  }
.LBB1_5:
0xa: {  	s13 =	sadd.s32 $0x1000, s9  }
0xb: {  	p2 =	sgt.s32 s13, $0x1E847  }
0xc: {  	s13 =	smov.u32 @p2 s3;
	p2 =	sne.s32 s10, s7  }
.Ltmp1:
0xd: {  	p1 =	slt.u32 s10, $0x2;
	(pc) =	sbr.rel @!p2 .LBB1_6-.Ltmp1, $4  }
0xe: {  	s12 =	simm.s32 @!p1 $0x2  }
0xf: {  	s14 =	sadd.s32 $0x1, s10;
	_ =	swait.ge @!p1 [sflag:s12], $0x4000  }
0x10: {  	s11 =	smov.u32 s9;
	p0 =	por !p0, !p0;
	[sflag:s12] =	ssyncset.done @!p1 $0x0  }
0x11: {  	s10 =	smov.u32 s14;
	s9 =	smov.u32 s13;
	[sflag:s12] =	ssyncadd.s32 @!p1 $0xFFFFC000  }
.LBB1_1:
0x12: {  	p1 =	sgt.u32 s10, s6  }
0x13: {  	p2 =	sgt.s32 @!p1 s9, $0x1E7C8  }
0x14: {  	s12 =	smov.u32 s9;
	s13 =	sshra.s32 @!p1 s9, $0x1F;
	p2 =	por !p2, p1  }
0x15: {  	s13 =	sand.u32 @!p1 s13, s9;
	s12 =	simm.s32 @p2 $0x1E7C8  }
0x16: {  	s12 =	ssub.s32 @!p1 s12, s13  }
0x17: {  	s14 =	sxor.u32 @!p1 $0xFFFFFFFF, s10;
	s12 =	sadd.s32 @!p1 $0xFFFE1838, s12  }
0x18: {  	s15 =	simm.s32 @!p1 $0x10;
	s16 =	simm.s32 @!p1 $0x80;
	s13 =	sshll.u32 @!p1 s12, $0x9  }
0x19: {  	p2 =	sgt.s32 @!p1 s12, $0x7F;
	s12 =	ssub.s32 @!p1 $0x10000, s13;
	s13 =	sshll.u32 @!p1 s14, $0xE  }
0x1a: {  	p2 =	por !p2, p1;
	s14 =	sshll.u32 @!p1 s9, $0x7;
	s12 =	sshrl.u32 @!p1 s12, $0x2  }
0x1b: {  	s13 =	sand.u32 @!p1 $0x4000, s13;
	s14 =	sadd.s32 @!p1 s2, s14;
	s12 =	simm.s32 @!p2 $0x0  }
0x1c: {  	[tilespmem:s13], [sflag:$0x1] =	stream.strided.gather @!p1 [hbm4b:s14+s15], s12, s16, s15, $0x38;
	[tilespmem:$0x10100] =	vst v63  }
0x1d: {  	p1 =	seq.s32 s10, $0x0  }
0x1e: {  	p2 =	sge.u32 @!p1 s10, s7  }
0x1f: {  	p1 =	por p1, p2  }
.Ltmp2:
0x20: {  	_ = 	snop;
	(pc) =	sbr.rel @p1 .LBB1_5-.Ltmp2, $1  }
0x21: {  	_ =	sdelay $0x3  }
0x22: {  	p1 =	sgt.s32 s11, $0x1E7C8;
	s12 =	smov.u32 s11;
	s13 =	sshra.s32 s11, $0x1F  }
0x23: {  	s12 =	simm.s32 @!p1 $0x1E7C8;
	s13 =	sand.u32 s13, s11  }
0x24: {  	s12 =	ssub.s32 s12, s13  }
0x25: {  	s12 =	sadd.s32 $0xFFFE1838, s12  }
0x26: {  	s29 =	sshll.u32 s12, $0x9  }
0x27: {  	s13 =	ssub.s32 $0x10000, s29  }
0x28: {  	p1 =	sgt.s32 s12, $0x7F;
	s12 =	sshrl.u32 s13, $0x2  }
0x29: {  	s13 =	simm.s32 $0x1;
	s12 =	simm.s32 @p1 $0x0  }
0x2a: {  	s13 =	simm.s32 @!p0 $0x0;
	_ =	swait.ge [sflag:s5], s12  }
0x2b: {  	s14 =	sshll.u32 s13, $0xE;
	s12 =	ssub.s32 $0x0, s12;
	[sflag:s5] =	ssyncset.done $0x0  }
0x2c: {  	s15 =	sor.u32 $0x40, s14;
	[sflag:s5] =	ssyncadd.s32 s12  }
0x2d: {  	s30 =	smul.u32 $0x10200, s13;
	v0 =	vld [tilespmem:s15+$0x30]  }
0x2e: {  	v1 =	vld [tilespmem:s15+$0xFFFFFFD0]  }
0x2f: {  	s12 =	sshrl.u32 s30, $0x2;
	v5 =	vld [tilespmem:s15+$0xFFFFFFE0]  }
0x30: {  	s13 =	sor.u32 $0x8000, s12;
	v6 =	vld [tilespmem:s15+$0xFFFFFFF0]  }
0x31: {  	s31 =	sand.u32 $0x1, s10;
	v3 =	vld [tilespmem:s15+$0x0];
	s14 =	sadd.s32 $0x0, s13  }
0x32: {  	s12 =	smul.u32 $0x10200, s31;
	v4 =	vld [tilespmem:s15+$0x10];
	[tilespmem:s14+$0x3870 ss:$0x81] =	vst.msk $0xffff, v0  }
0x33: {  	v2 =	vld [tilespmem:s15+$0x20];
	[tilespmem:s14+$0x810 ss:$0x81] =	vst.msk $0xffff, v1  }
0x34: {  	s12 =	sshrl.u32 s12, $0x2;
	v0 =	vld [tilespmem:s15+$0xFFFFFFC0];
	[tilespmem:s14+$0x1020 ss:$0x81] =	vst.msk $0xffff, v5;
	s15 =	sadd.s32 $0x80, s15  }
0x35: {  	s16 =	simm.s32 $0x4;
	s17 =	simm.s32 $0x8;
	s12 =	sor.u32 $0x8000, s12;
	[tilespmem:s14+$0x1830 ss:$0x81] =	vst.msk $0xffff, v6;
	v1 =	vld [tilespmem:s15+$0x30]  }
.LBB1_3:
0x36: {  	p1 =	sne.s32 s17, $0x1FC;
	v5 =	vld [tilespmem:s15+$0xFFFFFFD0];
	[tilespmem:s14+$0x2040 ss:$0x81] =	vst.msk $0xffff, v3  }
0x37: {  	v6 =	vld [tilespmem:s15+$0xFFFFFFE0];
	[tilespmem:s14+$0x2850 ss:$0x81] =	vst.msk $0xffff, v4  }
0x38: {  	s18 =	sshra.s32 s16, $0x2;
	s16 =	smov.u32 s17;
	v7 =	vld [tilespmem:s15+$0xFFFFFFF0];
	[tilespmem:s14+$0x3060 ss:$0x81] =	vst.msk $0xffff, v2  }
.Ltmp3:
0x39: {  	v3 =	vld [tilespmem:s15+$0x0];
	[tilespmem:s14+$0x0 ss:$0x81] =	vst.msk $0xffff, v0;
	s14 =	sadd.s32 s18, s13;
	(pc) =	sbr.rel @p1 .LBB1_3-.Ltmp3, $4  }
0x3a: {  	v4 =	vld [tilespmem:s15+$0x10];
	[tilespmem:s14+$0x3870 ss:$0x81] =	vst.msk $0xffff, v1  }
0x3b: {  	[tilespmem:s14+$0x810 ss:$0x81] =	vst.msk $0xffff, v5;
	v2 =	vld [tilespmem:s15+$0x20]  }
0x3c: {  	v0 =	vld [tilespmem:s15+$0xFFFFFFC0];
	[tilespmem:s14+$0x1020 ss:$0x81] =	vst.msk $0xffff, v6;
	s15 =	sadd.s32 $0x80, s15  }
0x3d: {  	s17 =	sadd.s32 $0x4, s17;
	v1 =	vld [tilespmem:s15+$0x30];
	[tilespmem:s14+$0x1830 ss:$0x81] =	vst.msk $0xffff, v7  }
0x3e: {  	v5 =	vld [tilespmem:s15+$0xFFFFFFD0];
	[tilespmem:s14+$0x2040 ss:$0x81] =	vst.msk $0xffff, v3;
	s17 =	sshll.u32 s11, $0x3  }
0x3f: {  	v58 =	vld [tilespmem:s15+$0xFFFFFFE0];
	[tilespmem:s14+$0x2850 ss:$0x81] =	vst.msk $0xffff, v4;
	s17 =	sand.u32 $0xFFFFFC00, s17  }
0x40: {  	s16 =	sshra.s32 s16, $0x2;
	v59 =	vld [tilespmem:s15+$0xFFFFFFF0];
	[tilespmem:s14+$0x3060 ss:$0x81] =	vst.msk $0xffff, v2;
	s18 =	sshrl.u32 s17, $0x7  }
0x41: {  	v60 =	vld [tilespmem:s15+$0x0];
	s13 =	sadd.s32 s16, s13;
	[tilespmem:s14+$0x0 ss:$0x81] =	vst.msk $0xffff, v0;
	s28 =	smulhi.u32 $0x218A169, s18  }
0x42: {  	v61 =	vld [tilespmem:s15+$0x10];
	[tilespmem:s13+$0x3870 ss:$0x81] =	vst.msk $0xffff, v1  }
0x43: {  	v62 =	vld [tilespmem:s15+$0x20];
	[tilespmem:s13+$0x810 ss:$0x81] =	vst.msk $0xffff, v5;
	s14 =	sshrl.u32 s28, $0x3  }
0x44: {  	v63 =	vld [tilespmem:s15+$0xFFFFFFC0];
	s29 =	sand.u32 $0x7F, s11;
	[tilespmem:s13+$0x1020 ss:$0x81] =	vst.msk $0xffff, v58;
	s30 =	smul.u32 $0x1E880, s14  }
0x45: {  	s11 =	sor.u32 s29, s17;
	[tilespmem:s13+$0x1830 ss:$0x81] =	vst.msk $0xffff, v59  }
.Ltmp4:
0x46: {  	[tilespmem:s13+$0x2040 ss:$0x81] =	vst.msk $0xffff, v60;
	s14 =	sand.u32 $0xF, s14;
	s11 =	ssub.s32 s11, s30;
	(pc) =	sbr.rel .LBB1_5-.Ltmp4, $4  }
0x47: {  	[tilespmem:s13+$0x2850 ss:$0x81] =	vst.msk $0xffff, v61;
	s14 =	smul.u32 $0x3D10, s14;
	s15 =	sshrl.u32 s11, $0x3;
	s11 =	sand.u32 $0x7, s11  }
0x48: {  	[tilespmem:s13+$0x3060 ss:$0x81] =	vst.msk $0xffff, v62;
	s15 =	sadd.s32 s4, s15;
	s11 =	sshll.u32 s11, $0x12  }
0x49: {  	[tilespmem:s13+$0x0 ss:$0x81] =	vst.msk $0xffff, v63;
	s31 =	sadd.s32 s14, s15;
	s11 =	sor.u32 $0x400, s11  }
0x4a: {  	[hbm4b:s31+s11] =	stream.strided.scatter [tilespmem:s12], [sflag:$0x2], $0x4000, s8, s11, $0x20;
	[tilespmem:$0x10100] =	vst v63  }
.LBB1_6:
0x4b: {  	_ =	sfence.sel $0x180000  }
0x4c: {  	s2 =	simm.s32 $0x1;
	[bflag:$0x0] =	sbarrier.arrive $0xFFFF  }
0x4d: {  	s31 =	simm.s32 $0x2;
	[sflag:s2] =	ssyncpa.u1 $0x1  }
0x4e: {  	[sflag:s31] =	ssyncpa.u1 $0x1  }
0x4f: {  	p0 =	sne.s32 s1, $0x0;
	_ =	strace $0x90000059  }
0x50: {  	s0 =	sadd.s32 @!p0 $0x100000, s0;
	[bflag:$0x2] =	sbarrier.arrive $0xFFFF  }
0x51: {  	[sflag:s0] =	ssyncadd.tile.s32 @!p0 $0x1;
	_ =	shalt  }
.Lfunc_end1:
_tile_overlayer_lowered:
.L_overlay_start_2:
0x52: {  	(tag) =	ssettag $0x2  }
0x53: {  	s0 =	rddreg [dreg:$0x0];
	s2 =	stileid.u32  }
0x54: {  	s1 =	rddreg [dreg:$0x1];
	p0 =	sne.s32 s2, $0x0  }
0x55: {  	s3 =	rddreg [dreg:$0x2];
	[bflag:$0x3] =	sbarrier.arrive $0xFFFF;
	s2 =	simm.s32 @!p0 $0x1C01  }
0x56: {  	[timem:s3], [sflag:s2] =	dma.local @!p0 [hbm:s0], s1  }
0x57: {  	s0 =	simm.s32 @!p0 $0x1  }
0x58: {  	_ =	swait.ge @!p0 [sflag:s0], s1  }
0x59: {  	s1 =	ssub.s32 @!p0 $0x0, s1;
	[sflag:s0] =	ssyncset.done @!p0 $0x0  }
0x5a: {  	[sflag:s0] =	ssyncadd.s32 @!p0 s1  }
0x5b: {  	[bflag:$0x3] =	sbarrier.arrive $0xFFFF  }
0x5c: {  	_ =	shalt  }

// kernel: sparse-core-data-format-call.3.cloned.1.call-start
scs
called_computation.3_lowered:
.L_overlay_start_0:
0x0: {  	s2 =	sld [smem:$0x3FD9]  }
0x1: {  	s3 =	sld [smem:$0x3FFE];
	_ =	sdelay $0x1  }
0x2: {  	s1 =	srdreg.scid  }
0x3: {  	s0 =	sand.u32 $0x1, s1  }
0x4: {  	s18 =	sshll.u32 s0, $0xA;
	s2 =	sadd.s32 s3, s2  }
0x5: {  	s2 =	sadd.s32 s2, s18  }
0x6: {  	[smem:$0x3FBC] =	sst s2  }
0x7: {  	_ = 	snop  }
0x8: {  	s19 =	sld [smem:$0x3FC7];
	(tm) =	ssettm $0x1  }
0x9: {  	s20 =	sld [smem:$0x3FFB];
	_ =	sdelay $0x3  }
0xa: {  	_ =	strace s20  }
0xb: {  	s2 =	sld [smem:$0x3FFC];
	_ =	sdelay $0x3  }
0xc: {  	_ =	strace s2  }
0xd: {  	s2 =	sld [smem:$0x3FFD];
	_ =	sdelay $0x3  }
0xe: {  	_ =	strace s2  }
0xf: {  	_ =	strace $0x8FFFFFFF  }
0x10: {  	s21 =	sld [smem:$0x3FDB];
	_ =	sdelay $0x1  }
0x11: {  	s4 =	simm.s32 $_scs_section_size  }
0x12: {  	s5 =	simm.s32 $_size__tile_overlayer_lowered;
	s6 =	simm.s32 $_tile_overlayer_lowered  }
0x13: {  	s7 =	simm.s32 $0x1BFF;
	s22 =	sshll.u32 s6, $0x1;
	s4 =	sadd.s32 s4, s21  }
0x14: {  	s23 =	simm.s32 $0x0;
	s5 =	sshll.u32 s5, $0x1;
	s6 =	sadd.s32 s22, s4  }
0x15: {  	[timem:s23], [sflag:s7] =	dma.local [hbm:s6], s5  }
0x16: {  	_ =	swait.ge [sflag:s7], s5  }
0x17: {  	s5 =	ssub.s32 $0x0, s5;
	[sflag:s7] =	ssyncset.done $0x0  }
0x18: {  	[sflag:s7] =	ssyncadd.s32 s5;
	_ =	sdelay $0x1  }
0x19: {  	s24 =	simm.s32 $0x1B8B  }
0x1a: {  	_ =	swait.ge [sflag:s24], $0x1  }
0x1b: {  	[sflag:s24] =	ssyncset.done $0x0  }
0x1c: {  	[sflag:s24] =	ssyncadd.s32 $0xFFFFFFFF  }
0x1d: {  	s5 =	sld [smem:$0x0]  }
0x1e: {  	s6 =	sand.u32 $0xFFFFFFFE, s1  }
0x1f: {  	p0 =	sne.s32 s1, s6  }
0x20: {  	s6 =	sshll.u32 @p0 s6, $0xE  }
0x21: {  	s6 =	sadd.s32 @p0 $0x11B8D, s6;
	s7 =	sshll.u32 @p0 s5, $0x11  }
0x22: {  	s6 =	sor.u32 @p0 s7, s6  }
0x23: {  	[sflag:s6] =	ssyncadd.remote.s32 @p0 $0x1;
	_ =	sdelay $0x1  }
0x24: {  	s6 =	simm.s32 @p0 $0x1B8D  }
0x25: {  	_ =	swait.eq @p0 [sflag:s6], $0x1  }
0x26: {  	[sflag:s6] =	ssyncadd.s32 @p0 $0xFFFFFFFF  }
0x27: {  	s7 =	sshll.u32 @!p0 s1, $0xE  }
0x28: {  	s7 =	sor.u32 @!p0 $0x4000, s7;
	s6 =	simm.s32 @!p0 $0x1B8D  }
0x29: {  	s5 =	sshll.u32 @!p0 s5, $0x11;
	s7 =	sadd.s32 @!p0 $0x11B8D, s7;
	_ =	swait.eq @!p0 [sflag:s6], $0x1  }
0x2a: {  	s5 =	sor.u32 @!p0 s5, s7;
	[sflag:s6] =	ssyncadd.s32 @!p0 $0xFFFFFFFF  }
0x2b: {  	s26 =	simm.s32 $0x1B8E;
	s25 =	sld [smem:$0x3FFE];
	[sflag:s5] =	ssyncadd.remote.s32 @!p0 $0x1  }
0x2c: {  	s27 =	simm.s32 $execute0_lowered;
	[smem:$0x3FD2] =	sst s26  }
0x2d: {  	s6 =	sshll.u32 s27, $0x1;
	_ =	strace $0x8000004C;
	[dreg:$0x1] =	wrdreg $0xFFFFFFFF  }
0x2e: {  	s28 =	simm.s32 $_size_execute0_lowered;
	s4 =	sadd.s32 s4, s6;
	[dreg:$0x0] =	wrdreg $0x0  }
0x2f: {  	s6 =	sshll.u32 s28, $0x1;
	[dreg:$0x2] =	wrdreg s4  }
0x30: {  	[dreg:$0x3] =	wrdreg s6  }
0x31: {  	[dreg:$0x4] =	wrdreg $0xC0  }
0x32: {  	_ =	task [dreg:s23], $0x5FFFF  }
0x33: {  	[dreg:$0x1] =	wrdreg $0xFFFFFFFF  }
0x34: {  	[dreg:$0x0] =	wrdreg $0x60  }
0x35: {  	[dreg:$0x2] =	wrdreg s19  }
0x36: {  	[dreg:$0x3] =	wrdreg s25  }
0x37: {  	[dreg:$0x4] =	wrdreg $0xB  }
0x38: {  	_ =	task.clear_ibuf [dreg:s23], $0x5FFFF;
	_ =	strace $0x9000004C  }
0x39: {  	s29 =	simm.s32 $0xB;
	_ =	strace $0x8000004E  }
0x3a: {  	_ =	swait.ge [sflag:s29], $0x1  }
0x3b: {  	[sflag:s29] =	ssyncadd.s32 $0xFFFFFFFF  }
0x3c: {  	_ =	strace $0x9000004E  }
0x3d: {  	_ =	sfence  }
0x3e: {  	s30 =	sld [smem:$0x0];
	_ =	sdelay $0x2  }
0x3f: {  	s31 =	sshll.u32 s1, $0xD;
	s1 =	sshrl.u32 s1, $0x2  }
0x40: {  	s4 =	sand.u32 $0x4000, s31;
	s1 =	sadd.s32 s1, s30  }
0x41: {  	s0 =	sor.u32 s4, s0;
	s1 =	sshll.u32 s1, $0x11  }
0x42: {  	s0 =	sor.u32 s1, s0  }
0x43: {  	s0 =	sadd.s32 $0x8F2B, s0  }
0x44: {  	[sflag:s0] =	ssyncadd.remote.s32 $0x1  }
0x45: {  	_ =	sfence.sel $0xFFFF  }
0x46: {  	[dreg:$0x0] =	wrdreg $0xFFFFFFFF;
	(pc) =	sbr.abs _section_cstart, $3  }
0x47: {  	[dreg:$0x1] =	wrdreg $0xFFFFFFFF  }
0x48: {  	_ =	task.clear_ibuf [dreg:s23], $0x2FFFF;
	_ =	strace $0x9FFFFFFF  }
0x49: {  	(tm) =	ssettm $0x7FFFFFFF  }
tec
execute0_lowered:
.L_overlay_start_1:
0x0: {  	(tag) =	ssettag $0x1  }
0x1: {  	s0 =	srdreg.scid;
	s2 =	rddreg [dreg:$0x0]  }
0x2: {  	s5 =	rddreg [dreg:$0x1];
	s1 =	stileid.u32  }
0x3: {  	s4 =	simm.s32 $0x1;
	s6 =	simm.s32 $0x2;
	s15 =	simm.s32 $0x0  }
0x4: {  	p0 =	por $0x0, $0x0;
	s8 =	simm.s32 $0x80;
	s0 =	sshll.u32 s0, $0x4  }
0x5: {  	s14 =	simm.s32 $0x0;
	s9 =	simm.s32 $0x0;
	s3 =	sand.u32 $0x10, s0  }
.Ltmp0:
0x6: {  	s10 =	simm.s32 $0x0;
	s3 =	sor.u32 s1, s3;
	(pc) =	sbr.rel .LBB1_1-.Ltmp0, $4  }
0x7: {  	s0 =	rddreg [dreg:$0x2];
	_ =	strace $0x8000004D;
	s3 =	sshll.u32 s3, $0x7  }
0x8: {  	s12 =	simm.s32 $0x0;
	[sflag:s4] =	ssyncpa.u1 $0x0;
	s7 =	ssub.s32 $0xF4200, s3  }
0x9: {  	s13 =	simm.s32 $0x0;
	[sflag:s6] =	ssyncpa.u1 $0x0;
	s6 =	sshrl.u32 s7, $0xC  }
0xa: {  	s5 =	sadd.s32 $0x1E88E00, s5;
	s11 =	smov.u32 s3;
	s7 =	sadd.s32 $0x2, s6  }
.LBB1_5:
0xb: {  	p1 =	slt.u32 s13, $0x2  }
0xc: {  	s17 =	smov.u32 s15;
	p2 =	sgt.s32 @!p1 s15, $0xF41C0;
	s16 =	sshra.s32 @!p1 s15, $0x1F  }
0xd: {  	p3 =	sgt.s32 @!p1 s14, $0x70;
	s18 =	sshra.s32 @!p1 s14, $0x1F;
	p2 =	por !p2, p1  }
0xe: {  	s15 =	sand.u32 @!p1 s16, s15;
	p3 =	por !p3, p1;
	s16 =	smov.u32 s14  }
0xf: {  	s14 =	sand.u32 @!p1 s18, s14;
	s17 =	simm.s32 @p2 $0xF41C0;
	s16 =	simm.s32 @p3 $0x70  }
0x10: {  	s15 =	ssub.s32 @!p1 s17, s15;
	s14 =	ssub.s32 @!p1 s16, s14  }
0x11: {  	s18 =	smov.u32 s12;
	s16 =	sadd.s32 @!p1 $0xFFF0BE40, s15;
	s17 =	sadd.s32 @!p1 $0xFFFFFF90, s14  }
0x12: {  	s15 =	ssub.s32 @!p1 $0xF4240, s15;
	p2 =	sgt.s32 @!p1 s16, $0x7F;
	p3 =	sgt.s32 @!p1 s17, $0xF  }
0x13: {  	s14 =	ssub.s32 @!p1 $0x80, s14;
	p2 =	por !p2, p1;
	p3 =	por !p3, p1  }
0x14: {  	s16 =	sadd.s32 $0x1000, s11;
	s15 =	simm.s32 @!p2 $0x0;
	s14 =	simm.s32 @!p3 $0x0  }
0x15: {  	p2 =	sgt.s32 s16, $0xF423F;
	s14 =	smul.u32 @!p1 s14, s15;
	s15 =	sadd.s32 $0x10, s12  }
0x16: {  	s18 =	smov.u32 @p2 s15  }
0x17: {  	s16 =	smov.u32 @p2 s3;
	p2 =	sgt.s32 s18, $0xF  }
0x18: {  	s18 =	simm.s32 @p2 $0x0;
	p2 =	sne.s32 s13, s7  }
.Ltmp1:
0x19: {  	p0 =	por !p0, !p0;
	s17 =	simm.s32 @!p1 $0x2;
	(pc) =	sbr.rel @!p2 .LBB1_6-.Ltmp1, $4  }
0x1a: {  	s15 =	smov.u32 s9;
	s9 =	smov.u32 s11;
	s14 =	sand.u32 @!p1 $0x3FFFFFFF, s14  }
0x1b: {  	s11 =	smov.u32 s16;
	_ =	swait.ge @!p1 [sflag:s17], s14;
	s19 =	ssub.s32 @!p1 $0x0, s14  }
0x1c: {  	s14 =	smov.u32 s10;
	s13 =	sadd.s32 $0x1, s13;
	[sflag:s17] =	ssyncset.done @!p1 $0x0  }
0x1d: {  	s10 =	smov.u32 s12;
	s12 =	smov.u32 s18;
	[sflag:s17] =	ssyncadd.s32 @!p1 s19  }
.LBB1_1:
0x1e: {  	p1 =	sgt.u32 s13, s6  }
0x1f: {  	s16 =	sshrl.u32 @!p1 s12, $0x3  }
0x20: {  	s17 =	sshll.u32 @!p1 s11, $0x3;
	s16 =	smul.u32 @!p1 $0x7A1400, s16  }
0x21: {  	s18 =	sshll.u32 @!p1 s12, $0x7;
	s17 =	sand.u32 @!p1 $0xFFFFFC00, s17  }
0x22: {  	s16 =	sadd.s32 @!p1 s16, s17;
	s17 =	sand.u32 @!p1 $0x380, s18  }
0x23: {  	s18 =	sand.u32 @!p1 $0x7F, s11;
	s16 =	sor.u32 @!p1 s17, s16  }
0x24: {  	s17 =	sor.u32 @!p1 s18, s16  }
0x25: {  	s18 =	smulhi.u32 @!p1 $0x218D6287, s17;
	_ =	sdelay $0x1  }
0x26: {  	s16 =	smulhi.u32 @!p1 $0x218D6287, s16;
	s18 =	sshrl.u32 @!p1 s18, $0x11  }
0x27: {  	s18 =	smul.u32 @!p1 $0xF4280, s18  }
0x28: {  	s19 =	sxor.u32 @!p1 $0xFFFFFFFF, s13;
	s16 =	sshrl.u32 @!p1 s16, $0x11  }
0x29: {  	s19 =	sshll.u32 @!p1 s19, $0xB;
	s16 =	sand.u32 @!p1 $0xF, s16;
	s17 =	ssub.s32 @!p1 s17, s18  }
0x2a: {  	s16 =	smul.u32 @!p1 $0x1E850, s16;
	s18 =	sshrl.u32 @!p1 s17, $0x3;
	s17 =	sand.u32 @!p1 $0x7, s17  }
0x2b: {  	s19 =	sand.u32 @!p1 $0x800, s19;
	s18 =	sadd.s32 @!p1 s2, s18;
	s17 =	sshll.u32 @!p1 s17, $0x12  }
0x2c: {  	s16 =	sadd.s32 @!p1 s16, s18;
	s17 =	sor.u32 @!p1 $0x400, s17;
	s18 =	simm.s32 @!p1 $0x7A1400  }
0x2d: {  	[tilespmem:s19], [sflag:$0x1] =	stream.strided.gather @!p1 [hbm4b:s16+s17], $0x800, s18, s17, $0x38;
	[tilespmem:$0x2100] =	vst v63  }
0x2e: {  	p1 =	seq.s32 s13, $0x0  }
0x2f: {  	p2 =	sge.u32 @!p1 s13, s7  }
0x30: {  	p1 =	por p1, p2  }
.Ltmp2:
0x31: {  	_ = 	snop;
	(pc) =	sbr.rel @p1 .LBB1_5-.Ltmp2, $1  }
0x32: {  	_ =	sdelay $0x3  }
0x33: {  	s16 =	simm.s32 $0x1  }
0x34: {  	_ =	swait.ge [sflag:s4], $0x800;
	s16 =	simm.s32 @!p0 $0x0  }
0x35: {  	[sflag:s4] =	ssyncset.done $0x0;
	s17 =	sshll.u32 s16, $0xB  }
0x36: {  	[sflag:s4] =	ssyncadd.s32 $0xFFFFF800;
	s17 =	sor.u32 $0x40, s17  }
0x37: {  	s16 =	smul.u32 $0x2200, s16;
	v0 =	vld [tilespmem:s17+$0x30]  }
0x38: {  	v1 =	vld [tilespmem:s17+$0xFFFFFFD0]  }
0x39: {  	s16 =	sshrl.u32 s16, $0x2;
	v5 =	vld [tilespmem:s17+$0xFFFFFFE0]  }
0x3a: {  	v6 =	vld [tilespmem:s17+$0xFFFFFFF0];
	s19 =	sor.u32 $0x1000, s16  }
0x3b: {  	s31 =	sand.u32 $0x1, s13;
	v4 =	vld [tilespmem:s17+$0x0];
	s18 =	sadd.s32 $0x0, s19  }
0x3c: {  	v3 =	vld [tilespmem:s17+$0x10];
	s16 =	smul.u32 $0x2200, s31;
	[tilespmem:s18+$0x770 ss:$0x11] =	vst.msk $0xffff, v0  }
0x3d: {  	v2 =	vld [tilespmem:s17+$0x20];
	[tilespmem:s18+$0x110 ss:$0x11] =	vst.msk $0xffff, v1  }
0x3e: {  	s16 =	sshrl.u32 s16, $0x2;
	v1 =	vld [tilespmem:s17+$0xFFFFFFC0];
	[tilespmem:s18+$0x220 ss:$0x11] =	vst.msk $0xffff, v5;
	s17 =	sadd.s32 $0x80, s17  }
0x3f: {  	s20 =	simm.s32 $0x4;
	s21 =	simm.s32 $0x8;
	s16 =	sor.u32 $0x1000, s16;
	[tilespmem:s18+$0x330 ss:$0x11] =	vst.msk $0xffff, v6;
	v0 =	vld [tilespmem:s17+$0x30]  }
.LBB1_3:
0x40: {  	p1 =	sne.s32 s21, $0x3C;
	v5 =	vld [tilespmem:s17+$0xFFFFFFD0];
	[tilespmem:s18+$0x440 ss:$0x11] =	vst.msk $0xffff, v4  }
0x41: {  	v6 =	vld [tilespmem:s17+$0xFFFFFFE0];
	[tilespmem:s18+$0x550 ss:$0x11] =	vst.msk $0xffff, v3  }
0x42: {  	s22 =	sshra.s32 s20, $0x2;
	s20 =	smov.u32 s21;
	v7 =	vld [tilespmem:s17+$0xFFFFFFF0];
	[tilespmem:s18+$0x660 ss:$0x11] =	vst.msk $0xffff, v2  }
.Ltmp3:
0x43: {  	v4 =	vld [tilespmem:s17+$0x0];
	[tilespmem:s18+$0x0 ss:$0x11] =	vst.msk $0xffff, v1;
	s18 =	sadd.s32 s22, s19;
	(pc) =	sbr.rel @p1 .LBB1_3-.Ltmp3, $4  }
0x44: {  	v3 =	vld [tilespmem:s17+$0x10];
	[tilespmem:s18+$0x770 ss:$0x11] =	vst.msk $0xffff, v0  }
0x45: {  	[tilespmem:s18+$0x110 ss:$0x11] =	vst.msk $0xffff, v5;
	v2 =	vld [tilespmem:s17+$0x20]  }
0x46: {  	v1 =	vld [tilespmem:s17+$0xFFFFFFC0];
	[tilespmem:s18+$0x220 ss:$0x11] =	vst.msk $0xffff, v6;
	s17 =	sadd.s32 $0x80, s17  }
0x47: {  	s21 =	sadd.s32 $0x4, s21;
	v0 =	vld [tilespmem:s17+$0x30];
	[tilespmem:s18+$0x330 ss:$0x11] =	vst.msk $0xffff, v7  }
0x48: {  	s21 =	sshll.u32 s9, $0x7;
	s22 =	sshll.u32 s10, $0x3;
	s20 =	sshra.s32 s20, $0x2  }
0x49: {  	p1 =	sgt.s32 s9, $0xF41C0;
	s30 =	sshra.s32 s9, $0x1F;
	s25 =	sshra.s32 s10, $0x1F  }
0x4a: {  	v5 =	vld [tilespmem:s17+$0xFFFFFFD0];
	s28 =	sshrl.u32 s10, $0x3;
	s23 =	sand.u32 $0xFFFFFC00, s21;
	s22 =	sand.u32 $0xFFFFFC00, s22  }
0x4b: {  	[tilespmem:s18+$0x440 ss:$0x11] =	vst.msk $0xffff, v4;
	v58 =	vld [tilespmem:s17+$0xFFFFFFE0];
	s21 =	sand.u32 $0x380, s21;
	s19 =	sadd.s32 s20, s19;
	s22 =	sadd.s32 s22, s23  }
0x4c: {  	v59 =	vld [tilespmem:s17+$0xFFFFFFF0];
	[tilespmem:s18+$0x550 ss:$0x11] =	vst.msk $0xffff, v3;
	s29 =	sor.u32 s21, s22;
	s21 =	smov.u32 s9;
	s22 =	sand.u32 s30, s9  }
0x4d: {  	v60 =	vld [tilespmem:s17+$0x0];
	[tilespmem:s18+$0x660 ss:$0x11] =	vst.msk $0xffff, v2;
	s30 =	sand.u32 $0x7, s10;
	s20 =	sshrl.u32 s29, $0x7;
	s21 =	simm.s32 @!p1 $0xF41C0  }
0x4e: {  	v61 =	vld [tilespmem:s17+$0x10];
	[tilespmem:s18+$0x0 ss:$0x11] =	vst.msk $0xffff, v1;
	p1 =	sgt.s32 s10, $0x70;
	s24 =	ssub.s32 s21, s22;
	s21 =	smov.u32 s10  }
0x4f: {  	v62 =	vld [tilespmem:s17+$0x20];
	[tilespmem:s19+$0x770 ss:$0x11] =	vst.msk $0xffff, v0;
	s31 =	smulhi.u32 $0x218DEF5, s20;
	s22 =	sand.u32 s25, s10;
	s21 =	simm.s32 @!p1 $0x70  }
0x50: {  	v63 =	vld [tilespmem:s17+$0xFFFFFFC0];
	[tilespmem:s19+$0x110 ss:$0x11] =	vst.msk $0xffff, v5;
	s26 =	sadd.s32 $0xFFF0BE40, s24;
	s17 =	ssub.s32 $0xF4240, s24;
	s21 =	ssub.s32 s21, s22  }
0x51: {  	[tilespmem:s19+$0x220 ss:$0x11] =	vst.msk $0xffff, v58;
	s23 =	sshrl.u32 s31, $0xD;
	p1 =	sgt.s32 s26, $0x7F;
	s27 =	sadd.s32 $0xFFFFFF90, s21  }
0x52: {  	[tilespmem:s19+$0x330 ss:$0x11] =	vst.msk $0xffff, v59;
	s23 =	smul.u32 $0xF4240, s23;
	s18 =	ssub.s32 $0x80, s21;
	p2 =	sgt.s32 s27, $0xF  }
.Ltmp4:
0x53: {  	[tilespmem:s19+$0x440 ss:$0x11] =	vst.msk $0xffff, v60;
	s17 =	simm.s32 @p1 $0x0;
	s18 =	simm.s32 @p2 $0x0;
	(pc) =	sbr.rel .LBB1_5-.Ltmp4, $4  }
0x54: {  	s29 =	sand.u32 $0xF, s28;
	[tilespmem:s19+$0x550 ss:$0x11] =	vst.msk $0xffff, v61;
	s20 =	ssub.s32 s20, s23;
	s17 =	smul.u32 s18, s17  }
0x55: {  	[tilespmem:s19+$0x660 ss:$0x11] =	vst.msk $0xffff, v62;
	s21 =	sshll.u32 s30, $0x12;
	s20 =	sshll.u32 s20, $0x4;
	s18 =	sadd.s32 s5, s29  }
0x56: {  	[tilespmem:s19+$0x0 ss:$0x11] =	vst.msk $0xffff, v63;
	s31 =	sor.u32 $0x10, s21;
	s18 =	sadd.s32 s20, s18;
	s17 =	sand.u32 $0x3FFFFFFF, s17  }
0x57: {  	[hbm4b:s18+s31] =	stream.strided.scatter [tilespmem:s16], [sflag:$0x2], s17, s8, s31, $0x8;
	[tilespmem:$0x2100] =	vst v63  }
.LBB1_6:
0x58: {  	_ =	sfence.sel $0x180000  }
0x59: {  	s2 =	simm.s32 $0x1;
	[bflag:$0x0] =	sbarrier.arrive $0xFFFF  }
0x5a: {  	s31 =	simm.s32 $0x2;
	[sflag:s2] =	ssyncpa.u1 $0x1  }
0x5b: {  	[sflag:s31] =	ssyncpa.u1 $0x1  }
0x5c: {  	p0 =	sne.s32 s1, $0x0;
	_ =	strace $0x9000004D  }
0x5d: {  	s0 =	sadd.s32 @!p0 $0x100000, s0;
	[bflag:$0x2] =	sbarrier.arrive $0xFFFF  }
0x5e: {  	[sflag:s0] =	ssyncadd.tile.s32 @!p0 $0x1;
	_ =	shalt  }
.Lfunc_end1:
_tile_overlayer_lowered:
.L_overlay_start_2:
0x5f: {  	(tag) =	ssettag $0x2  }
0x60: {  	s0 =	rddreg [dreg:$0x0];
	s2 =	stileid.u32  }
0x61: {  	s1 =	rddreg [dreg:$0x1];
	p0 =	sne.s32 s2, $0x0  }
0x62: {  	s3 =	rddreg [dreg:$0x2];
	[bflag:$0x3] =	sbarrier.arrive $0xFFFF;
	s2 =	simm.s32 @!p0 $0x1C01  }
0x63: {  	[timem:s3], [sflag:s2] =	dma.local @!p0 [hbm:s0], s1  }
0x64: {  	s0 =	simm.s32 @!p0 $0x1  }
0x65: {  	_ =	swait.ge @!p0 [sflag:s0], s1  }
0x66: {  	s1 =	ssub.s32 @!p0 $0x0, s1;
	[sflag:s0] =	ssyncset.done @!p0 $0x0  }
0x67: {  	[sflag:s0] =	ssyncadd.s32 @!p0 s1  }
0x68: {  	[bflag:$0x3] =	sbarrier.arrive $0xFFFF  }
0x69: {  	_ =	shalt  }

// kernel: sparse-core-data-format-call.4.cloned.1.call-start
scs
called_computation.4_lowered:
.L_overlay_start_0:
0x0: {  	s2 =	sld [smem:$0x3FD9]  }
0x1: {  	s3 =	sld [smem:$0x3FFE];
	_ =	sdelay $0x1  }
0x2: {  	s1 =	srdreg.scid  }
0x3: {  	s0 =	sand.u32 $0x1, s1  }
0x4: {  	s18 =	sshll.u32 s0, $0xA;
	s2 =	sadd.s32 s3, s2  }
0x5: {  	s2 =	sadd.s32 s2, s18  }
0x6: {  	[smem:$0x3FBC] =	sst s2  }
0x7: {  	_ = 	snop  }
0x8: {  	(tm) =	ssettm $0x1  }
0x9: {  	s19 =	sld [smem:$0x3FFB];
	_ =	sdelay $0x3  }
0xa: {  	_ =	strace s19  }
0xb: {  	s2 =	sld [smem:$0x3FFC];
	_ =	sdelay $0x3  }
0xc: {  	_ =	strace s2  }
0xd: {  	s2 =	sld [smem:$0x3FFD];
	_ =	sdelay $0x3  }
0xe: {  	_ =	strace s2  }
0xf: {  	_ =	strace $0x8FFFFFFF  }
0x10: {  	s20 =	sld [smem:$0x3FDB];
	_ =	sdelay $0x1  }
0x11: {  	s21 =	simm.s32 $_scs_section_size  }
0x12: {  	s4 =	simm.s32 $_size__tile_overlayer_lowered;
	s5 =	simm.s32 $_tile_overlayer_lowered  }
0x13: {  	s6 =	simm.s32 $0x1BFF;
	s22 =	sshll.u32 s5, $0x1;
	s3 =	sadd.s32 s21, s20  }
0x14: {  	s23 =	simm.s32 $0x0;
	s4 =	sshll.u32 s4, $0x1;
	s5 =	sadd.s32 s22, s3  }
0x15: {  	[timem:s23], [sflag:s6] =	dma.local [hbm:s5], s4  }
0x16: {  	_ =	swait.ge [sflag:s6], s4  }
0x17: {  	s4 =	ssub.s32 $0x0, s4;
	[sflag:s6] =	ssyncset.done $0x0  }
0x18: {  	[sflag:s6] =	ssyncadd.s32 s4;
	_ =	sdelay $0x1  }
0x19: {  	s24 =	simm.s32 $0x1B8B  }
0x1a: {  	_ =	swait.ge [sflag:s24], $0x1  }
0x1b: {  	[sflag:s24] =	ssyncset.done $0x0  }
0x1c: {  	[sflag:s24] =	ssyncadd.s32 $0xFFFFFFFF  }
0x1d: {  	s4 =	sld [smem:$0x0]  }
0x1e: {  	s5 =	sand.u32 $0xFFFFFFFE, s1  }
0x1f: {  	p0 =	sne.s32 s1, s5  }
0x20: {  	s5 =	sshll.u32 @p0 s5, $0xE  }
0x21: {  	s5 =	sadd.s32 @p0 $0x11B8D, s5;
	s6 =	sshll.u32 @p0 s4, $0x11  }
0x22: {  	s5 =	sor.u32 @p0 s6, s5  }
0x23: {  	[sflag:s5] =	ssyncadd.remote.s32 @p0 $0x1;
	_ =	sdelay $0x1  }
0x24: {  	s5 =	simm.s32 @p0 $0x1B8D  }
0x25: {  	_ =	swait.eq @p0 [sflag:s5], $0x1  }
0x26: {  	[sflag:s5] =	ssyncadd.s32 @p0 $0xFFFFFFFF  }
0x27: {  	s6 =	sshll.u32 @!p0 s1, $0xE  }
0x28: {  	s6 =	sor.u32 @!p0 $0x4000, s6;
	s5 =	simm.s32 @!p0 $0x1B8D  }
0x29: {  	s4 =	sshll.u32 @!p0 s4, $0x11;
	s6 =	sadd.s32 @!p0 $0x11B8D, s6;
	_ =	swait.eq @!p0 [sflag:s5], $0x1  }
0x2a: {  	s4 =	sor.u32 @!p0 s4, s6;
	[sflag:s5] =	ssyncadd.s32 @!p0 $0xFFFFFFFF  }
0x2b: {  	s26 =	simm.s32 $0x1B8E;
	s25 =	sld [smem:$0x3FFE];
	[sflag:s4] =	ssyncadd.remote.s32 @!p0 $0x1  }
0x2c: {  	s27 =	simm.s32 $execute0_lowered;
	[smem:$0x3FD2] =	sst s26  }
0x2d: {  	s5 =	sshll.u32 s27, $0x1;
	_ =	strace $0x80000055;
	[dreg:$0x1] =	wrdreg $0xFFFFFFFF  }
0x2e: {  	s28 =	simm.s32 $_size_execute0_lowered;
	s3 =	sadd.s32 s3, s5;
	[dreg:$0x0] =	wrdreg $0x0  }
0x2f: {  	s5 =	sshll.u32 s28, $0x1;
	[dreg:$0x2] =	wrdreg s3  }
0x30: {  	[dreg:$0x3] =	wrdreg s5  }
0x31: {  	[dreg:$0x4] =	wrdreg $0xC0  }
0x32: {  	_ =	task [dreg:s23], $0x5FFFF  }
0x33: {  	[dreg:$0x1] =	wrdreg $0xFFFFFFFF  }
0x34: {  	[dreg:$0x0] =	wrdreg $0x60  }
0x35: {  	[dreg:$0x2] =	wrdreg s25  }
0x36: {  	[dreg:$0x3] =	wrdreg $0xC  }
0x37: {  	_ =	task.clear_ibuf [dreg:s23], $0x4FFFF;
	_ =	strace $0x90000055  }
0x38: {  	s29 =	simm.s32 $0xC;
	_ =	strace $0x80000057  }
0x39: {  	_ =	swait.ge [sflag:s29], $0x1  }
0x3a: {  	[sflag:s29] =	ssyncadd.s32 $0xFFFFFFFF  }
0x3b: {  	_ =	strace $0x90000057  }
0x3c: {  	_ =	sfence  }
0x3d: {  	s30 =	sld [smem:$0x0];
	_ =	sdelay $0x2  }
0x3e: {  	s31 =	sshll.u32 s1, $0xD;
	s1 =	sshrl.u32 s1, $0x2  }
0x3f: {  	s4 =	sand.u32 $0x4000, s31;
	s1 =	sadd.s32 s1, s30  }
0x40: {  	s0 =	sor.u32 s4, s0;
	s1 =	sshll.u32 s1, $0x11  }
0x41: {  	s0 =	sor.u32 s1, s0  }
0x42: {  	s0 =	sadd.s32 $0x8F2B, s0  }
0x43: {  	[sflag:s0] =	ssyncadd.remote.s32 $0x1  }
0x44: {  	_ =	sfence.sel $0xFFFF  }
0x45: {  	[dreg:$0x0] =	wrdreg $0xFFFFFFFF;
	(pc) =	sbr.abs _section_cstart, $3  }
0x46: {  	[dreg:$0x1] =	wrdreg $0xFFFFFFFF  }
0x47: {  	_ =	task.clear_ibuf [dreg:s23], $0x2FFFF;
	_ =	strace $0x9FFFFFFF  }
0x48: {  	(tm) =	ssettm $0x7FFFFFFF  }
0x49: {  	_ =	shalt  }
tec
execute0_lowered:
.L_overlay_start_1:
0x0: {  	(tag) =	ssettag $0x1  }
0x1: {  	s0 =	srdreg.scid  }
0x2: {  	s4 =	rddreg [dreg:$0x0];
	s1 =	stileid.u32  }
0x3: {  	s5 =	simm.s32 $0x1;
	s7 =	simm.s32 $0x2;
	s0 =	sshll.u32 s0, $0x4  }
0x4: {  	s11 =	simm.s32 $0x0;
	p0 =	por $0x0, $0x0;
	s2 =	sand.u32 $0x10, s0  }
.Ltmp0:
0x5: {  	s8 =	simm.s32 $0xF4400;
	s3 =	sor.u32 s1, s2;
	(pc) =	sbr.rel .LBB1_1-.Ltmp0, $4  }
0x6: {  	s0 =	rddreg [dreg:$0x1];
	_ =	strace $0x80000056;
	s3 =	sshll.u32 s3, $0x7  }
0x7: {  	s10 =	simm.s32 $0x0;
	s2 =	sadd.s32 $0xF46A00, s4;
	s6 =	ssub.s32 $0x1E800, s3  }
0x8: {  	s4 =	sadd.s32 $0x3EF5E00, s4;
	[sflag:s5] =	ssyncpa.u1 $0x0;
	s6 =	sshrl.u32 s6, $0xC  }
0x9: {  	[sflag:s7] =	ssyncpa.u1 $0x0;
	s9 =	smov.u32 s3;
	s7 =	sadd.s32 $0x2, s6  }
.LBB1_5:
0xa: {  	s13 =	sadd.s32 $0x1000, s9  }
0xb: {  	p2 =	sgt.s32 s13, $0x1E847  }
0xc: {  	s13 =	smov.u32 @p2 s3;
	p2 =	sne.s32 s10, s7  }
.Ltmp1:
0xd: {  	p1 =	slt.u32 s10, $0x2;
	(pc) =	sbr.rel @!p2 .LBB1_6-.Ltmp1, $4  }
0xe: {  	s12 =	simm.s32 @!p1 $0x2  }
0xf: {  	s14 =	sadd.s32 $0x1, s10;
	_ =	swait.ge @!p1 [sflag:s12], $0x4000  }
0x10: {  	s11 =	smov.u32 s9;
	p0 =	por !p0, !p0;
	[sflag:s12] =	ssyncset.done @!p1 $0x0  }
0x11: {  	s10 =	smov.u32 s14;
	s9 =	smov.u32 s13;
	[sflag:s12] =	ssyncadd.s32 @!p1 $0xFFFFC000  }
.LBB1_1:
0x12: {  	p1 =	sgt.u32 s10, s6  }
0x13: {  	p2 =	sgt.s32 @!p1 s9, $0x1E7C8  }
0x14: {  	s12 =	smov.u32 s9;
	s13 =	sshra.s32 @!p1 s9, $0x1F;
	p2 =	por !p2, p1  }
0x15: {  	s13 =	sand.u32 @!p1 s13, s9;
	s12 =	simm.s32 @p2 $0x1E7C8  }
0x16: {  	s12 =	ssub.s32 @!p1 s12, s13  }
0x17: {  	s14 =	sxor.u32 @!p1 $0xFFFFFFFF, s10;
	s12 =	sadd.s32 @!p1 $0xFFFE1838, s12  }
0x18: {  	s15 =	simm.s32 @!p1 $0x10;
	s16 =	simm.s32 @!p1 $0x80;
	s13 =	sshll.u32 @!p1 s12, $0x9  }
0x19: {  	p2 =	sgt.s32 @!p1 s12, $0x7F;
	s12 =	ssub.s32 @!p1 $0x10000, s13;
	s13 =	sshll.u32 @!p1 s14, $0xE  }
0x1a: {  	p2 =	por !p2, p1;
	s14 =	sshll.u32 @!p1 s9, $0x7;
	s12 =	sshrl.u32 @!p1 s12, $0x2  }
0x1b: {  	s13 =	sand.u32 @!p1 $0x4000, s13;
	s14 =	sadd.s32 @!p1 s2, s14;
	s12 =	simm.s32 @!p2 $0x0  }
0x1c: {  	[tilespmem:s13], [sflag:$0x1] =	stream.strided.gather @!p1 [hbm4b:s14+s15], s12, s16, s15, $0x38;
	[tilespmem:$0x10100] =	vst v63  }
0x1d: {  	p1 =	seq.s32 s10, $0x0  }
0x1e: {  	p2 =	sge.u32 @!p1 s10, s7  }
0x1f: {  	p1 =	por p1, p2  }
.Ltmp2:
0x20: {  	_ = 	snop;
	(pc) =	sbr.rel @p1 .LBB1_5-.Ltmp2, $1  }
0x21: {  	_ =	sdelay $0x3  }
0x22: {  	p1 =	sgt.s32 s11, $0x1E7C8;
	s12 =	smov.u32 s11;
	s13 =	sshra.s32 s11, $0x1F  }
0x23: {  	s12 =	simm.s32 @!p1 $0x1E7C8;
	s13 =	sand.u32 s13, s11  }
0x24: {  	s12 =	ssub.s32 s12, s13  }
0x25: {  	s12 =	sadd.s32 $0xFFFE1838, s12  }
0x26: {  	s29 =	sshll.u32 s12, $0x9  }
0x27: {  	s13 =	ssub.s32 $0x10000, s29  }
0x28: {  	p1 =	sgt.s32 s12, $0x7F;
	s12 =	sshrl.u32 s13, $0x2  }
0x29: {  	s13 =	simm.s32 $0x1;
	s12 =	simm.s32 @p1 $0x0  }
0x2a: {  	s13 =	simm.s32 @!p0 $0x0;
	_ =	swait.ge [sflag:s5], s12  }
0x2b: {  	s14 =	sshll.u32 s13, $0xE;
	s12 =	ssub.s32 $0x0, s12;
	[sflag:s5] =	ssyncset.done $0x0  }
0x2c: {  	s15 =	sor.u32 $0x40, s14;
	[sflag:s5] =	ssyncadd.s32 s12  }
0x2d: {  	s30 =	smul.u32 $0x10200, s13;
	v0 =	vld [tilespmem:s15+$0x30]  }
0x2e: {  	v1 =	vld [tilespmem:s15+$0xFFFFFFD0]  }
0x2f: {  	s12 =	sshrl.u32 s30, $0x2;
	v5 =	vld [tilespmem:s15+$0xFFFFFFE0]  }
0x30: {  	s13 =	sor.u32 $0x8000, s12;
	v6 =	vld [tilespmem:s15+$0xFFFFFFF0]  }
0x31: {  	s31 =	sand.u32 $0x1, s10;
	v3 =	vld [tilespmem:s15+$0x0];
	s14 =	sadd.s32 $0x0, s13  }
0x32: {  	s12 =	smul.u32 $0x10200, s31;
	v4 =	vld [tilespmem:s15+$0x10];
	[tilespmem:s14+$0x3870 ss:$0x81] =	vst.msk $0xffff, v0  }
0x33: {  	v2 =	vld [tilespmem:s15+$0x20];
	[tilespmem:s14+$0x810 ss:$0x81] =	vst.msk $0xffff, v1  }
0x34: {  	s12 =	sshrl.u32 s12, $0x2;
	v0 =	vld [tilespmem:s15+$0xFFFFFFC0];
	[tilespmem:s14+$0x1020 ss:$0x81] =	vst.msk $0xffff, v5;
	s15 =	sadd.s32 $0x80, s15  }
0x35: {  	s16 =	simm.s32 $0x4;
	s17 =	simm.s32 $0x8;
	s12 =	sor.u32 $0x8000, s12;
	[tilespmem:s14+$0x1830 ss:$0x81] =	vst.msk $0xffff, v6;
	v1 =	vld [tilespmem:s15+$0x30]  }
.LBB1_3:
0x36: {  	p1 =	sne.s32 s17, $0x1FC;
	v5 =	vld [tilespmem:s15+$0xFFFFFFD0];
	[tilespmem:s14+$0x2040 ss:$0x81] =	vst.msk $0xffff, v3  }
0x37: {  	v6 =	vld [tilespmem:s15+$0xFFFFFFE0];
	[tilespmem:s14+$0x2850 ss:$0x81] =	vst.msk $0xffff, v4  }
0x38: {  	s18 =	sshra.s32 s16, $0x2;
	s16 =	smov.u32 s17;
	v7 =	vld [tilespmem:s15+$0xFFFFFFF0];
	[tilespmem:s14+$0x3060 ss:$0x81] =	vst.msk $0xffff, v2  }
.Ltmp3:
0x39: {  	v3 =	vld [tilespmem:s15+$0x0];
	[tilespmem:s14+$0x0 ss:$0x81] =	vst.msk $0xffff, v0;
	s14 =	sadd.s32 s18, s13;
	(pc) =	sbr.rel @p1 .LBB1_3-.Ltmp3, $4  }
0x3a: {  	v4 =	vld [tilespmem:s15+$0x10];
	[tilespmem:s14+$0x3870 ss:$0x81] =	vst.msk $0xffff, v1  }
0x3b: {  	[tilespmem:s14+$0x810 ss:$0x81] =	vst.msk $0xffff, v5;
	v2 =	vld [tilespmem:s15+$0x20]  }
0x3c: {  	v0 =	vld [tilespmem:s15+$0xFFFFFFC0];
	[tilespmem:s14+$0x1020 ss:$0x81] =	vst.msk $0xffff, v6;
	s15 =	sadd.s32 $0x80, s15  }
0x3d: {  	s17 =	sadd.s32 $0x4, s17;
	v1 =	vld [tilespmem:s15+$0x30];
	[tilespmem:s14+$0x1830 ss:$0x81] =	vst.msk $0xffff, v7  }
0x3e: {  	v5 =	vld [tilespmem:s15+$0xFFFFFFD0];
	[tilespmem:s14+$0x2040 ss:$0x81] =	vst.msk $0xffff, v3;
	s17 =	sshll.u32 s11, $0x3  }
0x3f: {  	v58 =	vld [tilespmem:s15+$0xFFFFFFE0];
	[tilespmem:s14+$0x2850 ss:$0x81] =	vst.msk $0xffff, v4;
	s17 =	sand.u32 $0xFFFFFC00, s17  }
0x40: {  	s16 =	sshra.s32 s16, $0x2;
	v59 =	vld [tilespmem:s15+$0xFFFFFFF0];
	[tilespmem:s14+$0x3060 ss:$0x81] =	vst.msk $0xffff, v2;
	s18 =	sshrl.u32 s17, $0x7  }
0x41: {  	v60 =	vld [tilespmem:s15+$0x0];
	s13 =	sadd.s32 s16, s13;
	[tilespmem:s14+$0x0 ss:$0x81] =	vst.msk $0xffff, v0;
	s28 =	smulhi.u32 $0x218A169, s18  }
0x42: {  	v61 =	vld [tilespmem:s15+$0x10];
	[tilespmem:s13+$0x3870 ss:$0x81] =	vst.msk $0xffff, v1  }
0x43: {  	v62 =	vld [tilespmem:s15+$0x20];
	[tilespmem:s13+$0x810 ss:$0x81] =	vst.msk $0xffff, v5;
	s14 =	sshrl.u32 s28, $0x3  }
0x44: {  	v63 =	vld [tilespmem:s15+$0xFFFFFFC0];
	s29 =	sand.u32 $0x7F, s11;
	[tilespmem:s13+$0x1020 ss:$0x81] =	vst.msk $0xffff, v58;
	s30 =	smul.u32 $0x1E880, s14  }
0x45: {  	s11 =	sor.u32 s29, s17;
	[tilespmem:s13+$0x1830 ss:$0x81] =	vst.msk $0xffff, v59  }
.Ltmp4:
0x46: {  	[tilespmem:s13+$0x2040 ss:$0x81] =	vst.msk $0xffff, v60;
	s14 =	sand.u32 $0xF, s14;
	s11 =	ssub.s32 s11, s30;
	(pc) =	sbr.rel .LBB1_5-.Ltmp4, $4  }
0x47: {  	[tilespmem:s13+$0x2850 ss:$0x81] =	vst.msk $0xffff, v61;
	s14 =	smul.u32 $0x3D10, s14;
	s15 =	sshrl.u32 s11, $0x3;
	s11 =	sand.u32 $0x7, s11  }
0x48: {  	[tilespmem:s13+$0x3060 ss:$0x81] =	vst.msk $0xffff, v62;
	s15 =	sadd.s32 s4, s15;
	s11 =	sshll.u32 s11, $0x12  }
0x49: {  	[tilespmem:s13+$0x0 ss:$0x81] =	vst.msk $0xffff, v63;
	s31 =	sadd.s32 s14, s15;
	s11 =	sor.u32 $0x400, s11  }
0x4a: {  	[hbm4b:s31+s11] =	stream.strided.scatter [tilespmem:s12], [sflag:$0x2], $0x4000, s8, s11, $0x20;
	[tilespmem:$0x10100] =	vst v63  }
.LBB1_6:
0x4b: {  	_ =	sfence.sel $0x180000  }
0x4c: {  	s2 =	simm.s32 $0x1;
	[bflag:$0x0] =	sbarrier.arrive $0xFFFF  }
0x4d: {  	s31 =	simm.s32 $0x2;
	[sflag:s2] =	ssyncpa.u1 $0x1  }
0x4e: {  	[sflag:s31] =	ssyncpa.u1 $0x1  }
0x4f: {  	p0 =	sne.s32 s1, $0x0;
	_ =	strace $0x90000056  }
0x50: {  	s0 =	sadd.s32 @!p0 $0x100000, s0;
	[bflag:$0x2] =	sbarrier.arrive $0xFFFF  }
0x51: {  	[sflag:s0] =	ssyncadd.tile.s32 @!p0 $0x1;
	_ =	shalt  }
.Lfunc_end1:
_tile_overlayer_lowered:
.L_overlay_start_2:
0x52: {  	(tag) =	ssettag $0x2  }
0x53: {  	s0 =	rddreg [dreg:$0x0];
	s2 =	stileid.u32  }
0x54: {  	s1 =	rddreg [dreg:$0x1];
	p0 =	sne.s32 s2, $0x0  }
0x55: {  	s3 =	rddreg [dreg:$0x2];
	[bflag:$0x3] =	sbarrier.arrive $0xFFFF;
	s2 =	simm.s32 @!p0 $0x1C01  }
0x56: {  	[timem:s3], [sflag:s2] =	dma.local @!p0 [hbm:s0], s1  }
0x57: {  	s0 =	simm.s32 @!p0 $0x1  }
0x58: {  	_ =	swait.ge @!p0 [sflag:s0], s1  }
0x59: {  	s1 =	ssub.s32 @!p0 $0x0, s1;
	[sflag:s0] =	ssyncset.done @!p0 $0x0  }
0x5a: {  	[sflag:s0] =	ssyncadd.s32 @!p0 s1  }
0x5b: {  	[bflag:$0x3] =	sbarrier.arrive $0xFFFF  }
0x5c: {  	_ =	shalt  }

// kernel: sparse-core-data-format-call.5.cloned.1.call-start
scs
called_computation.5_lowered:
.L_overlay_start_0:
0x0: {  	s2 =	sld [smem:$0x3FD9]  }
0x1: {  	s3 =	sld [smem:$0x3FFE];
	_ =	sdelay $0x1  }
0x2: {  	s1 =	srdreg.scid  }
0x3: {  	s0 =	sand.u32 $0x1, s1  }
0x4: {  	s18 =	sshll.u32 s0, $0xA;
	s2 =	sadd.s32 s3, s2  }
0x5: {  	s2 =	sadd.s32 s2, s18  }
0x6: {  	[smem:$0x3FBC] =	sst s2  }
0x7: {  	_ = 	snop  }
0x8: {  	s19 =	sld [smem:$0x3FC4];
	(tm) =	ssettm $0x1  }
0x9: {  	s20 =	sld [smem:$0x3FFB];
	_ =	sdelay $0x3  }
0xa: {  	_ =	strace s20  }
0xb: {  	s2 =	sld [smem:$0x3FFC];
	_ =	sdelay $0x3  }
0xc: {  	_ =	strace s2  }
0xd: {  	s2 =	sld [smem:$0x3FFD];
	_ =	sdelay $0x3  }
0xe: {  	_ =	strace s2  }
0xf: {  	_ =	strace $0x8FFFFFFF  }
0x10: {  	s21 =	sld [smem:$0x3FDB];
	_ =	sdelay $0x1  }
0x11: {  	s4 =	simm.s32 $_scs_section_size  }
0x12: {  	s5 =	simm.s32 $_size__tile_overlayer_lowered;
	s6 =	simm.s32 $_tile_overlayer_lowered  }
0x13: {  	s7 =	simm.s32 $0x1BFF;
	s22 =	sshll.u32 s6, $0x1;
	s4 =	sadd.s32 s4, s21  }
0x14: {  	s23 =	simm.s32 $0x0;
	s5 =	sshll.u32 s5, $0x1;
	s6 =	sadd.s32 s22, s4  }
0x15: {  	[timem:s23], [sflag:s7] =	dma.local [hbm:s6], s5  }
0x16: {  	_ =	swait.ge [sflag:s7], s5  }
0x17: {  	s5 =	ssub.s32 $0x0, s5;
	[sflag:s7] =	ssyncset.done $0x0  }
0x18: {  	[sflag:s7] =	ssyncadd.s32 s5;
	_ =	sdelay $0x1  }
0x19: {  	s24 =	simm.s32 $0x1B8B  }
0x1a: {  	_ =	swait.ge [sflag:s24], $0x1  }
0x1b: {  	[sflag:s24] =	ssyncset.done $0x0  }
0x1c: {  	[sflag:s24] =	ssyncadd.s32 $0xFFFFFFFF  }
0x1d: {  	s5 =	sld [smem:$0x0]  }
0x1e: {  	s6 =	sand.u32 $0xFFFFFFFE, s1  }
0x1f: {  	p0 =	sne.s32 s1, s6  }
0x20: {  	s6 =	sshll.u32 @p0 s6, $0xE  }
0x21: {  	s6 =	sadd.s32 @p0 $0x11B8D, s6;
	s7 =	sshll.u32 @p0 s5, $0x11  }
0x22: {  	s6 =	sor.u32 @p0 s7, s6  }
0x23: {  	[sflag:s6] =	ssyncadd.remote.s32 @p0 $0x1;
	_ =	sdelay $0x1  }
0x24: {  	s6 =	simm.s32 @p0 $0x1B8D  }
0x25: {  	_ =	swait.eq @p0 [sflag:s6], $0x1  }
0x26: {  	[sflag:s6] =	ssyncadd.s32 @p0 $0xFFFFFFFF  }
0x27: {  	s7 =	sshll.u32 @!p0 s1, $0xE  }
0x28: {  	s7 =	sor.u32 @!p0 $0x4000, s7;
	s6 =	simm.s32 @!p0 $0x1B8D  }
0x29: {  	s5 =	sshll.u32 @!p0 s5, $0x11;
	s7 =	sadd.s32 @!p0 $0x11B8D, s7;
	_ =	swait.eq @!p0 [sflag:s6], $0x1  }
0x2a: {  	s5 =	sor.u32 @!p0 s5, s7;
	[sflag:s6] =	ssyncadd.s32 @!p0 $0xFFFFFFFF  }
0x2b: {  	s26 =	simm.s32 $0x1B8E;
	s25 =	sld [smem:$0x3FFE];
	[sflag:s5] =	ssyncadd.remote.s32 @!p0 $0x1  }
0x2c: {  	s27 =	simm.s32 $execute0_lowered;
	[smem:$0x3FD2] =	sst s26  }
0x2d: {  	s6 =	sshll.u32 s27, $0x1;
	_ =	strace $0x80000049;
	[dreg:$0x1] =	wrdreg $0xFFFFFFFF  }
0x2e: {  	s28 =	simm.s32 $_size_execute0_lowered;
	s4 =	sadd.s32 s4, s6;
	[dreg:$0x0] =	wrdreg $0x0  }
0x2f: {  	s6 =	sshll.u32 s28, $0x1;
	[dreg:$0x2] =	wrdreg s4  }
0x30: {  	[dreg:$0x3] =	wrdreg s6  }
0x31: {  	[dreg:$0x4] =	wrdreg $0xC0  }
0x32: {  	_ =	task [dreg:s23], $0x5FFFF  }
0x33: {  	[dreg:$0x1] =	wrdreg $0xFFFFFFFF  }
0x34: {  	[dreg:$0x0] =	wrdreg $0x60  }
0x35: {  	[dreg:$0x2] =	wrdreg s19  }
0x36: {  	[dreg:$0x3] =	wrdreg s25  }
0x37: {  	[dreg:$0x4] =	wrdreg $0xC  }
0x38: {  	_ =	task.clear_ibuf [dreg:s23], $0x5FFFF;
	_ =	strace $0x90000049  }
0x39: {  	s29 =	simm.s32 $0xC;
	_ =	strace $0x8000004B  }
0x3a: {  	_ =	swait.ge [sflag:s29], $0x1  }
0x3b: {  	[sflag:s29] =	ssyncadd.s32 $0xFFFFFFFF  }
0x3c: {  	_ =	strace $0x9000004B  }
0x3d: {  	_ =	sfence  }
0x3e: {  	s30 =	sld [smem:$0x0];
	_ =	sdelay $0x2  }
0x3f: {  	s31 =	sshll.u32 s1, $0xD;
	s1 =	sshrl.u32 s1, $0x2  }
0x40: {  	s4 =	sand.u32 $0x4000, s31;
	s1 =	sadd.s32 s1, s30  }
0x41: {  	s0 =	sor.u32 s4, s0;
	s1 =	sshll.u32 s1, $0x11  }
0x42: {  	s0 =	sor.u32 s1, s0  }
0x43: {  	s0 =	sadd.s32 $0x8F2B, s0  }
0x44: {  	[sflag:s0] =	ssyncadd.remote.s32 $0x1  }
0x45: {  	_ =	sfence.sel $0xFFFF  }
0x46: {  	[dreg:$0x0] =	wrdreg $0xFFFFFFFF;
	(pc) =	sbr.abs _section_cstart, $3  }
0x47: {  	[dreg:$0x1] =	wrdreg $0xFFFFFFFF  }
0x48: {  	_ =	task.clear_ibuf [dreg:s23], $0x2FFFF;
	_ =	strace $0x9FFFFFFF  }
0x49: {  	(tm) =	ssettm $0x7FFFFFFF  }
tec
execute0_lowered:
.L_overlay_start_1:
0x0: {  	(tag) =	ssettag $0x1  }
0x1: {  	s0 =	srdreg.scid;
	s2 =	rddreg [dreg:$0x0]  }
0x2: {  	s5 =	rddreg [dreg:$0x1];
	s1 =	stileid.u32  }
0x3: {  	s4 =	simm.s32 $0x1;
	s6 =	simm.s32 $0x2;
	s15 =	simm.s32 $0x0  }
0x4: {  	p0 =	por $0x0, $0x0;
	s8 =	simm.s32 $0x80;
	s0 =	sshll.u32 s0, $0x4  }
0x5: {  	s14 =	simm.s32 $0x0;
	s9 =	simm.s32 $0x0;
	s3 =	sand.u32 $0x10, s0  }
.Ltmp0:
0x6: {  	s10 =	simm.s32 $0x0;
	s3 =	sor.u32 s1, s3;
	(pc) =	sbr.rel .LBB1_1-.Ltmp0, $4  }
0x7: {  	s0 =	rddreg [dreg:$0x2];
	_ =	strace $0x8000004A;
	s3 =	sshll.u32 s3, $0x7  }
0x8: {  	s12 =	simm.s32 $0x0;
	[sflag:s4] =	ssyncpa.u1 $0x0;
	s7 =	ssub.s32 $0xF4200, s3  }
0x9: {  	s13 =	simm.s32 $0x0;
	[sflag:s6] =	ssyncpa.u1 $0x0;
	s6 =	sshrl.u32 s7, $0xC  }
0xa: {  	s5 =	sadd.s32 $0xF46A00, s5;
	s11 =	smov.u32 s3;
	s7 =	sadd.s32 $0x2, s6  }
.LBB1_5:
0xb: {  	p1 =	slt.u32 s13, $0x2  }
0xc: {  	s17 =	smov.u32 s15;
	p2 =	sgt.s32 @!p1 s15, $0xF41C0;
	s16 =	sshra.s32 @!p1 s15, $0x1F  }
0xd: {  	p3 =	sgt.s32 @!p1 s14, $0x70;
	s18 =	sshra.s32 @!p1 s14, $0x1F;
	p2 =	por !p2, p1  }
0xe: {  	s15 =	sand.u32 @!p1 s16, s15;
	p3 =	por !p3, p1;
	s16 =	smov.u32 s14  }
0xf: {  	s14 =	sand.u32 @!p1 s18, s14;
	s17 =	simm.s32 @p2 $0xF41C0;
	s16 =	simm.s32 @p3 $0x70  }
0x10: {  	s15 =	ssub.s32 @!p1 s17, s15;
	s14 =	ssub.s32 @!p1 s16, s14  }
0x11: {  	s18 =	smov.u32 s12;
	s16 =	sadd.s32 @!p1 $0xFFF0BE40, s15;
	s17 =	sadd.s32 @!p1 $0xFFFFFF90, s14  }
0x12: {  	s15 =	ssub.s32 @!p1 $0xF4240, s15;
	p2 =	sgt.s32 @!p1 s16, $0x7F;
	p3 =	sgt.s32 @!p1 s17, $0xF  }
0x13: {  	s14 =	ssub.s32 @!p1 $0x80, s14;
	p2 =	por !p2, p1;
	p3 =	por !p3, p1  }
0x14: {  	s16 =	sadd.s32 $0x1000, s11;
	s15 =	simm.s32 @!p2 $0x0;
	s14 =	simm.s32 @!p3 $0x0  }
0x15: {  	p2 =	sgt.s32 s16, $0xF423F;
	s14 =	smul.u32 @!p1 s14, s15;
	s15 =	sadd.s32 $0x10, s12  }
0x16: {  	s18 =	smov.u32 @p2 s15  }
0x17: {  	s16 =	smov.u32 @p2 s3;
	p2 =	sgt.s32 s18, $0xF  }
0x18: {  	s18 =	simm.s32 @p2 $0x0;
	p2 =	sne.s32 s13, s7  }
.Ltmp1:
0x19: {  	p0 =	por !p0, !p0;
	s17 =	simm.s32 @!p1 $0x2;
	(pc) =	sbr.rel @!p2 .LBB1_6-.Ltmp1, $4  }
0x1a: {  	s15 =	smov.u32 s9;
	s9 =	smov.u32 s11;
	s14 =	sand.u32 @!p1 $0x3FFFFFFF, s14  }
0x1b: {  	s11 =	smov.u32 s16;
	_ =	swait.ge @!p1 [sflag:s17], s14;
	s19 =	ssub.s32 @!p1 $0x0, s14  }
0x1c: {  	s14 =	smov.u32 s10;
	s13 =	sadd.s32 $0x1, s13;
	[sflag:s17] =	ssyncset.done @!p1 $0x0  }
0x1d: {  	s10 =	smov.u32 s12;
	s12 =	smov.u32 s18;
	[sflag:s17] =	ssyncadd.s32 @!p1 s19  }
.LBB1_1:
0x1e: {  	p1 =	sgt.u32 s13, s6  }
0x1f: {  	s16 =	sshrl.u32 @!p1 s12, $0x3  }
0x20: {  	s17 =	sshll.u32 @!p1 s11, $0x3;
	s16 =	smul.u32 @!p1 $0x7A1400, s16  }
0x21: {  	s18 =	sshll.u32 @!p1 s12, $0x7;
	s17 =	sand.u32 @!p1 $0xFFFFFC00, s17  }
0x22: {  	s16 =	sadd.s32 @!p1 s16, s17;
	s17 =	sand.u32 @!p1 $0x380, s18  }
0x23: {  	s18 =	sand.u32 @!p1 $0x7F, s11;
	s16 =	sor.u32 @!p1 s17, s16  }
0x24: {  	s17 =	sor.u32 @!p1 s18, s16  }
0x25: {  	s18 =	smulhi.u32 @!p1 $0x218D6287, s17;
	_ =	sdelay $0x1  }
0x26: {  	s16 =	smulhi.u32 @!p1 $0x218D6287, s16;
	s18 =	sshrl.u32 @!p1 s18, $0x11  }
0x27: {  	s18 =	smul.u32 @!p1 $0xF4280, s18  }
0x28: {  	s19 =	sxor.u32 @!p1 $0xFFFFFFFF, s13;
	s16 =	sshrl.u32 @!p1 s16, $0x11  }
0x29: {  	s19 =	sshll.u32 @!p1 s19, $0xB;
	s16 =	sand.u32 @!p1 $0xF, s16;
	s17 =	ssub.s32 @!p1 s17, s18  }
0x2a: {  	s16 =	smul.u32 @!p1 $0x1E850, s16;
	s18 =	sshrl.u32 @!p1 s17, $0x3;
	s17 =	sand.u32 @!p1 $0x7, s17  }
0x2b: {  	s19 =	sand.u32 @!p1 $0x800, s19;
	s18 =	sadd.s32 @!p1 s2, s18;
	s17 =	sshll.u32 @!p1 s17, $0x12  }
0x2c: {  	s16 =	sadd.s32 @!p1 s16, s18;
	s17 =	sor.u32 @!p1 $0x400, s17;
	s18 =	simm.s32 @!p1 $0x7A1400  }
0x2d: {  	[tilespmem:s19], [sflag:$0x1] =	stream.strided.gather @!p1 [hbm4b:s16+s17], $0x800, s18, s17, $0x38;
	[tilespmem:$0x2100] =	vst v63  }
0x2e: {  	p1 =	seq.s32 s13, $0x0  }
0x2f: {  	p2 =	sge.u32 @!p1 s13, s7  }
0x30: {  	p1 =	por p1, p2  }
.Ltmp2:
0x31: {  	_ = 	snop;
	(pc) =	sbr.rel @p1 .LBB1_5-.Ltmp2, $1  }
0x32: {  	_ =	sdelay $0x3  }
0x33: {  	s16 =	simm.s32 $0x1  }
0x34: {  	_ =	swait.ge [sflag:s4], $0x800;
	s16 =	simm.s32 @!p0 $0x0  }
0x35: {  	[sflag:s4] =	ssyncset.done $0x0;
	s17 =	sshll.u32 s16, $0xB  }
0x36: {  	[sflag:s4] =	ssyncadd.s32 $0xFFFFF800;
	s17 =	sor.u32 $0x40, s17  }
0x37: {  	s16 =	smul.u32 $0x2200, s16;
	v0 =	vld [tilespmem:s17+$0x30]  }
0x38: {  	v1 =	vld [tilespmem:s17+$0xFFFFFFD0]  }
0x39: {  	s16 =	sshrl.u32 s16, $0x2;
	v5 =	vld [tilespmem:s17+$0xFFFFFFE0]  }
0x3a: {  	v6 =	vld [tilespmem:s17+$0xFFFFFFF0];
	s19 =	sor.u32 $0x1000, s16  }
0x3b: {  	s31 =	sand.u32 $0x1, s13;
	v4 =	vld [tilespmem:s17+$0x0];
	s18 =	sadd.s32 $0x0, s19  }
0x3c: {  	v3 =	vld [tilespmem:s17+$0x10];
	s16 =	smul.u32 $0x2200, s31;
	[tilespmem:s18+$0x770 ss:$0x11] =	vst.msk $0xffff, v0  }
0x3d: {  	v2 =	vld [tilespmem:s17+$0x20];
	[tilespmem:s18+$0x110 ss:$0x11] =	vst.msk $0xffff, v1  }
0x3e: {  	s16 =	sshrl.u32 s16, $0x2;
	v1 =	vld [tilespmem:s17+$0xFFFFFFC0];
	[tilespmem:s18+$0x220 ss:$0x11] =	vst.msk $0xffff, v5;
	s17 =	sadd.s32 $0x80, s17  }
0x3f: {  	s20 =	simm.s32 $0x4;
	s21 =	simm.s32 $0x8;
	s16 =	sor.u32 $0x1000, s16;
	[tilespmem:s18+$0x330 ss:$0x11] =	vst.msk $0xffff, v6;
	v0 =	vld [tilespmem:s17+$0x30]  }
.LBB1_3:
0x40: {  	p1 =	sne.s32 s21, $0x3C;
	v5 =	vld [tilespmem:s17+$0xFFFFFFD0];
	[tilespmem:s18+$0x440 ss:$0x11] =	vst.msk $0xffff, v4  }
0x41: {  	v6 =	vld [tilespmem:s17+$0xFFFFFFE0];
	[tilespmem:s18+$0x550 ss:$0x11] =	vst.msk $0xffff, v3  }
0x42: {  	s22 =	sshra.s32 s20, $0x2;
	s20 =	smov.u32 s21;
	v7 =	vld [tilespmem:s17+$0xFFFFFFF0];
	[tilespmem:s18+$0x660 ss:$0x11] =	vst.msk $0xffff, v2  }
.Ltmp3:
0x43: {  	v4 =	vld [tilespmem:s17+$0x0];
	[tilespmem:s18+$0x0 ss:$0x11] =	vst.msk $0xffff, v1;
	s18 =	sadd.s32 s22, s19;
	(pc) =	sbr.rel @p1 .LBB1_3-.Ltmp3, $4  }
0x44: {  	v3 =	vld [tilespmem:s17+$0x10];
	[tilespmem:s18+$0x770 ss:$0x11] =	vst.msk $0xffff, v0  }
0x45: {  	[tilespmem:s18+$0x110 ss:$0x11] =	vst.msk $0xffff, v5;
	v2 =	vld [tilespmem:s17+$0x20]  }
0x46: {  	v1 =	vld [tilespmem:s17+$0xFFFFFFC0];
	[tilespmem:s18+$0x220 ss:$0x11] =	vst.msk $0xffff, v6;
	s17 =	sadd.s32 $0x80, s17  }
0x47: {  	s21 =	sadd.s32 $0x4, s21;
	v0 =	vld [tilespmem:s17+$0x30];
	[tilespmem:s18+$0x330 ss:$0x11] =	vst.msk $0xffff, v7  }
0x48: {  	s21 =	sshll.u32 s9, $0x7;
	s22 =	sshll.u32 s10, $0x3;
	s20 =	sshra.s32 s20, $0x2  }
0x49: {  	p1 =	sgt.s32 s9, $0xF41C0;
	s30 =	sshra.s32 s9, $0x1F;
	s25 =	sshra.s32 s10, $0x1F  }
0x4a: {  	v5 =	vld [tilespmem:s17+$0xFFFFFFD0];
	s28 =	sshrl.u32 s10, $0x3;
	s23 =	sand.u32 $0xFFFFFC00, s21;
	s22 =	sand.u32 $0xFFFFFC00, s22  }
0x4b: {  	[tilespmem:s18+$0x440 ss:$0x11] =	vst.msk $0xffff, v4;
	v58 =	vld [tilespmem:s17+$0xFFFFFFE0];
	s21 =	sand.u32 $0x380, s21;
	s19 =	sadd.s32 s20, s19;
	s22 =	sadd.s32 s22, s23  }
0x4c: {  	v59 =	vld [tilespmem:s17+$0xFFFFFFF0];
	[tilespmem:s18+$0x550 ss:$0x11] =	vst.msk $0xffff, v3;
	s29 =	sor.u32 s21, s22;
	s21 =	smov.u32 s9;
	s22 =	sand.u32 s30, s9  }
0x4d: {  	v60 =	vld [tilespmem:s17+$0x0];
	[tilespmem:s18+$0x660 ss:$0x11] =	vst.msk $0xffff, v2;
	s30 =	sand.u32 $0x7, s10;
	s20 =	sshrl.u32 s29, $0x7;
	s21 =	simm.s32 @!p1 $0xF41C0  }
0x4e: {  	v61 =	vld [tilespmem:s17+$0x10];
	[tilespmem:s18+$0x0 ss:$0x11] =	vst.msk $0xffff, v1;
	p1 =	sgt.s32 s10, $0x70;
	s24 =	ssub.s32 s21, s22;
	s21 =	smov.u32 s10  }
0x4f: {  	v62 =	vld [tilespmem:s17+$0x20];
	[tilespmem:s19+$0x770 ss:$0x11] =	vst.msk $0xffff, v0;
	s31 =	smulhi.u32 $0x218DEF5, s20;
	s22 =	sand.u32 s25, s10;
	s21 =	simm.s32 @!p1 $0x70  }
0x50: {  	v63 =	vld [tilespmem:s17+$0xFFFFFFC0];
	[tilespmem:s19+$0x110 ss:$0x11] =	vst.msk $0xffff, v5;
	s26 =	sadd.s32 $0xFFF0BE40, s24;
	s17 =	ssub.s32 $0xF4240, s24;
	s21 =	ssub.s32 s21, s22  }
0x51: {  	[tilespmem:s19+$0x220 ss:$0x11] =	vst.msk $0xffff, v58;
	s23 =	sshrl.u32 s31, $0xD;
	p1 =	sgt.s32 s26, $0x7F;
	s27 =	sadd.s32 $0xFFFFFF90, s21  }
0x52: {  	[tilespmem:s19+$0x330 ss:$0x11] =	vst.msk $0xffff, v59;
	s23 =	smul.u32 $0xF4240, s23;
	s18 =	ssub.s32 $0x80, s21;
	p2 =	sgt.s32 s27, $0xF  }
.Ltmp4:
0x53: {  	[tilespmem:s19+$0x440 ss:$0x11] =	vst.msk $0xffff, v60;
	s17 =	simm.s32 @p1 $0x0;
	s18 =	simm.s32 @p2 $0x0;
	(pc) =	sbr.rel .LBB1_5-.Ltmp4, $4  }
0x54: {  	s29 =	sand.u32 $0xF, s28;
	[tilespmem:s19+$0x550 ss:$0x11] =	vst.msk $0xffff, v61;
	s20 =	ssub.s32 s20, s23;
	s17 =	smul.u32 s18, s17  }
0x55: {  	[tilespmem:s19+$0x660 ss:$0x11] =	vst.msk $0xffff, v62;
	s21 =	sshll.u32 s30, $0x12;
	s20 =	sshll.u32 s20, $0x4;
	s18 =	sadd.s32 s5, s29  }
0x56: {  	[tilespmem:s19+$0x0 ss:$0x11] =	vst.msk $0xffff, v63;
	s31 =	sor.u32 $0x10, s21;
	s18 =	sadd.s32 s20, s18;
	s17 =	sand.u32 $0x3FFFFFFF, s17  }
0x57: {  	[hbm4b:s18+s31] =	stream.strided.scatter [tilespmem:s16], [sflag:$0x2], s17, s8, s31, $0x8;
	[tilespmem:$0x2100] =	vst v63  }
.LBB1_6:
0x58: {  	_ =	sfence.sel $0x180000  }
0x59: {  	s2 =	simm.s32 $0x1;
	[bflag:$0x0] =	sbarrier.arrive $0xFFFF  }
0x5a: {  	s31 =	simm.s32 $0x2;
	[sflag:s2] =	ssyncpa.u1 $0x1  }
0x5b: {  	[sflag:s31] =	ssyncpa.u1 $0x1  }
0x5c: {  	p0 =	sne.s32 s1, $0x0;
	_ =	strace $0x9000004A  }
0x5d: {  	s0 =	sadd.s32 @!p0 $0x100000, s0;
	[bflag:$0x2] =	sbarrier.arrive $0xFFFF  }
0x5e: {  	[sflag:s0] =	ssyncadd.tile.s32 @!p0 $0x1;
	_ =	shalt  }
.Lfunc_end1:
_tile_overlayer_lowered:
.L_overlay_start_2:
0x5f: {  	(tag) =	ssettag $0x2  }
0x60: {  	s0 =	rddreg [dreg:$0x0];
	s2 =	stileid.u32  }
0x61: {  	s1 =	rddreg [dreg:$0x1];
	p0 =	sne.s32 s2, $0x0  }
0x62: {  	s3 =	rddreg [dreg:$0x2];
	[bflag:$0x3] =	sbarrier.arrive $0xFFFF;
	s2 =	simm.s32 @!p0 $0x1C01  }
0x63: {  	[timem:s3], [sflag:s2] =	dma.local @!p0 [hbm:s0], s1  }
0x64: {  	s0 =	simm.s32 @!p0 $0x1  }
0x65: {  	_ =	swait.ge @!p0 [sflag:s0], s1  }
0x66: {  	s1 =	ssub.s32 @!p0 $0x0, s1;
	[sflag:s0] =	ssyncset.done @!p0 $0x0  }
0x67: {  	[sflag:s0] =	ssyncadd.s32 @!p0 s1  }
0x68: {  	[bflag:$0x3] =	sbarrier.arrive $0xFFFF  }
0x69: {  	_ =	shalt  }

// kernel: sparse-core-data-format-call.6.cloned.1.call-start
scs
called_computation.6_lowered:
.L_overlay_start_0:
0x0: {  	s2 =	sld [smem:$0x3FD9]  }
0x1: {  	s3 =	sld [smem:$0x3FFE];
	_ =	sdelay $0x1  }
0x2: {  	s1 =	srdreg.scid  }
0x3: {  	s0 =	sand.u32 $0x1, s1  }
0x4: {  	s18 =	sshll.u32 s0, $0xA;
	s2 =	sadd.s32 s3, s2  }
0x5: {  	s2 =	sadd.s32 s2, s18  }
0x6: {  	[smem:$0x3FBC] =	sst s2  }
0x7: {  	_ = 	snop  }
0x8: {  	(tm) =	ssettm $0x1  }
0x9: {  	s19 =	sld [smem:$0x3FFB];
	_ =	sdelay $0x3  }
0xa: {  	_ =	strace s19  }
0xb: {  	s2 =	sld [smem:$0x3FFC];
	_ =	sdelay $0x3  }
0xc: {  	_ =	strace s2  }
0xd: {  	s2 =	sld [smem:$0x3FFD];
	_ =	sdelay $0x3  }
0xe: {  	_ =	strace s2  }
0xf: {  	_ =	strace $0x8FFFFFFF  }
0x10: {  	s20 =	sld [smem:$0x3FDB];
	_ =	sdelay $0x1  }
0x11: {  	s21 =	simm.s32 $_scs_section_size  }
0x12: {  	s4 =	simm.s32 $_size__tile_overlayer_lowered;
	s5 =	simm.s32 $_tile_overlayer_lowered  }
0x13: {  	s6 =	simm.s32 $0x1BFF;
	s22 =	sshll.u32 s5, $0x1;
	s3 =	sadd.s32 s21, s20  }
0x14: {  	s23 =	simm.s32 $0x0;
	s4 =	sshll.u32 s4, $0x1;
	s5 =	sadd.s32 s22, s3  }
0x15: {  	[timem:s23], [sflag:s6] =	dma.local [hbm:s5], s4  }
0x16: {  	_ =	swait.ge [sflag:s6], s4  }
0x17: {  	s4 =	ssub.s32 $0x0, s4;
	[sflag:s6] =	ssyncset.done $0x0  }
0x18: {  	[sflag:s6] =	ssyncadd.s32 s4;
	_ =	sdelay $0x1  }
0x19: {  	s24 =	simm.s32 $0x1B8B  }
0x1a: {  	_ =	swait.ge [sflag:s24], $0x1  }
0x1b: {  	[sflag:s24] =	ssyncset.done $0x0  }
0x1c: {  	[sflag:s24] =	ssyncadd.s32 $0xFFFFFFFF  }
0x1d: {  	s4 =	sld [smem:$0x0]  }
0x1e: {  	s5 =	sand.u32 $0xFFFFFFFE, s1  }
0x1f: {  	p0 =	sne.s32 s1, s5  }
0x20: {  	s5 =	sshll.u32 @p0 s5, $0xE  }
0x21: {  	s5 =	sadd.s32 @p0 $0x11B8D, s5;
	s6 =	sshll.u32 @p0 s4, $0x11  }
0x22: {  	s5 =	sor.u32 @p0 s6, s5  }
0x23: {  	[sflag:s5] =	ssyncadd.remote.s32 @p0 $0x1;
	_ =	sdelay $0x1  }
0x24: {  	s5 =	simm.s32 @p0 $0x1B8D  }
0x25: {  	_ =	swait.eq @p0 [sflag:s5], $0x1  }
0x26: {  	[sflag:s5] =	ssyncadd.s32 @p0 $0xFFFFFFFF  }
0x27: {  	s6 =	sshll.u32 @!p0 s1, $0xE  }
0x28: {  	s6 =	sor.u32 @!p0 $0x4000, s6;
	s5 =	simm.s32 @!p0 $0x1B8D  }
0x29: {  	s4 =	sshll.u32 @!p0 s4, $0x11;
	s6 =	sadd.s32 @!p0 $0x11B8D, s6;
	_ =	swait.eq @!p0 [sflag:s5], $0x1  }
0x2a: {  	s4 =	sor.u32 @!p0 s4, s6;
	[sflag:s5] =	ssyncadd.s32 @!p0 $0xFFFFFFFF  }
0x2b: {  	s26 =	simm.s32 $0x1B8E;
	s25 =	sld [smem:$0x3FFE];
	[sflag:s4] =	ssyncadd.remote.s32 @!p0 $0x1  }
0x2c: {  	s27 =	simm.s32 $execute0_lowered;
	[smem:$0x3FD2] =	sst s26  }
0x2d: {  	s5 =	sshll.u32 s27, $0x1;
	_ =	strace $0x80000052;
	[dreg:$0x1] =	wrdreg $0xFFFFFFFF  }
0x2e: {  	s28 =	simm.s32 $_size_execute0_lowered;
	s3 =	sadd.s32 s3, s5;
	[dreg:$0x0] =	wrdreg $0x0  }
0x2f: {  	s5 =	sshll.u32 s28, $0x1;
	[dreg:$0x2] =	wrdreg s3  }
0x30: {  	[dreg:$0x3] =	wrdreg s5  }
0x31: {  	[dreg:$0x4] =	wrdreg $0xC0  }
0x32: {  	_ =	task [dreg:s23], $0x5FFFF  }
0x33: {  	[dreg:$0x1] =	wrdreg $0xFFFFFFFF  }
0x34: {  	[dreg:$0x0] =	wrdreg $0x60  }
0x35: {  	[dreg:$0x2] =	wrdreg s25  }
0x36: {  	[dreg:$0x3] =	wrdreg $0xA  }
0x37: {  	_ =	task.clear_ibuf [dreg:s23], $0x4FFFF;
	_ =	strace $0x90000052  }
0x38: {  	s29 =	simm.s32 $0xA;
	_ =	strace $0x80000054  }
0x39: {  	_ =	swait.ge [sflag:s29], $0x1  }
0x3a: {  	[sflag:s29] =	ssyncadd.s32 $0xFFFFFFFF  }
0x3b: {  	_ =	strace $0x90000054  }
0x3c: {  	_ =	sfence  }
0x3d: {  	s30 =	sld [smem:$0x0];
	_ =	sdelay $0x2  }
0x3e: {  	s31 =	sshll.u32 s1, $0xD;
	s1 =	sshrl.u32 s1, $0x2  }
0x3f: {  	s4 =	sand.u32 $0x4000, s31;
	s1 =	sadd.s32 s1, s30  }
0x40: {  	s0 =	sor.u32 s4, s0;
	s1 =	sshll.u32 s1, $0x11  }
0x41: {  	s0 =	sor.u32 s1, s0  }
0x42: {  	s0 =	sadd.s32 $0x8F2B, s0  }
0x43: {  	[sflag:s0] =	ssyncadd.remote.s32 $0x1  }
0x44: {  	_ =	sfence.sel $0xFFFF  }
0x45: {  	[dreg:$0x0] =	wrdreg $0xFFFFFFFF;
	(pc) =	sbr.abs _section_cstart, $3  }
0x46: {  	[dreg:$0x1] =	wrdreg $0xFFFFFFFF  }
0x47: {  	_ =	task.clear_ibuf [dreg:s23], $0x2FFFF;
	_ =	strace $0x9FFFFFFF  }
0x48: {  	(tm) =	ssettm $0x7FFFFFFF  }
0x49: {  	_ =	shalt  }
tec
execute0_lowered:
.L_overlay_start_1:
0x0: {  	(tag) =	ssettag $0x1  }
0x1: {  	s0 =	srdreg.scid  }
0x2: {  	s4 =	rddreg [dreg:$0x0];
	s1 =	stileid.u32  }
0x3: {  	s5 =	simm.s32 $0x1;
	s7 =	simm.s32 $0x2;
	s0 =	sshll.u32 s0, $0x4  }
0x4: {  	s11 =	simm.s32 $0x0;
	p0 =	por $0x0, $0x0;
	s2 =	sand.u32 $0x10, s0  }
.Ltmp0:
0x5: {  	s8 =	simm.s32 $0xF4400;
	s3 =	sor.u32 s1, s2;
	(pc) =	sbr.rel .LBB1_1-.Ltmp0, $4  }
0x6: {  	s10 =	simm.s32 $0x0;
	s0 =	rddreg [dreg:$0x1];
	s3 =	sshll.u32 s3, $0x7  }
0x7: {  	_ =	strace $0x80000053;
	s2 =	sadd.s32 $0x4600, s4;
	s6 =	ssub.s32 $0x1E800, s3  }
0x8: {  	s4 =	sadd.s32 $0x3D0D600, s4;
	[sflag:s5] =	ssyncpa.u1 $0x0;
	s6 =	sshrl.u32 s6, $0xC  }
0x9: {  	[sflag:s7] =	ssyncpa.u1 $0x0;
	s9 =	smov.u32 s3;
	s7 =	sadd.s32 $0x2, s6  }
.LBB1_5:
0xa: {  	s13 =	sadd.s32 $0x1000, s9  }
0xb: {  	p2 =	sgt.s32 s13, $0x1E847  }
0xc: {  	s13 =	smov.u32 @p2 s3;
	p2 =	sne.s32 s10, s7  }
.Ltmp1:
0xd: {  	p1 =	slt.u32 s10, $0x2;
	(pc) =	sbr.rel @!p2 .LBB1_6-.Ltmp1, $4  }
0xe: {  	s12 =	simm.s32 @!p1 $0x2  }
0xf: {  	s14 =	sadd.s32 $0x1, s10;
	_ =	swait.ge @!p1 [sflag:s12], $0x4000  }
0x10: {  	s11 =	smov.u32 s9;
	p0 =	por !p0, !p0;
	[sflag:s12] =	ssyncset.done @!p1 $0x0  }
0x11: {  	s10 =	smov.u32 s14;
	s9 =	smov.u32 s13;
	[sflag:s12] =	ssyncadd.s32 @!p1 $0xFFFFC000  }
.LBB1_1:
0x12: {  	p1 =	sgt.u32 s10, s6  }
0x13: {  	p2 =	sgt.s32 @!p1 s9, $0x1E7C8  }
0x14: {  	s12 =	smov.u32 s9;
	s13 =	sshra.s32 @!p1 s9, $0x1F;
	p2 =	por !p2, p1  }
0x15: {  	s13 =	sand.u32 @!p1 s13, s9;
	s12 =	simm.s32 @p2 $0x1E7C8  }
0x16: {  	s12 =	ssub.s32 @!p1 s12, s13  }
0x17: {  	s14 =	sxor.u32 @!p1 $0xFFFFFFFF, s10;
	s12 =	sadd.s32 @!p1 $0xFFFE1838, s12  }
0x18: {  	s15 =	simm.s32 @!p1 $0x10;
	s16 =	simm.s32 @!p1 $0x80;
	s13 =	sshll.u32 @!p1 s12, $0x9  }
0x19: {  	p2 =	sgt.s32 @!p1 s12, $0x7F;
	s12 =	ssub.s32 @!p1 $0x10000, s13;
	s13 =	sshll.u32 @!p1 s14, $0xE  }
0x1a: {  	p2 =	por !p2, p1;
	s14 =	sshll.u32 @!p1 s9, $0x7;
	s12 =	sshrl.u32 @!p1 s12, $0x2  }
0x1b: {  	s13 =	sand.u32 @!p1 $0x4000, s13;
	s14 =	sadd.s32 @!p1 s2, s14;
	s12 =	simm.s32 @!p2 $0x0  }
0x1c: {  	[tilespmem:s13], [sflag:$0x1] =	stream.strided.gather @!p1 [hbm4b:s14+s15], s12, s16, s15, $0x38;
	[tilespmem:$0x10100] =	vst v63  }
0x1d: {  	p1 =	seq.s32 s10, $0x0  }
0x1e: {  	p2 =	sge.u32 @!p1 s10, s7  }
0x1f: {  	p1 =	por p1, p2  }
.Ltmp2:
0x20: {  	_ = 	snop;
	(pc) =	sbr.rel @p1 .LBB1_5-.Ltmp2, $1  }
0x21: {  	_ =	sdelay $0x3  }
0x22: {  	p1 =	sgt.s32 s11, $0x1E7C8;
	s12 =	smov.u32 s11;
	s13 =	sshra.s32 s11, $0x1F  }
0x23: {  	s12 =	simm.s32 @!p1 $0x1E7C8;
	s13 =	sand.u32 s13, s11  }
0x24: {  	s12 =	ssub.s32 s12, s13  }
0x25: {  	s12 =	sadd.s32 $0xFFFE1838, s12  }
0x26: {  	s29 =	sshll.u32 s12, $0x9  }
0x27: {  	s13 =	ssub.s32 $0x10000, s29  }
0x28: {  	p1 =	sgt.s32 s12, $0x7F;
	s12 =	sshrl.u32 s13, $0x2  }
0x29: {  	s13 =	simm.s32 $0x1;
	s12 =	simm.s32 @p1 $0x0  }
0x2a: {  	s13 =	simm.s32 @!p0 $0x0;
	_ =	swait.ge [sflag:s5], s12  }
0x2b: {  	s14 =	sshll.u32 s13, $0xE;
	s12 =	ssub.s32 $0x0, s12;
	[sflag:s5] =	ssyncset.done $0x0  }
0x2c: {  	s15 =	sor.u32 $0x40, s14;
	[sflag:s5] =	ssyncadd.s32 s12  }
0x2d: {  	s30 =	smul.u32 $0x10200, s13;
	v0 =	vld [tilespmem:s15+$0x30]  }
0x2e: {  	v1 =	vld [tilespmem:s15+$0xFFFFFFD0]  }
0x2f: {  	s12 =	sshrl.u32 s30, $0x2;
	v5 =	vld [tilespmem:s15+$0xFFFFFFE0]  }
0x30: {  	s13 =	sor.u32 $0x8000, s12;
	v6 =	vld [tilespmem:s15+$0xFFFFFFF0]  }
0x31: {  	s31 =	sand.u32 $0x1, s10;
	v3 =	vld [tilespmem:s15+$0x0];
	s14 =	sadd.s32 $0x0, s13  }
0x32: {  	s12 =	smul.u32 $0x10200, s31;
	v4 =	vld [tilespmem:s15+$0x10];
	[tilespmem:s14+$0x3870 ss:$0x81] =	vst.msk $0xffff, v0  }
0x33: {  	v2 =	vld [tilespmem:s15+$0x20];
	[tilespmem:s14+$0x810 ss:$0x81] =	vst.msk $0xffff, v1  }
0x34: {  	s12 =	sshrl.u32 s12, $0x2;
	v0 =	vld [tilespmem:s15+$0xFFFFFFC0];
	[tilespmem:s14+$0x1020 ss:$0x81] =	vst.msk $0xffff, v5;
	s15 =	sadd.s32 $0x80, s15  }
0x35: {  	s16 =	simm.s32 $0x4;
	s17 =	simm.s32 $0x8;
	s12 =	sor.u32 $0x8000, s12;
	[tilespmem:s14+$0x1830 ss:$0x81] =	vst.msk $0xffff, v6;
	v1 =	vld [tilespmem:s15+$0x30]  }
.LBB1_3:
0x36: {  	p1 =	sne.s32 s17, $0x1FC;
	v5 =	vld [tilespmem:s15+$0xFFFFFFD0];
	[tilespmem:s14+$0x2040 ss:$0x81] =	vst.msk $0xffff, v3  }
0x37: {  	v6 =	vld [tilespmem:s15+$0xFFFFFFE0];
	[tilespmem:s14+$0x2850 ss:$0x81] =	vst.msk $0xffff, v4  }
0x38: {  	s18 =	sshra.s32 s16, $0x2;
	s16 =	smov.u32 s17;
	v7 =	vld [tilespmem:s15+$0xFFFFFFF0];
	[tilespmem:s14+$0x3060 ss:$0x81] =	vst.msk $0xffff, v2  }
.Ltmp3:
0x39: {  	v3 =	vld [tilespmem:s15+$0x0];
	[tilespmem:s14+$0x0 ss:$0x81] =	vst.msk $0xffff, v0;
	s14 =	sadd.s32 s18, s13;
	(pc) =	sbr.rel @p1 .LBB1_3-.Ltmp3, $4  }
0x3a: {  	v4 =	vld [tilespmem:s15+$0x10];
	[tilespmem:s14+$0x3870 ss:$0x81] =	vst.msk $0xffff, v1  }
0x3b: {  	[tilespmem:s14+$0x810 ss:$0x81] =	vst.msk $0xffff, v5;
	v2 =	vld [tilespmem:s15+$0x20]  }
0x3c: {  	v0 =	vld [tilespmem:s15+$0xFFFFFFC0];
	[tilespmem:s14+$0x1020 ss:$0x81] =	vst.msk $0xffff, v6;
	s15 =	sadd.s32 $0x80, s15  }
0x3d: {  	s17 =	sadd.s32 $0x4, s17;
	v1 =	vld [tilespmem:s15+$0x30];
	[tilespmem:s14+$0x1830 ss:$0x81] =	vst.msk $0xffff, v7  }
0x3e: {  	v5 =	vld [tilespmem:s15+$0xFFFFFFD0];
	[tilespmem:s14+$0x2040 ss:$0x81] =	vst.msk $0xffff, v3;
	s17 =	sshll.u32 s11, $0x3  }
0x3f: {  	v58 =	vld [tilespmem:s15+$0xFFFFFFE0];
	[tilespmem:s14+$0x2850 ss:$0x81] =	vst.msk $0xffff, v4;
	s17 =	sand.u32 $0xFFFFFC00, s17  }
0x40: {  	s16 =	sshra.s32 s16, $0x2;
	v59 =	vld [tilespmem:s15+$0xFFFFFFF0];
	[tilespmem:s14+$0x3060 ss:$0x81] =	vst.msk $0xffff, v2;
	s18 =	sshrl.u32 s17, $0x7  }
0x41: {  	v60 =	vld [tilespmem:s15+$0x0];
	s13 =	sadd.s32 s16, s13;
	[tilespmem:s14+$0x0 ss:$0x81] =	vst.msk $0xffff, v0;
	s28 =	smulhi.u32 $0x218A169, s18  }
0x42: {  	v61 =	vld [tilespmem:s15+$0x10];
	[tilespmem:s13+$0x3870 ss:$0x81] =	vst.msk $0xffff, v1  }
0x43: {  	v62 =	vld [tilespmem:s15+$0x20];
	[tilespmem:s13+$0x810 ss:$0x81] =	vst.msk $0xffff, v5;
	s14 =	sshrl.u32 s28, $0x3  }
0x44: {  	v63 =	vld [tilespmem:s15+$0xFFFFFFC0];
	s29 =	sand.u32 $0x7F, s11;
	[tilespmem:s13+$0x1020 ss:$0x81] =	vst.msk $0xffff, v58;
	s30 =	smul.u32 $0x1E880, s14  }
0x45: {  	s11 =	sor.u32 s29, s17;
	[tilespmem:s13+$0x1830 ss:$0x81] =	vst.msk $0xffff, v59  }
.Ltmp4:
0x46: {  	[tilespmem:s13+$0x2040 ss:$0x81] =	vst.msk $0xffff, v60;
	s14 =	sand.u32 $0xF, s14;
	s11 =	ssub.s32 s11, s30;
	(pc) =	sbr.rel .LBB1_5-.Ltmp4, $4  }
0x47: {  	[tilespmem:s13+$0x2850 ss:$0x81] =	vst.msk $0xffff, v61;
	s14 =	smul.u32 $0x3D10, s14;
	s15 =	sshrl.u32 s11, $0x3;
	s11 =	sand.u32 $0x7, s11  }
0x48: {  	[tilespmem:s13+$0x3060 ss:$0x81] =	vst.msk $0xffff, v62;
	s15 =	sadd.s32 s4, s15;
	s11 =	sshll.u32 s11, $0x12  }
0x49: {  	[tilespmem:s13+$0x0 ss:$0x81] =	vst.msk $0xffff, v63;
	s31 =	sadd.s32 s14, s15;
	s11 =	sor.u32 $0x400, s11  }
0x4a: {  	[hbm4b:s31+s11] =	stream.strided.scatter [tilespmem:s12], [sflag:$0x2], $0x4000, s8, s11, $0x20;
	[tilespmem:$0x10100] =	vst v63  }
.LBB1_6:
0x4b: {  	_ =	sfence.sel $0x180000  }
0x4c: {  	s2 =	simm.s32 $0x1;
	[bflag:$0x0] =	sbarrier.arrive $0xFFFF  }
0x4d: {  	s31 =	simm.s32 $0x2;
	[sflag:s2] =	ssyncpa.u1 $0x1  }
0x4e: {  	[sflag:s31] =	ssyncpa.u1 $0x1  }
0x4f: {  	p0 =	sne.s32 s1, $0x0;
	_ =	strace $0x90000053  }
0x50: {  	s0 =	sadd.s32 @!p0 $0x100000, s0;
	[bflag:$0x2] =	sbarrier.arrive $0xFFFF  }
0x51: {  	[sflag:s0] =	ssyncadd.tile.s32 @!p0 $0x1;
	_ =	shalt  }
.Lfunc_end1:
_tile_overlayer_lowered:
.L_overlay_start_2:
0x52: {  	(tag) =	ssettag $0x2  }
0x53: {  	s0 =	rddreg [dreg:$0x0];
	s2 =	stileid.u32  }
0x54: {  	s1 =	rddreg [dreg:$0x1];
	p0 =	sne.s32 s2, $0x0  }
0x55: {  	s3 =	rddreg [dreg:$0x2];
	[bflag:$0x3] =	sbarrier.arrive $0xFFFF;
	s2 =	simm.s32 @!p0 $0x1C01  }
0x56: {  	[timem:s3], [sflag:s2] =	dma.local @!p0 [hbm:s0], s1  }
0x57: {  	s0 =	simm.s32 @!p0 $0x1  }
0x58: {  	_ =	swait.ge @!p0 [sflag:s0], s1  }
0x59: {  	s1 =	ssub.s32 @!p0 $0x0, s1;
	[sflag:s0] =	ssyncset.done @!p0 $0x0  }
0x5a: {  	[sflag:s0] =	ssyncadd.s32 @!p0 s1  }
0x5b: {  	[bflag:$0x3] =	sbarrier.arrive $0xFFFF  }
0x5c: {  	_ =	shalt  }

// kernel: sparse-core-data-format-call.7.cloned.1.call-start
scs
called_computation.7_lowered:
.L_overlay_start_0:
0x0: {  	s2 =	sld [smem:$0x3FD9]  }
0x1: {  	s3 =	sld [smem:$0x3FFE];
	_ =	sdelay $0x1  }
0x2: {  	s1 =	srdreg.scid  }
0x3: {  	s0 =	sand.u32 $0x1, s1  }
0x4: {  	s18 =	sshll.u32 s0, $0xA;
	s2 =	sadd.s32 s3, s2  }
0x5: {  	s2 =	sadd.s32 s2, s18  }
0x6: {  	[smem:$0x3FBC] =	sst s2  }
0x7: {  	_ = 	snop  }
0x8: {  	s2 =	sld [smem:$0x3FC5];
	(tm) =	ssettm $0x1  }
0x9: {  	s19 =	sld [smem:$0x3FFB];
	_ =	sdelay $0x3  }
0xa: {  	_ =	strace s19  }
0xb: {  	s3 =	sld [smem:$0x3FFC];
	_ =	sdelay $0x3  }
0xc: {  	_ =	strace s3  }
0xd: {  	s3 =	sld [smem:$0x3FFD];
	_ =	sdelay $0x3  }
0xe: {  	_ =	strace s3  }
0xf: {  	_ =	strace $0x8FFFFFFF  }
0x10: {  	s20 =	sld [smem:$0x3FDB];
	_ =	sdelay $0x1  }
0x11: {  	s4 =	simm.s32 $_scs_section_size  }
0x12: {  	s5 =	simm.s32 $_size__tile_overlayer_lowered;
	s6 =	simm.s32 $_tile_overlayer_lowered  }
0x13: {  	s23 =	simm.s32 $0x1BFF;
	s22 =	sshll.u32 s6, $0x1;
	s3 =	sadd.s32 s4, s20  }
0x14: {  	s7 =	simm.s32 $0x0;
	s21 =	sshll.u32 s5, $0x1;
	s5 =	sadd.s32 s22, s3  }
0x15: {  	[timem:s7], [sflag:s23] =	dma.local [hbm:s5], s21  }
0x16: {  	_ =	swait.ge [sflag:s23], s21  }
0x17: {  	s4 =	ssub.s32 $0x0, s21;
	[sflag:s23] =	ssyncset.done $0x0  }
0x18: {  	[sflag:s23] =	ssyncadd.s32 s4;
	_ =	sdelay $0x1  }
0x19: {  	s24 =	simm.s32 $0x1B8B  }
0x1a: {  	_ =	swait.ge [sflag:s24], $0x1  }
0x1b: {  	[sflag:s24] =	ssyncset.done $0x0  }
0x1c: {  	s26 =	simm.s32 $0x1B8E;
	s25 =	sld [smem:$0x3FFE];
	[sflag:s24] =	ssyncadd.s32 $0xFFFFFFFF  }
0x1d: {  	s27 =	simm.s32 $execute0_lowered;
	[smem:$0x3FD2] =	sst s26  }
0x1e: {  	s5 =	sshll.u32 s27, $0x1;
	_ =	strace $0x80000046;
	[dreg:$0x1] =	wrdreg $0xFFFFFFFF  }
0x1f: {  	s28 =	simm.s32 $_size_execute0_lowered;
	s3 =	sadd.s32 s3, s5;
	[dreg:$0x0] =	wrdreg $0x0  }
0x20: {  	s5 =	sshll.u32 s28, $0x1;
	[dreg:$0x2] =	wrdreg s3  }
0x21: {  	[dreg:$0x3] =	wrdreg s5  }
0x22: {  	[dreg:$0x4] =	wrdreg $0xC0  }
0x23: {  	_ =	task [dreg:s7], $0x5FFFF  }
0x24: {  	[dreg:$0x1] =	wrdreg $0xFFFFFFFF  }
0x25: {  	[dreg:$0x0] =	wrdreg $0x60  }
0x26: {  	[dreg:$0x2] =	wrdreg s2  }
0x27: {  	[dreg:$0x3] =	wrdreg s25  }
0x28: {  	[dreg:$0x4] =	wrdreg $0xA  }
0x29: {  	_ =	task.clear_ibuf [dreg:s7], $0x5FFFF;
	_ =	strace $0x90000046  }
0x2a: {  	s29 =	simm.s32 $0xA;
	_ =	strace $0x80000048  }
0x2b: {  	_ =	swait.ge [sflag:s29], $0x1  }
0x2c: {  	[sflag:s29] =	ssyncadd.s32 $0xFFFFFFFF  }
0x2d: {  	_ =	strace $0x90000048  }
0x2e: {  	_ =	sfence  }
0x2f: {  	s30 =	sld [smem:$0x0];
	_ =	sdelay $0x2  }
0x30: {  	s31 =	sshll.u32 s1, $0xD;
	s1 =	sshrl.u32 s1, $0x2  }
0x31: {  	s3 =	sand.u32 $0x4000, s31;
	s1 =	sadd.s32 s1, s30  }
0x32: {  	s0 =	sor.u32 s3, s0;
	s1 =	sshll.u32 s1, $0x11  }
0x33: {  	s0 =	sor.u32 s1, s0  }
0x34: {  	s0 =	sadd.s32 $0x8F2B, s0  }
0x35: {  	[sflag:s0] =	ssyncadd.remote.s32 $0x1  }
0x36: {  	_ =	sfence.sel $0xFFFF  }
0x37: {  	[dreg:$0x0] =	wrdreg $0xFFFFFFFF;
	(pc) =	sbr.abs _section_cstart, $3  }
0x38: {  	[dreg:$0x1] =	wrdreg $0xFFFFFFFF  }
0x39: {  	_ =	task.clear_ibuf [dreg:s7], $0x2FFFF;
	_ =	strace $0x9FFFFFFF  }
0x3a: {  	(tm) =	ssettm $0x7FFFFFFF  }
0x3b: {  	_ =	shalt  }
tec
execute0_lowered:
.L_overlay_start_1:
0x0: {  	(tag) =	ssettag $0x1  }
0x1: {  	s0 =	srdreg.scid;
	s2 =	rddreg [dreg:$0x0]  }
0x2: {  	s5 =	rddreg [dreg:$0x1];
	s1 =	stileid.u32  }
0x3: {  	s4 =	simm.s32 $0x1;
	s6 =	simm.s32 $0x2;
	s15 =	simm.s32 $0x0  }
0x4: {  	p0 =	por $0x0, $0x0;
	s8 =	simm.s32 $0x80;
	s0 =	sshll.u32 s0, $0x4  }
0x5: {  	s14 =	simm.s32 $0x0;
	s9 =	simm.s32 $0x0;
	s3 =	sand.u32 $0x10, s0  }
.Ltmp0:
0x6: {  	s10 =	simm.s32 $0x0;
	s3 =	sor.u32 s1, s3;
	(pc) =	sbr.rel .LBB1_1-.Ltmp0, $4  }
0x7: {  	s0 =	rddreg [dreg:$0x2];
	_ =	strace $0x80000047;
	s3 =	sshll.u32 s3, $0x7  }
0x8: {  	s12 =	simm.s32 $0x0;
	[sflag:s4] =	ssyncpa.u1 $0x0;
	s7 =	ssub.s32 $0xF4200, s3  }
0x9: {  	s13 =	simm.s32 $0x0;
	[sflag:s6] =	ssyncpa.u1 $0x0;
	s6 =	sshrl.u32 s7, $0xC  }
0xa: {  	s5 =	sadd.s32 $0x4600, s5;
	s11 =	smov.u32 s3;
	s7 =	sadd.s32 $0x2, s6  }
.LBB1_5:
0xb: {  	p1 =	slt.u32 s13, $0x2  }
0xc: {  	s17 =	smov.u32 s15;
	p2 =	sgt.s32 @!p1 s15, $0xF41C0;
	s16 =	sshra.s32 @!p1 s15, $0x1F  }
0xd: {  	p3 =	sgt.s32 @!p1 s14, $0x70;
	s18 =	sshra.s32 @!p1 s14, $0x1F;
	p2 =	por !p2, p1  }
0xe: {  	s15 =	sand.u32 @!p1 s16, s15;
	p3 =	por !p3, p1;
	s16 =	smov.u32 s14  }
0xf: {  	s14 =	sand.u32 @!p1 s18, s14;
	s17 =	simm.s32 @p2 $0xF41C0;
	s16 =	simm.s32 @p3 $0x70  }
0x10: {  	s15 =	ssub.s32 @!p1 s17, s15;
	s14 =	ssub.s32 @!p1 s16, s14  }
0x11: {  	s18 =	smov.u32 s12;
	s16 =	sadd.s32 @!p1 $0xFFF0BE40, s15;
	s17 =	sadd.s32 @!p1 $0xFFFFFF90, s14  }
0x12: {  	s15 =	ssub.s32 @!p1 $0xF4240, s15;
	p2 =	sgt.s32 @!p1 s16, $0x7F;
	p3 =	sgt.s32 @!p1 s17, $0xF  }
0x13: {  	s14 =	ssub.s32 @!p1 $0x80, s14;
	p2 =	por !p2, p1;
	p3 =	por !p3, p1  }
0x14: {  	s16 =	sadd.s32 $0x1000, s11;
	s15 =	simm.s32 @!p2 $0x0;
	s14 =	simm.s32 @!p3 $0x0  }
0x15: {  	p2 =	sgt.s32 s16, $0xF423F;
	s14 =	smul.u32 @!p1 s14, s15;
	s15 =	sadd.s32 $0x10, s12  }
0x16: {  	s18 =	smov.u32 @p2 s15  }
0x17: {  	s16 =	smov.u32 @p2 s3;
	p2 =	sgt.s32 s18, $0xF  }
0x18: {  	s18 =	simm.s32 @p2 $0x0;
	p2 =	sne.s32 s13, s7  }
.Ltmp1:
0x19: {  	p0 =	por !p0, !p0;
	s17 =	simm.s32 @!p1 $0x2;
	(pc) =	sbr.rel @!p2 .LBB1_6-.Ltmp1, $4  }
0x1a: {  	s15 =	smov.u32 s9;
	s9 =	smov.u32 s11;
	s14 =	sand.u32 @!p1 $0x3FFFFFFF, s14  }
0x1b: {  	s11 =	smov.u32 s16;
	_ =	swait.ge @!p1 [sflag:s17], s14;
	s19 =	ssub.s32 @!p1 $0x0, s14  }
0x1c: {  	s14 =	smov.u32 s10;
	s13 =	sadd.s32 $0x1, s13;
	[sflag:s17] =	ssyncset.done @!p1 $0x0  }
0x1d: {  	s10 =	smov.u32 s12;
	s12 =	smov.u32 s18;
	[sflag:s17] =	ssyncadd.s32 @!p1 s19  }
.LBB1_1:
0x1e: {  	p1 =	sgt.u32 s13, s6  }
0x1f: {  	s16 =	sshrl.u32 @!p1 s12, $0x3  }
0x20: {  	s17 =	sshll.u32 @!p1 s11, $0x3;
	s16 =	smul.u32 @!p1 $0x7A1400, s16  }
0x21: {  	s18 =	sshll.u32 @!p1 s12, $0x7;
	s17 =	sand.u32 @!p1 $0xFFFFFC00, s17  }
0x22: {  	s16 =	sadd.s32 @!p1 s16, s17;
	s17 =	sand.u32 @!p1 $0x380, s18  }
0x23: {  	s18 =	sand.u32 @!p1 $0x7F, s11;
	s16 =	sor.u32 @!p1 s17, s16  }
0x24: {  	s17 =	sor.u32 @!p1 s18, s16  }
0x25: {  	s18 =	smulhi.u32 @!p1 $0x218D6287, s17;
	_ =	sdelay $0x1  }
0x26: {  	s16 =	smulhi.u32 @!p1 $0x218D6287, s16;
	s18 =	sshrl.u32 @!p1 s18, $0x11  }
0x27: {  	s18 =	smul.u32 @!p1 $0xF4280, s18  }
0x28: {  	s19 =	sxor.u32 @!p1 $0xFFFFFFFF, s13;
	s16 =	sshrl.u32 @!p1 s16, $0x11  }
0x29: {  	s19 =	sshll.u32 @!p1 s19, $0xB;
	s16 =	sand.u32 @!p1 $0xF, s16;
	s17 =	ssub.s32 @!p1 s17, s18  }
0x2a: {  	s16 =	smul.u32 @!p1 $0x1E850, s16;
	s18 =	sshrl.u32 @!p1 s17, $0x3;
	s17 =	sand.u32 @!p1 $0x7, s17  }
0x2b: {  	s19 =	sand.u32 @!p1 $0x800, s19;
	s18 =	sadd.s32 @!p1 s2, s18;
	s17 =	sshll.u32 @!p1 s17, $0x12  }
0x2c: {  	s16 =	sadd.s32 @!p1 s16, s18;
	s17 =	sor.u32 @!p1 $0x400, s17;
	s18 =	simm.s32 @!p1 $0x7A1400  }
0x2d: {  	[tilespmem:s19], [sflag:$0x1] =	stream.strided.gather @!p1 [hbm4b:s16+s17], $0x800, s18, s17, $0x38;
	[tilespmem:$0x2100] =	vst v63  }
0x2e: {  	p1 =	seq.s32 s13, $0x0  }
0x2f: {  	p2 =	sge.u32 @!p1 s13, s7  }
0x30: {  	p1 =	por p1, p2  }
.Ltmp2:
0x31: {  	_ = 	snop;
	(pc) =	sbr.rel @p1 .LBB1_5-.Ltmp2, $1  }
0x32: {  	_ =	sdelay $0x3  }
0x33: {  	s16 =	simm.s32 $0x1  }
0x34: {  	_ =	swait.ge [sflag:s4], $0x800;
	s16 =	simm.s32 @!p0 $0x0  }
0x35: {  	[sflag:s4] =	ssyncset.done $0x0;
	s17 =	sshll.u32 s16, $0xB  }
0x36: {  	[sflag:s4] =	ssyncadd.s32 $0xFFFFF800;
	s17 =	sor.u32 $0x40, s17  }
0x37: {  	s16 =	smul.u32 $0x2200, s16;
	v0 =	vld [tilespmem:s17+$0x30]  }
0x38: {  	v1 =	vld [tilespmem:s17+$0xFFFFFFD0]  }
0x39: {  	s16 =	sshrl.u32 s16, $0x2;
	v5 =	vld [tilespmem:s17+$0xFFFFFFE0]  }
0x3a: {  	v6 =	vld [tilespmem:s17+$0xFFFFFFF0];
	s19 =	sor.u32 $0x1000, s16  }
0x3b: {  	s31 =	sand.u32 $0x1, s13;
	v4 =	vld [tilespmem:s17+$0x0];
	s18 =	sadd.s32 $0x0, s19  }
0x3c: {  	v3 =	vld [tilespmem:s17+$0x10];
	s16 =	smul.u32 $0x2200, s31;
	[tilespmem:s18+$0x770 ss:$0x11] =	vst.msk $0xffff, v0  }
0x3d: {  	v2 =	vld [tilespmem:s17+$0x20];
	[tilespmem:s18+$0x110 ss:$0x11] =	vst.msk $0xffff, v1  }
0x3e: {  	s16 =	sshrl.u32 s16, $0x2;
	v1 =	vld [tilespmem:s17+$0xFFFFFFC0];
	[tilespmem:s18+$0x220 ss:$0x11] =	vst.msk $0xffff, v5;
	s17 =	sadd.s32 $0x80, s17  }
0x3f: {  	s20 =	simm.s32 $0x4;
	s21 =	simm.s32 $0x8;
	s16 =	sor.u32 $0x1000, s16;
	[tilespmem:s18+$0x330 ss:$0x11] =	vst.msk $0xffff, v6;
	v0 =	vld [tilespmem:s17+$0x30]  }
.LBB1_3:
0x40: {  	p1 =	sne.s32 s21, $0x3C;
	v5 =	vld [tilespmem:s17+$0xFFFFFFD0];
	[tilespmem:s18+$0x440 ss:$0x11] =	vst.msk $0xffff, v4  }
0x41: {  	v6 =	vld [tilespmem:s17+$0xFFFFFFE0];
	[tilespmem:s18+$0x550 ss:$0x11] =	vst.msk $0xffff, v3  }
0x42: {  	s22 =	sshra.s32 s20, $0x2;
	s20 =	smov.u32 s21;
	v7 =	vld [tilespmem:s17+$0xFFFFFFF0];
	[tilespmem:s18+$0x660 ss:$0x11] =	vst.msk $0xffff, v2  }
.Ltmp3:
0x43: {  	v4 =	vld [tilespmem:s17+$0x0];
	[tilespmem:s18+$0x0 ss:$0x11] =	vst.msk $0xffff, v1;
	s18 =	sadd.s32 s22, s19;
	(pc) =	sbr.rel @p1 .LBB1_3-.Ltmp3, $4  }
0x44: {  	v3 =	vld [tilespmem:s17+$0x10];
	[tilespmem:s18+$0x770 ss:$0x11] =	vst.msk $0xffff, v0  }
0x45: {  	[tilespmem:s18+$0x110 ss:$0x11] =	vst.msk $0xffff, v5;
	v2 =	vld [tilespmem:s17+$0x20]  }
0x46: {  	v1 =	vld [tilespmem:s17+$0xFFFFFFC0];
	[tilespmem:s18+$0x220 ss:$0x11] =	vst.msk $0xffff, v6;
	s17 =	sadd.s32 $0x80, s17  }
0x47: {  	s21 =	sadd.s32 $0x4, s21;
	v0 =	vld [tilespmem:s17+$0x30];
	[tilespmem:s18+$0x330 ss:$0x11] =	vst.msk $0xffff, v7  }
0x48: {  	s21 =	sshll.u32 s9, $0x7;
	s22 =	sshll.u32 s10, $0x3;
	s20 =	sshra.s32 s20, $0x2  }
0x49: {  	p1 =	sgt.s32 s9, $0xF41C0;
	s30 =	sshra.s32 s9, $0x1F;
	s25 =	sshra.s32 s10, $0x1F  }
0x4a: {  	v5 =	vld [tilespmem:s17+$0xFFFFFFD0];
	s28 =	sshrl.u32 s10, $0x3;
	s23 =	sand.u32 $0xFFFFFC00, s21;
	s22 =	sand.u32 $0xFFFFFC00, s22  }
0x4b: {  	[tilespmem:s18+$0x440 ss:$0x11] =	vst.msk $0xffff, v4;
	v58 =	vld [tilespmem:s17+$0xFFFFFFE0];
	s21 =	sand.u32 $0x380, s21;
	s19 =	sadd.s32 s20, s19;
	s22 =	sadd.s32 s22, s23  }
0x4c: {  	v59 =	vld [tilespmem:s17+$0xFFFFFFF0];
	[tilespmem:s18+$0x550 ss:$0x11] =	vst.msk $0xffff, v3;
	s29 =	sor.u32 s21, s22;
	s21 =	smov.u32 s9;
	s22 =	sand.u32 s30, s9  }
0x4d: {  	v60 =	vld [tilespmem:s17+$0x0];
	[tilespmem:s18+$0x660 ss:$0x11] =	vst.msk $0xffff, v2;
	s30 =	sand.u32 $0x7, s10;
	s20 =	sshrl.u32 s29, $0x7;
	s21 =	simm.s32 @!p1 $0xF41C0  }
0x4e: {  	v61 =	vld [tilespmem:s17+$0x10];
	[tilespmem:s18+$0x0 ss:$0x11] =	vst.msk $0xffff, v1;
	p1 =	sgt.s32 s10, $0x70;
	s24 =	ssub.s32 s21, s22;
	s21 =	smov.u32 s10  }
0x4f: {  	v62 =	vld [tilespmem:s17+$0x20];
	[tilespmem:s19+$0x770 ss:$0x11] =	vst.msk $0xffff, v0;
	s31 =	smulhi.u32 $0x218DEF5, s20;
	s22 =	sand.u32 s25, s10;
	s21 =	simm.s32 @!p1 $0x70  }
0x50: {  	v63 =	vld [tilespmem:s17+$0xFFFFFFC0];
	[tilespmem:s19+$0x110 ss:$0x11] =	vst.msk $0xffff, v5;
	s26 =	sadd.s32 $0xFFF0BE40, s24;
	s17 =	ssub.s32 $0xF4240, s24;
	s21 =	ssub.s32 s21, s22  }
0x51: {  	[tilespmem:s19+$0x220 ss:$0x11] =	vst.msk $0xffff, v58;
	s23 =	sshrl.u32 s31, $0xD;
	p1 =	sgt.s32 s26, $0x7F;
	s27 =	sadd.s32 $0xFFFFFF90, s21  }
0x52: {  	[tilespmem:s19+$0x330 ss:$0x11] =	vst.msk $0xffff, v59;
	s23 =	smul.u32 $0xF4240, s23;
	s18 =	ssub.s32 $0x80, s21;
	p2 =	sgt.s32 s27, $0xF  }
.Ltmp4:
0x53: {  	[tilespmem:s19+$0x440 ss:$0x11] =	vst.msk $0xffff, v60;
	s17 =	simm.s32 @p1 $0x0;
	s18 =	simm.s32 @p2 $0x0;
	(pc) =	sbr.rel .LBB1_5-.Ltmp4, $4  }
0x54: {  	s29 =	sand.u32 $0xF, s28;
	[tilespmem:s19+$0x550 ss:$0x11] =	vst.msk $0xffff, v61;
	s20 =	ssub.s32 s20, s23;
	s17 =	smul.u32 s18, s17  }
0x55: {  	[tilespmem:s19+$0x660 ss:$0x11] =	vst.msk $0xffff, v62;
	s21 =	sshll.u32 s30, $0x12;
	s20 =	sshll.u32 s20, $0x4;
	s18 =	sadd.s32 s5, s29  }
0x56: {  	[tilespmem:s19+$0x0 ss:$0x11] =	vst.msk $0xffff, v63;
	s31 =	sor.u32 $0x10, s21;
	s18 =	sadd.s32 s20, s18;
	s17 =	sand.u32 $0x3FFFFFFF, s17  }
0x57: {  	[hbm4b:s18+s31] =	stream.strided.scatter [tilespmem:s16], [sflag:$0x2], s17, s8, s31, $0x8;
	[tilespmem:$0x2100] =	vst v63  }
.LBB1_6:
0x58: {  	_ =	sfence.sel $0x180000  }
0x59: {  	s2 =	simm.s32 $0x1;
	[bflag:$0x0] =	sbarrier.arrive $0xFFFF  }
0x5a: {  	s31 =	simm.s32 $0x2;
	[sflag:s2] =	ssyncpa.u1 $0x1  }
0x5b: {  	[sflag:s31] =	ssyncpa.u1 $0x1  }
0x5c: {  	p0 =	sne.s32 s1, $0x0;
	_ =	strace $0x90000047  }
0x5d: {  	s0 =	sadd.s32 @!p0 $0x100000, s0;
	[bflag:$0x2] =	sbarrier.arrive $0xFFFF  }
0x5e: {  	[sflag:s0] =	ssyncadd.tile.s32 @!p0 $0x1;
	_ =	shalt  }
.Lfunc_end1:
_tile_overlayer_lowered:
.L_overlay_start_2:
0x5f: {  	(tag) =	ssettag $0x2  }
0x60: {  	s0 =	rddreg [dreg:$0x0];
	s2 =	stileid.u32  }
0x61: {  	s1 =	rddreg [dreg:$0x1];
	p0 =	sne.s32 s2, $0x0  }
0x62: {  	s3 =	rddreg [dreg:$0x2];
	[bflag:$0x3] =	sbarrier.arrive $0xFFFF;
	s2 =	simm.s32 @!p0 $0x1C01  }
0x63: {  	[timem:s3], [sflag:s2] =	dma.local @!p0 [hbm:s0], s1  }
0x64: {  	s0 =	simm.s32 @!p0 $0x1  }
0x65: {  	_ =	swait.ge @!p0 [sflag:s0], s1  }
0x66: {  	s1 =	ssub.s32 @!p0 $0x0, s1;
	[sflag:s0] =	ssyncset.done @!p0 $0x0  }
0x67: {  	[sflag:s0] =	ssyncadd.s32 @!p0 s1  }
0x68: {  	[bflag:$0x3] =	sbarrier.arrive $0xFFFF  }
0x69: {  	_ =	shalt  }

// kernel: sparse-core-data-format-call.cloned.1.call-start
scs
called_computation_lowered:
.L_overlay_start_0:
0x0: {  	s2 =	sld [smem:$0x3FD9]  }
0x1: {  	s3 =	sld [smem:$0x3FFE];
	_ =	sdelay $0x1  }
0x2: {  	s1 =	srdreg.scid  }
0x3: {  	s0 =	sand.u32 $0x1, s1  }
0x4: {  	s18 =	sshll.u32 s0, $0xA;
	s2 =	sadd.s32 s3, s2  }
0x5: {  	s2 =	sadd.s32 s2, s18  }
0x6: {  	[smem:$0x3FBC] =	sst s2  }
0x7: {  	_ = 	snop  }
0x8: {  	(tm) =	ssettm $0x1  }
0x9: {  	s19 =	sld [smem:$0x3FFB];
	_ =	sdelay $0x3  }
0xa: {  	_ =	strace s19  }
0xb: {  	s2 =	sld [smem:$0x3FFC];
	_ =	sdelay $0x3  }
0xc: {  	_ =	strace s2  }
0xd: {  	s2 =	sld [smem:$0x3FFD];
	_ =	sdelay $0x3  }
0xe: {  	_ =	strace s2  }
0xf: {  	_ =	strace $0x8FFFFFFF  }
0x10: {  	s20 =	sld [smem:$0x3FDB];
	_ =	sdelay $0x1  }
0x11: {  	s21 =	simm.s32 $_scs_section_size  }
0x12: {  	s4 =	simm.s32 $_size__tile_overlayer_lowered;
	s5 =	simm.s32 $_tile_overlayer_lowered  }
0x13: {  	s6 =	simm.s32 $0x1BFF;
	s22 =	sshll.u32 s5, $0x1;
	s3 =	sadd.s32 s21, s20  }
0x14: {  	s23 =	simm.s32 $0x0;
	s4 =	sshll.u32 s4, $0x1;
	s5 =	sadd.s32 s22, s3  }
0x15: {  	[timem:s23], [sflag:s6] =	dma.local [hbm:s5], s4  }
0x16: {  	_ =	swait.ge [sflag:s6], s4  }
0x17: {  	s4 =	ssub.s32 $0x0, s4;
	[sflag:s6] =	ssyncset.done $0x0  }
0x18: {  	[sflag:s6] =	ssyncadd.s32 s4;
	_ =	sdelay $0x1  }
0x19: {  	s24 =	simm.s32 $0x1B8B  }
0x1a: {  	_ =	swait.ge [sflag:s24], $0x1  }
0x1b: {  	[sflag:s24] =	ssyncset.done $0x0  }
0x1c: {  	[sflag:s24] =	ssyncadd.s32 $0xFFFFFFFF  }
0x1d: {  	s4 =	sld [smem:$0x0]  }
0x1e: {  	s5 =	sand.u32 $0xFFFFFFFE, s1  }
0x1f: {  	p0 =	sne.s32 s1, s5  }
0x20: {  	s5 =	sshll.u32 @p0 s5, $0xE  }
0x21: {  	s5 =	sadd.s32 @p0 $0x11B8D, s5;
	s6 =	sshll.u32 @p0 s4, $0x11  }
0x22: {  	s5 =	sor.u32 @p0 s6, s5  }
0x23: {  	[sflag:s5] =	ssyncadd.remote.s32 @p0 $0x1;
	_ =	sdelay $0x1  }
0x24: {  	s5 =	simm.s32 @p0 $0x1B8D  }
0x25: {  	_ =	swait.eq @p0 [sflag:s5], $0x1  }
0x26: {  	[sflag:s5] =	ssyncadd.s32 @p0 $0xFFFFFFFF  }
0x27: {  	s6 =	sshll.u32 @!p0 s1, $0xE  }
0x28: {  	s6 =	sor.u32 @!p0 $0x4000, s6;
	s5 =	simm.s32 @!p0 $0x1B8D  }
0x29: {  	s4 =	sshll.u32 @!p0 s4, $0x11;
	s6 =	sadd.s32 @!p0 $0x11B8D, s6;
	_ =	swait.eq @!p0 [sflag:s5], $0x1  }
0x2a: {  	s4 =	sor.u32 @!p0 s4, s6;
	[sflag:s5] =	ssyncadd.s32 @!p0 $0xFFFFFFFF  }
0x2b: {  	s26 =	simm.s32 $0x1B8E;
	s25 =	sld [smem:$0x3FFE];
	[sflag:s4] =	ssyncadd.remote.s32 @!p0 $0x1  }
0x2c: {  	s27 =	simm.s32 $execute0_lowered;
	[smem:$0x3FD2] =	sst s26  }
0x2d: {  	s5 =	sshll.u32 s27, $0x1;
	_ =	strace $0x8000005B;
	[dreg:$0x1] =	wrdreg $0xFFFFFFFF  }
0x2e: {  	s28 =	simm.s32 $_size_execute0_lowered;
	s3 =	sadd.s32 s3, s5;
	[dreg:$0x0] =	wrdreg $0x0  }
0x2f: {  	s5 =	sshll.u32 s28, $0x1;
	[dreg:$0x2] =	wrdreg s3  }
0x30: {  	[dreg:$0x3] =	wrdreg s5  }
0x31: {  	[dreg:$0x4] =	wrdreg $0xC0  }
0x32: {  	_ =	task [dreg:s23], $0x5FFFF  }
0x33: {  	[dreg:$0x1] =	wrdreg $0xFFFFFFFF  }
0x34: {  	[dreg:$0x0] =	wrdreg $0x60  }
0x35: {  	[dreg:$0x2] =	wrdreg s25  }
0x36: {  	[dreg:$0x3] =	wrdreg $0x9  }
0x37: {  	_ =	task.clear_ibuf [dreg:s23], $0x4FFFF;
	_ =	strace $0x9000005B  }
0x38: {  	s29 =	simm.s32 $0x9;
	_ =	strace $0x8000005D  }
0x39: {  	_ =	swait.ge [sflag:s29], $0x1  }
0x3a: {  	[sflag:s29] =	ssyncadd.s32 $0xFFFFFFFF  }
0x3b: {  	_ =	strace $0x9000005D  }
0x3c: {  	_ =	sfence  }
0x3d: {  	s30 =	sld [smem:$0x0];
	_ =	sdelay $0x2  }
0x3e: {  	s31 =	sshll.u32 s1, $0xD;
	s1 =	sshrl.u32 s1, $0x2  }
0x3f: {  	s4 =	sand.u32 $0x4000, s31;
	s1 =	sadd.s32 s1, s30  }
0x40: {  	s0 =	sor.u32 s4, s0;
	s1 =	sshll.u32 s1, $0x11  }
0x41: {  	s0 =	sor.u32 s1, s0  }
0x42: {  	s0 =	sadd.s32 $0x8F2B, s0  }
0x43: {  	[sflag:s0] =	ssyncadd.remote.s32 $0x1  }
0x44: {  	_ =	sfence.sel $0xFFFF  }
0x45: {  	[dreg:$0x0] =	wrdreg $0xFFFFFFFF;
	(pc) =	sbr.abs _section_cstart, $3  }
0x46: {  	[dreg:$0x1] =	wrdreg $0xFFFFFFFF  }
0x47: {  	_ =	task.clear_ibuf [dreg:s23], $0x2FFFF;
	_ =	strace $0x9FFFFFFF  }
0x48: {  	(tm) =	ssettm $0x7FFFFFFF  }
0x49: {  	_ =	shalt  }
tec
execute0_lowered:
.L_overlay_start_1:
0x0: {  	(tag) =	ssettag $0x1  }
0x1: {  	s0 =	srdreg.scid  }
0x2: {  	s4 =	rddreg [dreg:$0x0];
	s1 =	stileid.u32  }
0x3: {  	s5 =	simm.s32 $0x1;
	s7 =	simm.s32 $0x2;
	s0 =	sshll.u32 s0, $0x4  }
0x4: {  	s11 =	simm.s32 $0x0;
	p0 =	por $0x0, $0x0;
	s2 =	sand.u32 $0x10, s0  }
.Ltmp0:
0x5: {  	s8 =	simm.s32 $0xF4400;
	s3 =	sor.u32 s1, s2;
	(pc) =	sbr.rel .LBB1_1-.Ltmp0, $4  }
0x6: {  	s0 =	rddreg [dreg:$0x1];
	_ =	strace $0x8000005C;
	s3 =	sshll.u32 s3, $0x7  }
0x7: {  	s10 =	simm.s32 $0x0;
	s2 =	sadd.s32 $0x2DCB200, s4;
	s6 =	ssub.s32 $0x1E800, s3  }
0x8: {  	s4 =	sadd.s32 $0x42C6E00, s4;
	[sflag:s5] =	ssyncpa.u1 $0x0;
	s6 =	sshrl.u32 s6, $0xC  }
0x9: {  	[sflag:s7] =	ssyncpa.u1 $0x0;
	s9 =	smov.u32 s3;
	s7 =	sadd.s32 $0x2, s6  }
.LBB1_5:
0xa: {  	s13 =	sadd.s32 $0x1000, s9  }
0xb: {  	p2 =	sgt.s32 s13, $0x1E847  }
0xc: {  	s13 =	smov.u32 @p2 s3;
	p2 =	sne.s32 s10, s7  }
.Ltmp1:
0xd: {  	p1 =	slt.u32 s10, $0x2;
	(pc) =	sbr.rel @!p2 .LBB1_6-.Ltmp1, $4  }
0xe: {  	s12 =	simm.s32 @!p1 $0x2  }
0xf: {  	s14 =	sadd.s32 $0x1, s10;
	_ =	swait.ge @!p1 [sflag:s12], $0x4000  }
0x10: {  	s11 =	smov.u32 s9;
	p0 =	por !p0, !p0;
	[sflag:s12] =	ssyncset.done @!p1 $0x0  }
0x11: {  	s10 =	smov.u32 s14;
	s9 =	smov.u32 s13;
	[sflag:s12] =	ssyncadd.s32 @!p1 $0xFFFFC000  }
.LBB1_1:
0x12: {  	p1 =	sgt.u32 s10, s6  }
0x13: {  	p2 =	sgt.s32 @!p1 s9, $0x1E7C8  }
0x14: {  	s12 =	smov.u32 s9;
	s13 =	sshra.s32 @!p1 s9, $0x1F;
	p2 =	por !p2, p1  }
0x15: {  	s13 =	sand.u32 @!p1 s13, s9;
	s12 =	simm.s32 @p2 $0x1E7C8  }
0x16: {  	s12 =	ssub.s32 @!p1 s12, s13  }
0x17: {  	s14 =	sxor.u32 @!p1 $0xFFFFFFFF, s10;
	s12 =	sadd.s32 @!p1 $0xFFFE1838, s12  }
0x18: {  	s15 =	simm.s32 @!p1 $0x10;
	s16 =	simm.s32 @!p1 $0x80;
	s13 =	sshll.u32 @!p1 s12, $0x9  }
0x19: {  	p2 =	sgt.s32 @!p1 s12, $0x7F;
	s12 =	ssub.s32 @!p1 $0x10000, s13;
	s13 =	sshll.u32 @!p1 s14, $0xE  }
0x1a: {  	p2 =	por !p2, p1;
	s14 =	sshll.u32 @!p1 s9, $0x7;
	s12 =	sshrl.u32 @!p1 s12, $0x2  }
0x1b: {  	s13 =	sand.u32 @!p1 $0x4000, s13;
	s14 =	sadd.s32 @!p1 s2, s14;
	s12 =	simm.s32 @!p2 $0x0  }
0x1c: {  	[tilespmem:s13], [sflag:$0x1] =	stream.strided.gather @!p1 [hbm4b:s14+s15], s12, s16, s15, $0x38;
	[tilespmem:$0x10100] =	vst v63  }
0x1d: {  	p1 =	seq.s32 s10, $0x0  }
0x1e: {  	p2 =	sge.u32 @!p1 s10, s7  }
0x1f: {  	p1 =	por p1, p2  }
.Ltmp2:
0x20: {  	_ = 	snop;
	(pc) =	sbr.rel @p1 .LBB1_5-.Ltmp2, $1  }
0x21: {  	_ =	sdelay $0x3  }
0x22: {  	p1 =	sgt.s32 s11, $0x1E7C8;
	s12 =	smov.u32 s11;
	s13 =	sshra.s32 s11, $0x1F  }
0x23: {  	s12 =	simm.s32 @!p1 $0x1E7C8;
	s13 =	sand.u32 s13, s11  }
0x24: {  	s12 =	ssub.s32 s12, s13  }
0x25: {  	s12 =	sadd.s32 $0xFFFE1838, s12  }
0x26: {  	s29 =	sshll.u32 s12, $0x9  }
0x27: {  	s13 =	ssub.s32 $0x10000, s29  }
0x28: {  	p1 =	sgt.s32 s12, $0x7F;
	s12 =	sshrl.u32 s13, $0x2  }
0x29: {  	s13 =	simm.s32 $0x1;
	s12 =	simm.s32 @p1 $0x0  }
0x2a: {  	s13 =	simm.s32 @!p0 $0x0;
	_ =	swait.ge [sflag:s5], s12  }
0x2b: {  	s14 =	sshll.u32 s13, $0xE;
	s12 =	ssub.s32 $0x0, s12;
	[sflag:s5] =	ssyncset.done $0x0  }
0x2c: {  	s15 =	sor.u32 $0x40, s14;
	[sflag:s5] =	ssyncadd.s32 s12  }
0x2d: {  	s30 =	smul.u32 $0x10200, s13;
	v0 =	vld [tilespmem:s15+$0x30]  }
0x2e: {  	v1 =	vld [tilespmem:s15+$0xFFFFFFD0]  }
0x2f: {  	s12 =	sshrl.u32 s30, $0x2;
	v5 =	vld [tilespmem:s15+$0xFFFFFFE0]  }
0x30: {  	s13 =	sor.u32 $0x8000, s12;
	v6 =	vld [tilespmem:s15+$0xFFFFFFF0]  }
0x31: {  	s31 =	sand.u32 $0x1, s10;
	v3 =	vld [tilespmem:s15+$0x0];
	s14 =	sadd.s32 $0x0, s13  }
0x32: {  	s12 =	smul.u32 $0x10200, s31;
	v4 =	vld [tilespmem:s15+$0x10];
	[tilespmem:s14+$0x3870 ss:$0x81] =	vst.msk $0xffff, v0  }
0x33: {  	v2 =	vld [tilespmem:s15+$0x20];
	[tilespmem:s14+$0x810 ss:$0x81] =	vst.msk $0xffff, v1  }
0x34: {  	s12 =	sshrl.u32 s12, $0x2;
	v0 =	vld [tilespmem:s15+$0xFFFFFFC0];
	[tilespmem:s14+$0x1020 ss:$0x81] =	vst.msk $0xffff, v5;
	s15 =	sadd.s32 $0x80, s15  }
0x35: {  	s16 =	simm.s32 $0x4;
	s17 =	simm.s32 $0x8;
	s12 =	sor.u32 $0x8000, s12;
	[tilespmem:s14+$0x1830 ss:$0x81] =	vst.msk $0xffff, v6;
	v1 =	vld [tilespmem:s15+$0x30]  }
.LBB1_3:
0x36: {  	p1 =	sne.s32 s17, $0x1FC;
	v5 =	vld [tilespmem:s15+$0xFFFFFFD0];
	[tilespmem:s14+$0x2040 ss:$0x81] =	vst.msk $0xffff, v3  }
0x37: {  	v6 =	vld [tilespmem:s15+$0xFFFFFFE0];
	[tilespmem:s14+$0x2850 ss:$0x81] =	vst.msk $0xffff, v4  }
0x38: {  	s18 =	sshra.s32 s16, $0x2;
	s16 =	smov.u32 s17;
	v7 =	vld [tilespmem:s15+$0xFFFFFFF0];
	[tilespmem:s14+$0x3060 ss:$0x81] =	vst.msk $0xffff, v2  }
.Ltmp3:
0x39: {  	v3 =	vld [tilespmem:s15+$0x0];
	[tilespmem:s14+$0x0 ss:$0x81] =	vst.msk $0xffff, v0;
	s14 =	sadd.s32 s18, s13;
	(pc) =	sbr.rel @p1 .LBB1_3-.Ltmp3, $4  }
0x3a: {  	v4 =	vld [tilespmem:s15+$0x10];
	[tilespmem:s14+$0x3870 ss:$0x81] =	vst.msk $0xffff, v1  }
0x3b: {  	[tilespmem:s14+$0x810 ss:$0x81] =	vst.msk $0xffff, v5;
	v2 =	vld [tilespmem:s15+$0x20]  }
0x3c: {  	v0 =	vld [tilespmem:s15+$0xFFFFFFC0];
	[tilespmem:s14+$0x1020 ss:$0x81] =	vst.msk $0xffff, v6;
	s15 =	sadd.s32 $0x80, s15  }
0x3d: {  	s17 =	sadd.s32 $0x4, s17;
	v1 =	vld [tilespmem:s15+$0x30];
	[tilespmem:s14+$0x1830 ss:$0x81] =	vst.msk $0xffff, v7  }
0x3e: {  	v5 =	vld [tilespmem:s15+$0xFFFFFFD0];
	[tilespmem:s14+$0x2040 ss:$0x81] =	vst.msk $0xffff, v3;
	s17 =	sshll.u32 s11, $0x3  }
0x3f: {  	v58 =	vld [tilespmem:s15+$0xFFFFFFE0];
	[tilespmem:s14+$0x2850 ss:$0x81] =	vst.msk $0xffff, v4;
	s17 =	sand.u32 $0xFFFFFC00, s17  }
0x40: {  	s16 =	sshra.s32 s16, $0x2;
	v59 =	vld [tilespmem:s15+$0xFFFFFFF0];
	[tilespmem:s14+$0x3060 ss:$0x81] =	vst.msk $0xffff, v2;
	s18 =	sshrl.u32 s17, $0x7  }
0x41: {  	v60 =	vld [tilespmem:s15+$0x0];
	s13 =	sadd.s32 s16, s13;
	[tilespmem:s14+$0x0 ss:$0x81] =	vst.msk $0xffff, v0;
	s28 =	smulhi.u32 $0x218A169, s18  }
0x42: {  	v61 =	vld [tilespmem:s15+$0x10];
	[tilespmem:s13+$0x3870 ss:$0x81] =	vst.msk $0xffff, v1  }
0x43: {  	v62 =	vld [tilespmem:s15+$0x20];
	[tilespmem:s13+$0x810 ss:$0x81] =	vst.msk $0xffff, v5;
	s14 =	sshrl.u32 s28, $0x3  }
0x44: {  	v63 =	vld [tilespmem:s15+$0xFFFFFFC0];
	s29 =	sand.u32 $0x7F, s11;
	[tilespmem:s13+$0x1020 ss:$0x81] =	vst.msk $0xffff, v58;
	s30 =	smul.u32 $0x1E880, s14  }
0x45: {  	s11 =	sor.u32 s29, s17;
	[tilespmem:s13+$0x1830 ss:$0x81] =	vst.msk $0xffff, v59  }
.Ltmp4:
0x46: {  	[tilespmem:s13+$0x2040 ss:$0x81] =	vst.msk $0xffff, v60;
	s14 =	sand.u32 $0xF, s14;
	s11 =	ssub.s32 s11, s30;
	(pc) =	sbr.rel .LBB1_5-.Ltmp4, $4  }
0x47: {  	[tilespmem:s13+$0x2850 ss:$0x81] =	vst.msk $0xffff, v61;
	s14 =	smul.u32 $0x3D10, s14;
	s15 =	sshrl.u32 s11, $0x3;
	s11 =	sand.u32 $0x7, s11  }
0x48: {  	[tilespmem:s13+$0x3060 ss:$0x81] =	vst.msk $0xffff, v62;
	s15 =	sadd.s32 s4, s15;
	s11 =	sshll.u32 s11, $0x12  }
0x49: {  	[tilespmem:s13+$0x0 ss:$0x81] =	vst.msk $0xffff, v63;
	s31 =	sadd.s32 s14, s15;
	s11 =	sor.u32 $0x400, s11  }
0x4a: {  	[hbm4b:s31+s11] =	stream.strided.scatter [tilespmem:s12], [sflag:$0x2], $0x4000, s8, s11, $0x20;
	[tilespmem:$0x10100] =	vst v63  }
.LBB1_6:
0x4b: {  	_ =	sfence.sel $0x180000  }
0x4c: {  	s2 =	simm.s32 $0x1;
	[bflag:$0x0] =	sbarrier.arrive $0xFFFF  }
0x4d: {  	s31 =	simm.s32 $0x2;
	[sflag:s2] =	ssyncpa.u1 $0x1  }
0x4e: {  	[sflag:s31] =	ssyncpa.u1 $0x1  }
0x4f: {  	p0 =	sne.s32 s1, $0x0;
	_ =	strace $0x9000005C  }
0x50: {  	s0 =	sadd.s32 @!p0 $0x100000, s0;
	[bflag:$0x2] =	sbarrier.arrive $0xFFFF  }
0x51: {  	[sflag:s0] =	ssyncadd.tile.s32 @!p0 $0x1;
	_ =	shalt  }
.Lfunc_end1:
_tile_overlayer_lowered:
.L_overlay_start_2:
0x52: {  	(tag) =	ssettag $0x2  }
0x53: {  	s0 =	rddreg [dreg:$0x0];
	s2 =	stileid.u32  }
0x54: {  	s1 =	rddreg [dreg:$0x1];
	p0 =	sne.s32 s2, $0x0  }
0x55: {  	s3 =	rddreg [dreg:$0x2];
	[bflag:$0x3] =	sbarrier.arrive $0xFFFF;
	s2 =	simm.s32 @!p0 $0x1C01  }
0x56: {  	[timem:s3], [sflag:s2] =	dma.local @!p0 [hbm:s0], s1  }
0x57: {  	s0 =	simm.s32 @!p0 $0x1  }
0x58: {  	_ =	swait.ge @!p0 [sflag:s0], s1  }
0x59: {  	s1 =	ssub.s32 @!p0 $0x0, s1;
	[sflag:s0] =	ssyncset.done @!p0 $0x0  }
0x5a: {  	[sflag:s0] =	ssyncadd.s32 @!p0 s1  }
0x5b: {  	[bflag:$0x3] =	sbarrier.arrive $0xFFFF  }
0x5c: {  	_ =	shalt  }

</sc_bundles>
